<compile_context>
chip_gen: v7x
topology: tpu7x:2x2x1
jax: 0.10.2.dev20260603
libtpu: 0.0.44.dev20260713+nightly
codegen_flags: <defaults>
</compile_context>

<pallas_src>
import functools

import jax
import jax.numpy as jnp
from jax import lax
from jax.experimental import pallas as pl
from jax.experimental.pallas import tpu as pltpu
from jax.experimental.pallas import tpu_sc as plsc

N = 10000
E = 320000
IN_DIM = 128
OUT_DIM = 32

NW = 32
CHUNK = 128
GRP = 8
NG = 10
C = NG * GRP
EPT = C * CHUNK
EP = EPT * NW
NPAD = 10112
RPT = NPAD // 16
HPT = N // 16
NWIDE = N * OUT_DIM // 128
AWIDE = NPAD * OUT_DIM // 128



def _mlp_body(x_ref, wt_ref, b_ref, a_ref, h_ref):
    xb = x_ref[...]
    h = jnp.dot(xb, wt_ref[...], preferred_element_type=jnp.float32)
    h = h + b_ref[...]
    aa = a_ref[0, 0]
    h = jnp.where(h >= 0.0, h, aa * h)
    ss = jnp.sum(h * h, axis=1, keepdims=True)
    nrm = jnp.sqrt(ss)
    h = h / jnp.maximum(nrm, 1e-12)
    h_ref[...] = h


def _mlp(x, wt, b2, a2):
    return pl.pallas_call(
        _mlp_body,
        in_specs=[
            pl.BlockSpec((N, IN_DIM), lambda: (0, 0)),
            pl.BlockSpec((IN_DIM, OUT_DIM), lambda: (0, 0)),
            pl.BlockSpec((1, OUT_DIM), lambda: (0, 0)),
            pl.BlockSpec(memory_space=pltpu.SMEM),
        ],
        out_specs=pl.BlockSpec((N, OUT_DIM), lambda: (0, 0)),
        out_shape=jax.ShapeDtypeStruct((N, OUT_DIM), jnp.float32),
    )(x, wt, b2, a2)



def _agg_body(src_hbm, dst_hbm, h_hbm, zrows_hbm, zcnt_hbm,
              agg_out, cnt_out,
              sidx_v, didx_v, rows_a, rows_b, ones_v, cntz_v,
              h_sh, agg_sh, cnt_sh, semga, semgb, semsa, semsb):
    cid = lax.axis_index("c")
    sid = lax.axis_index("s")
    wid = cid * 16 + sid

    for k in range(CHUNK // 16):
        ones_v[pl.ds(k * 16, 16)] = jnp.ones((16,), jnp.float32)

    pltpu.sync_copy(h_hbm.at[pl.ds(sid * HPT, HPT)],
                    h_sh.at[pl.ds(sid * HPT, HPT)])
    pltpu.sync_copy(zrows_hbm.at[pl.ds(sid * RPT, RPT)],
                    agg_sh.at[pl.ds(sid * RPT, RPT)])
    pltpu.sync_copy(zcnt_hbm.at[pl.ds(sid * RPT, RPT)], cntz_v)
    pltpu.sync_copy(cntz_v, cnt_sh.at[pl.ds(sid * RPT, RPT)])
    plsc.subcore_barrier()

    pltpu.sync_copy(src_hbm.at[wid], sidx_v)
    pltpu.sync_copy(dst_hbm.at[wid], didx_v)

    def fire_gathers(base, buf, sem):
        for i in range(GRP):
            pltpu.async_copy(h_sh.at[sidx_v.at[base + i]], buf.at[i], sem)

    def drain_gathers(buf, sem):
        for i in range(GRP):
            pltpu.make_async_copy(zrows_hbm.at[pl.ds(0, CHUNK)], buf.at[i],
                                  sem).wait()

    def fire_scatters(base, buf, sem):
        ds = []
        for i in range(GRP):
            ds.append(pltpu.async_copy(buf.at[i], agg_sh.at[didx_v.at[base + i]],
                                       sem, add=True))
            ds.append(pltpu.async_copy(ones_v, cnt_sh.at[didx_v.at[base + i]],
                                       sem, add=True))
        return ds

    fire_gathers(0, rows_a, semga)

    def body(p, carry):
        g0 = 2 * p * GRP
        g1 = g0 + GRP
        g2 = g1 + GRP
        fire_gathers(g1, rows_b, semgb)
        drain_gathers(rows_a, semga)
        sa = fire_scatters(g0, rows_a, semsa)
        drain_gathers(rows_b, semgb)
        for d in sa:
            d.wait()

        @pl.when(p < NG // 2 - 1)
        def _():
            fire_gathers(g2, rows_a, semga)

        sb = fire_scatters(g1, rows_b, semsb)
        for d in sb:
            d.wait()
        return carry

    lax.fori_loop(0, NG // 2, body, 0)
    plsc.subcore_barrier()

    pltpu.sync_copy(agg_sh.at[pl.ds(sid * RPT, RPT)],
                    agg_out.at[cid, pl.ds(sid * RPT, RPT)])
    pltpu.sync_copy(cnt_sh.at[pl.ds(sid * RPT, RPT)], cntz_v)
    pltpu.sync_copy(cntz_v, cnt_out.at[cid, sid, 0])


_agg = functools.partial(
    pl.kernel,
    out_type=[jax.ShapeDtypeStruct((2, NPAD, OUT_DIM), jnp.float32),
              jax.ShapeDtypeStruct((2, 16, 1, RPT), jnp.float32)],
    mesh=plsc.VectorSubcoreMesh(core_axis_name="c", subcore_axis_name="s"),
    scratch_types=[
        pltpu.VMEM((C, CHUNK), jnp.int32),
        pltpu.VMEM((C, CHUNK), jnp.int32),
        pltpu.VMEM((GRP, CHUNK, OUT_DIM), jnp.float32),
        pltpu.VMEM((GRP, CHUNK, OUT_DIM), jnp.float32),
        pltpu.VMEM((CHUNK,), jnp.float32),
        pltpu.VMEM((RPT,), jnp.float32),
        pltpu.VMEM_SHARED((N, OUT_DIM), jnp.float32),
        pltpu.VMEM_SHARED((NPAD, OUT_DIM), jnp.float32),
        pltpu.VMEM_SHARED((NPAD,), jnp.float32),
        pltpu.SemaphoreType.DMA,
        pltpu.SemaphoreType.DMA,
        pltpu.SemaphoreType.DMA,
        pltpu.SemaphoreType.DMA,
    ],
    compiler_params=pltpu.CompilerParams(use_tc_tiling_on_sc=False),
)(_agg_body)



def _comb_body(agg_ref, cexp_ref, out_ref):
    s = agg_ref[0, :NWIDE] + agg_ref[1, :NWIDE]
    c = cexp_ref[0, :NWIDE] + cexp_ref[1, :NWIDE]
    out_ref[...] = s / jnp.maximum(c, 1.0)


def _comb(agg4, cexp4):
    return pl.pallas_call(
        _comb_body,
        in_specs=[
            pl.BlockSpec((2, AWIDE, 128), lambda: (0, 0, 0)),
            pl.BlockSpec((2, AWIDE, 128), lambda: (0, 0, 0)),
        ],
        out_specs=pl.BlockSpec((NWIDE, 128), lambda: (0, 0)),
        out_shape=jax.ShapeDtypeStruct((NWIDE, 128), jnp.float32),
    )(agg4, cexp4)


def kernel(x, edge_index, W, b, a):
    h = _mlp(x, W.T, b.reshape(1, OUT_DIM),
             jnp.asarray(a, jnp.float32).reshape(1, 1))

    pad = EP - E
    padblk = jnp.stack([
        jnp.zeros((pad,), jnp.int32),
        N + (jnp.arange(pad, dtype=jnp.int32) % (NPAD - N)),
    ])
    edges = jnp.concatenate([edge_index, padblk], axis=1)
    srcp = edges[0].reshape(NW, C, CHUNK)
    dstp = edges[1].reshape(NW, C, CHUNK)
    zrows = jnp.zeros((NPAD, OUT_DIM), jnp.float32)
    zcnt = jnp.zeros((NPAD,), jnp.float32)

    agg, cnt = _agg(srcp, dstp, h, zrows, zcnt)
    cexp4 = jnp.broadcast_to(
        cnt.reshape(2, NPAD, 1), (2, NPAD, OUT_DIM)).reshape(2, AWIDE, 128)
    x_neigh = _comb(agg.reshape(2, AWIDE, 128), cexp4).reshape(N, OUT_DIM)
    return (h, x_neigh)

# --- scband reference (transcript-rebuilt; emitter-appended) ---
"""Pipeline reference for scband-contrastive-model-21045339750969 (READ-ONLY COPY).

The authoritative reference and input builder live on the scoring server;
editing this copy changes nothing except your own understanding.
"""

import jax, jax.numpy as jnp
import numpy as np

N = 10000
E = 320000
IN_DIM = 128
OUT_DIM = 32


def setup_inputs(seed: int = 0) -> dict:
    key = jax.random.key(seed)
    k1, k2, k3 = jax.random.split(key, 3)
    x = jax.random.normal(k1, (N, IN_DIM), dtype=jnp.float32)
    edge_index = jax.random.randint(k2, (2, E), 0, N, dtype=jnp.int32)
    # Linear(in_dim, out_dim) params (PyTorch default init scale)
    bound = 1.0 / np.sqrt(IN_DIM)
    W = jax.random.uniform(k3, (OUT_DIM, IN_DIM), minval=-bound, maxval=bound, dtype=jnp.float32)
    b = jnp.zeros((OUT_DIM,), dtype=jnp.float32)
    # PReLU single learnable slope, default 0.25
    a = jnp.asarray(0.25, dtype=jnp.float32)
    return {"x": x, "edge_index": edge_index, "W": W, "b": b, "a": a}


def reference(x, edge_index, W, b, a):
    # MLP: Linear -> PReLU -> L2 normalize (dim=1)
    h = x @ W.T + b
    h = jnp.where(h >= 0, h, a * h)
    norm = jnp.linalg.norm(h, axis=1, keepdims=True)
    h = h / jnp.maximum(norm, 1e-12)
    # MeanAggregator (PyG MessagePassing, aggr='mean', flow source_to_target):
    # messages x_j = h[src] aggregated (mean) at dst
    src = edge_index[0]
    dst = edge_index[1]
    msgs = h[src]
    agg = jnp.zeros((N, OUT_DIM), dtype=h.dtype).at[dst].add(msgs)
    cnt = jnp.zeros((N,), dtype=h.dtype).at[dst].add(1.0)
    x_neigh = agg / jnp.maximum(cnt, 1.0)[:, None]
    return (h, x_neigh)

if __name__ == "__main__":
    import jax
    _d = setup_inputs()
    print(jax.jit(kernel)(*tuple(_d.values())))

</pallas_src>

<mosaic_0001>
#map = affine_map<(d0, d1) -> (0, 0, 0)>
#map1 = affine_map<(d0, d1) -> (0, 0)>
#map2 = affine_map<(d0, d1) -> (0)>
#map3 = affine_map<(d0, d1) -> (0, 0, 0, 0)>
module attributes {stable_mosaic.version = 14 : i64} {
  func.func @_agg_body(%arg0: i32, %arg1: i32, %arg2: memref<32x80x128xi32, #tpu.memory_space<hbm>>, %arg3: memref<32x80x128xi32, #tpu.memory_space<hbm>>, %arg4: memref<10000x32xf32, #tpu.memory_space<hbm>>, %arg5: memref<10112x32xf32, #tpu.memory_space<hbm>>, %arg6: memref<10112xf32, #tpu.memory_space<hbm>>, %arg7: memref<2x10112x32xf32, #tpu.memory_space<hbm>>, %arg8: memref<2x16x1x632xf32, #tpu.memory_space<hbm>>, %arg9: memref<80x128xi32, #tpu.memory_space<vmem>>, %arg10: memref<80x128xi32, #tpu.memory_space<vmem>>, %arg11: memref<8x128x32xf32, #tpu.memory_space<vmem>>, %arg12: memref<8x128x32xf32, #tpu.memory_space<vmem>>, %arg13: memref<128xf32, #tpu.memory_space<vmem>>, %arg14: memref<632xf32, #tpu.memory_space<vmem>>, %arg15: memref<10000x32xf32, #tpu.memory_space<vmem_shared>>, %arg16: memref<10112x32xf32, #tpu.memory_space<vmem_shared>>, %arg17: memref<10112xf32, #tpu.memory_space<vmem_shared>>, %arg18: memref<!tpu.dma_semaphore, #tpu.memory_space<semaphore_mem>>, %arg19: memref<!tpu.dma_semaphore, #tpu.memory_space<semaphore_mem>>, %arg20: memref<!tpu.dma_semaphore, #tpu.memory_space<semaphore_mem>>, %arg21: memref<!tpu.dma_semaphore, #tpu.memory_space<semaphore_mem>>) attributes {dimension_semantics = [#tpu.dimension_semantics<core_parallel>, #tpu.dimension_semantics<subcore_parallel>], iteration_bounds = array<i64: 2, 16>, scalar_prefetch = 0 : i64, scratch_operands = 13 : i64, tpu.core_type = #tpu.core_type<sc_vector_subcore>, window_params = [{transform_indices = #map}, {transform_indices = #map}, {transform_indices = #map1}, {transform_indices = #map1}, {transform_indices = #map2}, {transform_indices = #map}, {transform_indices = #map3}]} {
    %mul3A = arith.constant 16 : i32
    %mul3A_0 = arith.muli %arg0, %mul3A : i32
    %add3A = arith.addi %mul3A_0, %arg1 : i32
    %broadcast_in_dim3A = arith.constant 1.000000e+00 : f32
    %broadcast_in_dim3A_1 = vector.broadcast %broadcast_in_dim3A : f32 to vector<16xf32>
    %swap3A = arith.constant 0 : index
    %swap3A_2 = tpu.vector_load %arg13[%swap3A] {strides = array<i32>} : memref<128xf32, #tpu.memory_space<vmem>>, vector<16xf32>,
    %swap3A_3 = vector.shape_cast %swap3A_2 : vector<16xf32> to vector<16xf32>
    %swap3A_4 = vector.shape_cast %broadcast_in_dim3A_1 : vector<16xf32> to vector<16xf32>
    tpu.vector_store %arg13[%swap3A], %swap3A_4 {strides = array<i32>} : memref<128xf32, #tpu.memory_space<vmem>>, vector<16xf32>,
    %broadcast_in_dim3A_5 = arith.constant 1.000000e+00 : f32
    %broadcast_in_dim3A_6 = vector.broadcast %broadcast_in_dim3A_5 : f32 to vector<16xf32>
    %swap3A_7 = arith.constant 16 : index
    %swap3A_8 = tpu.vector_load %arg13[%swap3A_7] {strides = array<i32>} : memref<128xf32, #tpu.memory_space<vmem>>, vector<16xf32>,
    %swap3A_9 = vector.shape_cast %swap3A_8 : vector<16xf32> to vector<16xf32>
    %swap3A_10 = vector.shape_cast %broadcast_in_dim3A_6 : vector<16xf32> to vector<16xf32>
    tpu.vector_store %arg13[%swap3A_7], %swap3A_10 {strides = array<i32>} : memref<128xf32, #tpu.memory_space<vmem>>, vector<16xf32>,
    %broadcast_in_dim3A_11 = arith.constant 1.000000e+00 : f32
    %broadcast_in_dim3A_12 = vector.broadcast %broadcast_in_dim3A_11 : f32 to vector<16xf32>
    %swap3A_13 = arith.constant 32 : index
    %swap3A_14 = tpu.vector_load %arg13[%swap3A_13] {strides = array<i32>} : memref<128xf32, #tpu.memory_space<vmem>>, vector<16xf32>,
    %swap3A_15 = vector.shape_cast %swap3A_14 : vector<16xf32> to vector<16xf32>
    %swap3A_16 = vector.shape_cast %broadcast_in_dim3A_12 : vector<16xf32> to vector<16xf32>
    tpu.vector_store %arg13[%swap3A_13], %swap3A_16 {strides = array<i32>} : memref<128xf32, #tpu.memory_space<vmem>>, vector<16xf32>,
    %broadcast_in_dim3A_17 = arith.constant 1.000000e+00 : f32
    %broadcast_in_dim3A_18 = vector.broadcast %broadcast_in_dim3A_17 : f32 to vector<16xf32>
    %swap3A_19 = arith.constant 48 : index
    %swap3A_20 = tpu.vector_load %arg13[%swap3A_19] {strides = array<i32>} : memref<128xf32, #tpu.memory_space<vmem>>, vector<16xf32>,
    %swap3A_21 = vector.shape_cast %swap3A_20 : vector<16xf32> to vector<16xf32>
    %swap3A_22 = vector.shape_cast %broadcast_in_dim3A_18 : vector<16xf32> to vector<16xf32>
    tpu.vector_store %arg13[%swap3A_19], %swap3A_22 {strides = array<i32>} : memref<128xf32, #tpu.memory_space<vmem>>, vector<16xf32>,
    %broadcast_in_dim3A_23 = arith.constant 1.000000e+00 : f32
    %broadcast_in_dim3A_24 = vector.broadcast %broadcast_in_dim3A_23 : f32 to vector<16xf32>
    %swap3A_25 = arith.constant 64 : index
    %swap3A_26 = tpu.vector_load %arg13[%swap3A_25] {strides = array<i32>} : memref<128xf32, #tpu.memory_space<vmem>>, vector<16xf32>,
    %swap3A_27 = vector.shape_cast %swap3A_26 : vector<16xf32> to vector<16xf32>
    %swap3A_28 = vector.shape_cast %broadcast_in_dim3A_24 : vector<16xf32> to vector<16xf32>
    tpu.vector_store %arg13[%swap3A_25], %swap3A_28 {strides = array<i32>} : memref<128xf32, #tpu.memory_space<vmem>>, vector<16xf32>,
    %broadcast_in_dim3A_29 = arith.constant 1.000000e+00 : f32
    %broadcast_in_dim3A_30 = vector.broadcast %broadcast_in_dim3A_29 : f32 to vector<16xf32>
    %swap3A_31 = arith.constant 80 : index
    %swap3A_32 = tpu.vector_load %arg13[%swap3A_31] {strides = array<i32>} : memref<128xf32, #tpu.memory_space<vmem>>, vector<16xf32>,
    %swap3A_33 = vector.shape_cast %swap3A_32 : vector<16xf32> to vector<16xf32>
    %swap3A_34 = vector.shape_cast %broadcast_in_dim3A_30 : vector<16xf32> to vector<16xf32>
    tpu.vector_store %arg13[%swap3A_31], %swap3A_34 {strides = array<i32>} : memref<128xf32, #tpu.memory_space<vmem>>, vector<16xf32>,
    %broadcast_in_dim3A_35 = arith.constant 1.000000e+00 : f32
    %broadcast_in_dim3A_36 = vector.broadcast %broadcast_in_dim3A_35 : f32 to vector<16xf32>
    %swap3A_37 = arith.constant 96 : index
    %swap3A_38 = tpu.vector_load %arg13[%swap3A_37] {strides = array<i32>} : memref<128xf32, #tpu.memory_space<vmem>>, vector<16xf32>,
    %swap3A_39 = vector.shape_cast %swap3A_38 : vector<16xf32> to vector<16xf32>
    %swap3A_40 = vector.shape_cast %broadcast_in_dim3A_36 : vector<16xf32> to vector<16xf32>
    tpu.vector_store %arg13[%swap3A_37], %swap3A_40 {strides = array<i32>} : memref<128xf32, #tpu.memory_space<vmem>>, vector<16xf32>,
    %broadcast_in_dim3A_41 = arith.constant 1.000000e+00 : f32
    %broadcast_in_dim3A_42 = vector.broadcast %broadcast_in_dim3A_41 : f32 to vector<16xf32>
    %swap3A_43 = arith.constant 112 : index
    %swap3A_44 = tpu.vector_load %arg13[%swap3A_43] {strides = array<i32>} : memref<128xf32, #tpu.memory_space<vmem>>, vector<16xf32>,
    %swap3A_45 = vector.shape_cast %swap3A_44 : vector<16xf32> to vector<16xf32>
    %swap3A_46 = vector.shape_cast %broadcast_in_dim3A_42 : vector<16xf32> to vector<16xf32>
    tpu.vector_store %arg13[%swap3A_43], %swap3A_46 {strides = array<i32>} : memref<128xf32, #tpu.memory_space<vmem>>, vector<16xf32>,
    %mul3A_47 = arith.constant 625 : i32
    %mul3A_48 = arith.muli %arg1, %mul3A_47 : i32
    %mul3A_49 = arith.constant 625 : i32
    %mul3A_50 = arith.muli %arg1, %mul3A_49 : i32
    "tpu.region"() ({
      %run_scoped3A_166 = tpu.sem_alloc : memref<!tpu.dma_semaphore, #tpu.memory_space<semaphore_mem>>
      %dma_start3A_167 = arith.constant 0 : i32
      %dma_start3A_168 = tpu.memref_slice %arg15[%mul3A_50, %dma_start3A_167] : memref<10000x32xf32, #tpu.memory_space<vmem_shared>> -> memref<625x32xf32, #tpu.memory_space<vmem_shared>>
      %dma_start3A_169 = arith.constant 0 : i32
      %dma_start3A_170 = tpu.memref_slice %arg4[%mul3A_48, %dma_start3A_169] : memref<10000x32xf32, #tpu.memory_space<hbm>> -> memref<625x32xf32, #tpu.memory_space<hbm>>
      tpu.enqueue_dma source(%dma_start3A_170 : memref<625x32xf32, #tpu.memory_space<hbm>>) target(%dma_start3A_168 : memref<625x32xf32, #tpu.memory_space<vmem_shared>>) target_semaphore(%run_scoped3A_166 : memref<!tpu.dma_semaphore, #tpu.memory_space<semaphore_mem>>)
      %dma_wait3A = arith.constant 0 : i32
      %dma_wait3A_171 = tpu.memref_slice %arg15[%mul3A_50, %dma_wait3A] : memref<10000x32xf32, #tpu.memory_space<vmem_shared>> -> memref<625x32xf32, #tpu.memory_space<vmem_shared>>
      %dma_wait3A_172 = arith.constant 0 : i32
      %dma_wait3A_173 = tpu.memref_slice %arg4[%mul3A_48, %dma_wait3A_172] : memref<10000x32xf32, #tpu.memory_space<hbm>> -> memref<625x32xf32, #tpu.memory_space<hbm>>
      tpu.wait_dma2 semaphore(%run_scoped3A_166 : memref<!tpu.dma_semaphore, #tpu.memory_space<semaphore_mem>>) src(%dma_wait3A_173 : memref<625x32xf32, #tpu.memory_space<hbm>>) dst(%dma_wait3A_171 : memref<625x32xf32, #tpu.memory_space<vmem_shared>>)
      tpu.yield
    }) : () -> ()
    %mul3A_51 = arith.constant 632 : i32
    %mul3A_52 = arith.muli %arg1, %mul3A_51 : i32
    %mul3A_53 = arith.constant 632 : i32
    %mul3A_54 = arith.muli %arg1, %mul3A_53 : i32
    "tpu.region"() ({
      %run_scoped3A_166 = tpu.sem_alloc : memref<!tpu.dma_semaphore, #tpu.memory_space<semaphore_mem>>
      %dma_start3A_167 = arith.constant 0 : i32
      %dma_start3A_168 = tpu.memref_slice %arg16[%mul3A_54, %dma_start3A_167] : memref<10112x32xf32, #tpu.memory_space<vmem_shared>> -> memref<632x32xf32, #tpu.memory_space<vmem_shared>>
      %dma_start3A_169 = arith.constant 0 : i32
      %dma_start3A_170 = tpu.memref_slice %arg5[%mul3A_52, %dma_start3A_169] : memref<10112x32xf32, #tpu.memory_space<hbm>> -> memref<632x32xf32, #tpu.memory_space<hbm>>
      tpu.enqueue_dma source(%dma_start3A_170 : memref<632x32xf32, #tpu.memory_space<hbm>>) target(%dma_start3A_168 : memref<632x32xf32, #tpu.memory_space<vmem_shared>>) target_semaphore(%run_scoped3A_166 : memref<!tpu.dma_semaphore, #tpu.memory_space<semaphore_mem>>)
      %dma_wait3A = arith.constant 0 : i32
      %dma_wait3A_171 = tpu.memref_slice %arg16[%mul3A_54, %dma_wait3A] : memref<10112x32xf32, #tpu.memory_space<vmem_shared>> -> memref<632x32xf32, #tpu.memory_space<vmem_shared>>
      %dma_wait3A_172 = arith.constant 0 : i32
      %dma_wait3A_173 = tpu.memref_slice %arg5[%mul3A_52, %dma_wait3A_172] : memref<10112x32xf32, #tpu.memory_space<hbm>> -> memref<632x32xf32, #tpu.memory_space<hbm>>
      tpu.wait_dma2 semaphore(%run_scoped3A_166 : memref<!tpu.dma_semaphore, #tpu.memory_space<semaphore_mem>>) src(%dma_wait3A_173 : memref<632x32xf32, #tpu.memory_space<hbm>>) dst(%dma_wait3A_171 : memref<632x32xf32, #tpu.memory_space<vmem_shared>>)
      tpu.yield
    }) : () -> ()
    %mul3A_55 = arith.constant 632 : i32
    %mul3A_56 = arith.muli %arg1, %mul3A_55 : i32
    "tpu.region"() ({
      %run_scoped3A_166 = tpu.sem_alloc : memref<!tpu.dma_semaphore, #tpu.memory_space<semaphore_mem>>
      %dma_start3A_167 = tpu.memref_slice %arg6[%mul3A_56] : memref<10112xf32, #tpu.memory_space<hbm>> -> memref<632xf32, #tpu.memory_space<hbm>>
      %dma_start3A_168 = tpu.memref_slice %arg6[%mul3A_56] : memref<10112xf32, #tpu.memory_space<hbm>> -> memref<632xf32, #tpu.memory_space<hbm>>
      tpu.enqueue_dma source(%dma_start3A_168 : memref<632xf32, #tpu.memory_space<hbm>>) target(%arg14 : memref<632xf32, #tpu.memory_space<vmem>>) target_semaphore(%run_scoped3A_166 : memref<!tpu.dma_semaphore, #tpu.memory_space<semaphore_mem>>)
      %dma_wait3A = tpu.memref_slice %arg6[%mul3A_56] : memref<10112xf32, #tpu.memory_space<hbm>> -> memref<632xf32, #tpu.memory_space<hbm>>
      %dma_wait3A_169 = tpu.memref_slice %arg6[%mul3A_56] : memref<10112xf32, #tpu.memory_space<hbm>> -> memref<632xf32, #tpu.memory_space<hbm>>
      tpu.wait_dma2 semaphore(%run_scoped3A_166 : memref<!tpu.dma_semaphore, #tpu.memory_space<semaphore_mem>>) src(%dma_wait3A_169 : memref<632xf32, #tpu.memory_space<hbm>>) dst(%arg14 : memref<632xf32, #tpu.memory_space<vmem>>)
      tpu.yield
    }) : () -> ()
    %mul3A_57 = arith.constant 632 : i32
    %mul3A_58 = arith.muli %arg1, %mul3A_57 : i32
    "tpu.region"() ({
      %run_scoped3A_166 = tpu.sem_alloc : memref<!tpu.dma_semaphore, #tpu.memory_space<semaphore_mem>>
      %dma_start3A_167 = tpu.memref_slice %arg17[%mul3A_58] : memref<10112xf32, #tpu.memory_space<vmem_shared>> -> memref<632xf32, #tpu.memory_space<vmem_shared>>
      %dma_start3A_168 = tpu.memref_slice %arg17[%mul3A_58] : memref<10112xf32, #tpu.memory_space<vmem_shared>> -> memref<632xf32, #tpu.memory_space<vmem_shared>>
      tpu.enqueue_dma source(%arg14 : memref<632xf32, #tpu.memory_space<vmem>>) target(%dma_start3A_168 : memref<632xf32, #tpu.memory_space<vmem_shared>>) target_semaphore(%run_scoped3A_166 : memref<!tpu.dma_semaphore, #tpu.memory_space<semaphore_mem>>)
      %dma_wait3A = tpu.memref_slice %arg17[%mul3A_58] : memref<10112xf32, #tpu.memory_space<vmem_shared>> -> memref<632xf32, #tpu.memory_space<vmem_shared>>
      %dma_wait3A_169 = tpu.memref_slice %arg17[%mul3A_58] : memref<10112xf32, #tpu.memory_space<vmem_shared>> -> memref<632xf32, #tpu.memory_space<vmem_shared>>
      tpu.wait_dma2 semaphore(%run_scoped3A_166 : memref<!tpu.dma_semaphore, #tpu.memory_space<semaphore_mem>>) src(%arg14 : memref<632xf32, #tpu.memory_space<vmem>>) dst(%dma_wait3A_169 : memref<632xf32, #tpu.memory_space<vmem_shared>>)
      tpu.yield
    }) : () -> ()
    %barrier3A = arith.constant 0 : index
    tpu.barrier barrier_id(%barrier3A)
    "tpu.region"() ({
      %run_scoped3A_166 = tpu.sem_alloc : memref<!tpu.dma_semaphore, #tpu.memory_space<semaphore_mem>>
      %dma_start3A_167 = arith.constant 0 : i32
      %dma_start3A_168 = arith.constant 0 : i32
      %dma_start3A_169 = tpu.memref_slice %arg2[%add3A, %dma_start3A_167, %dma_start3A_168] : memref<32x80x128xi32, #tpu.memory_space<hbm>> -> memref<1x80x128xi32, #tpu.memory_space<hbm>>
      %dma_start3A_170 = tpu.memref_squeeze %dma_start3A_169 : memref<1x80x128xi32, #tpu.memory_space<hbm>> -> memref<80x128xi32, #tpu.memory_space<hbm>>
      %dma_start3A_171 = arith.constant 0 : i32
      %dma_start3A_172 = arith.constant 0 : i32
      %dma_start3A_173 = tpu.memref_slice %arg2[%add3A, %dma_start3A_171, %dma_start3A_172] : memref<32x80x128xi32, #tpu.memory_space<hbm>> -> memref<1x80x128xi32, #tpu.memory_space<hbm>>
      %dma_start3A_174 = tpu.memref_squeeze %dma_start3A_173 : memref<1x80x128xi32, #tpu.memory_space<hbm>> -> memref<80x128xi32, #tpu.memory_space<hbm>>
      tpu.enqueue_dma source(%dma_start3A_174 : memref<80x128xi32, #tpu.memory_space<hbm>>) target(%arg9 : memref<80x128xi32, #tpu.memory_space<vmem>>) target_semaphore(%run_scoped3A_166 : memref<!tpu.dma_semaphore, #tpu.memory_space<semaphore_mem>>)
      %dma_wait3A = arith.constant 0 : i32
      %dma_wait3A_175 = arith.constant 0 : i32
      %dma_wait3A_176 = tpu.memref_slice %arg2[%add3A, %dma_wait3A, %dma_wait3A_175] : memref<32x80x128xi32, #tpu.memory_space<hbm>> -> memref<1x80x128xi32, #tpu.memory_space<hbm>>
      %dma_wait3A_177 = tpu.memref_squeeze %dma_wait3A_176 : memref<1x80x128xi32, #tpu.memory_space<hbm>> -> memref<80x128xi32, #tpu.memory_space<hbm>>
      %dma_wait3A_178 = arith.constant 0 : i32
      %dma_wait3A_179 = arith.constant 0 : i32
      %dma_wait3A_180 = tpu.memref_slice %arg2[%add3A, %dma_wait3A_178, %dma_wait3A_179] : memref<32x80x128xi32, #tpu.memory_space<hbm>> -> memref<1x80x128xi32, #tpu.memory_space<hbm>>
      %dma_wait3A_181 = tpu.memref_squeeze %dma_wait3A_180 : memref<1x80x128xi32, #tpu.memory_space<hbm>> -> memref<80x128xi32, #tpu.memory_space<hbm>>
      tpu.wait_dma2 semaphore(%run_scoped3A_166 : memref<!tpu.dma_semaphore, #tpu.memory_space<semaphore_mem>>) src(%dma_wait3A_181 : memref<80x128xi32, #tpu.memory_space<hbm>>) dst(%arg9 : memref<80x128xi32, #tpu.memory_space<vmem>>)
      tpu.yield
    }) : () -> ()
    "tpu.region"() ({
      %run_scoped3A_166 = tpu.sem_alloc : memref<!tpu.dma_semaphore, #tpu.memory_space<semaphore_mem>>
      %dma_start3A_167 = arith.constant 0 : i32
      %dma_start3A_168 = arith.constant 0 : i32
      %dma_start3A_169 = tpu.memref_slice %arg3[%add3A, %dma_start3A_167, %dma_start3A_168] : memref<32x80x128xi32, #tpu.memory_space<hbm>> -> memref<1x80x128xi32, #tpu.memory_space<hbm>>
      %dma_start3A_170 = tpu.memref_squeeze %dma_start3A_169 : memref<1x80x128xi32, #tpu.memory_space<hbm>> -> memref<80x128xi32, #tpu.memory_space<hbm>>
      %dma_start3A_171 = arith.constant 0 : i32
      %dma_start3A_172 = arith.constant 0 : i32
      %dma_start3A_173 = tpu.memref_slice %arg3[%add3A, %dma_start3A_171, %dma_start3A_172] : memref<32x80x128xi32, #tpu.memory_space<hbm>> -> memref<1x80x128xi32, #tpu.memory_space<hbm>>
      %dma_start3A_174 = tpu.memref_squeeze %dma_start3A_173 : memref<1x80x128xi32, #tpu.memory_space<hbm>> -> memref<80x128xi32, #tpu.memory_space<hbm>>
      tpu.enqueue_dma source(%dma_start3A_174 : memref<80x128xi32, #tpu.memory_space<hbm>>) target(%arg10 : memref<80x128xi32, #tpu.memory_space<vmem>>) target_semaphore(%run_scoped3A_166 : memref<!tpu.dma_semaphore, #tpu.memory_space<semaphore_mem>>)
      %dma_wait3A = arith.constant 0 : i32
      %dma_wait3A_175 = arith.constant 0 : i32
      %dma_wait3A_176 = tpu.memref_slice %arg3[%add3A, %dma_wait3A, %dma_wait3A_175] : memref<32x80x128xi32, #tpu.memory_space<hbm>> -> memref<1x80x128xi32, #tpu.memory_space<hbm>>
      %dma_wait3A_177 = tpu.memref_squeeze %dma_wait3A_176 : memref<1x80x128xi32, #tpu.memory_space<hbm>> -> memref<80x128xi32, #tpu.memory_space<hbm>>
      %dma_wait3A_178 = arith.constant 0 : i32
      %dma_wait3A_179 = arith.constant 0 : i32
      %dma_wait3A_180 = tpu.memref_slice %arg3[%add3A, %dma_wait3A_178, %dma_wait3A_179] : memref<32x80x128xi32, #tpu.memory_space<hbm>> -> memref<1x80x128xi32, #tpu.memory_space<hbm>>
      %dma_wait3A_181 = tpu.memref_squeeze %dma_wait3A_180 : memref<1x80x128xi32, #tpu.memory_space<hbm>> -> memref<80x128xi32, #tpu.memory_space<hbm>>
      tpu.wait_dma2 semaphore(%run_scoped3A_166 : memref<!tpu.dma_semaphore, #tpu.memory_space<semaphore_mem>>) src(%dma_wait3A_181 : memref<80x128xi32, #tpu.memory_space<hbm>>) dst(%arg10 : memref<80x128xi32, #tpu.memory_space<vmem>>)
      tpu.yield
    }) : () -> ()
    %dma_start3A = arith.constant 0 : i32
    %dma_start3A_59 = arith.constant 0 : i32
    %dma_start3A_60 = arith.constant 0 : i32
    %dma_start3A_61 = arith.constant 0 : i32
    %dma_start3A_62 = tpu.memref_slice %arg11[%dma_start3A_59, %dma_start3A_60, %dma_start3A_61] : memref<8x128x32xf32, #tpu.memory_space<vmem>> -> memref<1x128x32xf32, #tpu.memory_space<vmem>>
    %dma_start3A_63 = tpu.memref_squeeze %dma_start3A_62 : memref<1x128x32xf32, #tpu.memory_space<vmem>> -> memref<128x32xf32, #tpu.memory_space<vmem>>
    %dma_start3A_64 = arith.constant 0 : i32
    %dma_start3A_65 = tpu.memref_slice %arg9[%dma_start3A, %dma_start3A_64] : memref<80x128xi32, #tpu.memory_space<vmem>> -> memref<1x128xi32, #tpu.memory_space<vmem>>
    %dma_start3A_66 = tpu.memref_squeeze %dma_start3A_65 : memref<1x128xi32, #tpu.memory_space<vmem>> -> memref<128xi32, #tpu.memory_space<vmem>>
    %dma_start3A_67 = arith.constant 0 : i32
    %dma_start3A_68 = arith.constant 0 : i32
    %dma_start3A_69 = tpu.memref_slice %arg15[%dma_start3A_67, %dma_start3A_68] : memref<10000x32xf32, #tpu.memory_space<vmem_shared>> -> memref<10000x32xf32, #tpu.memory_space<vmem_shared>>
    tpu.enqueue_indirect_dma source(%dma_start3A_69 : memref<10000x32xf32, #tpu.memory_space<vmem_shared>>) target(%dma_start3A_63 : memref<128x32xf32, #tpu.memory_space<vmem>>) offsets(%dma_start3A_66 : memref<128xi32, #tpu.memory_space<vmem>>) semaphore(%arg18 : memref<!tpu.dma_semaphore, #tpu.memory_space<semaphore_mem>>)
    %dma_start3A_70 = arith.constant 1 : i32
    %dma_start3A_71 = arith.constant 1 : i32
    %dma_start3A_72 = arith.constant 0 : i32
    %dma_start3A_73 = arith.constant 0 : i32
    %dma_start3A_74 = tpu.memref_slice %arg11[%dma_start3A_71, %dma_start3A_72, %dma_start3A_73] : memref<8x128x32xf32, #tpu.memory_space<vmem>> -> memref<1x128x32xf32, #tpu.memory_space<vmem>>
    %dma_start3A_75 = tpu.memref_squeeze %dma_start3A_74 : memref<1x128x32xf32, #tpu.memory_space<vmem>> -> memref<128x32xf32, #tpu.memory_space<vmem>>
    %dma_start3A_76 = arith.constant 0 : i32
    %dma_start3A_77 = tpu.memref_slice %arg9[%dma_start3A_70, %dma_start3A_76] : memref<80x128xi32, #tpu.memory_space<vmem>> -> memref<1x128xi32, #tpu.memory_space<vmem>>
    %dma_start3A_78 = tpu.memref_squeeze %dma_start3A_77 : memref<1x128xi32, #tpu.memory_space<vmem>> -> memref<128xi32, #tpu.memory_space<vmem>>
    %dma_start3A_79 = arith.constant 0 : i32
    %dma_start3A_80 = arith.constant 0 : i32
    %dma_start3A_81 = tpu.memref_slice %arg15[%dma_start3A_79, %dma_start3A_80] : memref<10000x32xf32, #tpu.memory_space<vmem_shared>> -> memref<10000x32xf32, #tpu.memory_space<vmem_shared>>
    tpu.enqueue_indirect_dma source(%dma_start3A_81 : memref<10000x32xf32, #tpu.memory_space<vmem_shared>>) target(%dma_start3A_75 : memref<128x32xf32, #tpu.memory_space<vmem>>) offsets(%dma_start3A_78 : memref<128xi32, #tpu.memory_space<vmem>>) semaphore(%arg18 : memref<!tpu.dma_semaphore, #tpu.memory_space<semaphore_mem>>)
    %dma_start3A_82 = arith.constant 2 : i32
    %dma_start3A_83 = arith.constant 2 : i32
    %dma_start3A_84 = arith.constant 0 : i32
    %dma_start3A_85 = arith.constant 0 : i32
    %dma_start3A_86 = tpu.memref_slice %arg11[%dma_start3A_83, %dma_start3A_84, %dma_start3A_85] : memref<8x128x32xf32, #tpu.memory_space<vmem>> -> memref<1x128x32xf32, #tpu.memory_space<vmem>>
    %dma_start3A_87 = tpu.memref_squeeze %dma_start3A_86 : memref<1x128x32xf32, #tpu.memory_space<vmem>> -> memref<128x32xf32, #tpu.memory_space<vmem>>
    %dma_start3A_88 = arith.constant 0 : i32
    %dma_start3A_89 = tpu.memref_slice %arg9[%dma_start3A_82, %dma_start3A_88] : memref<80x128xi32, #tpu.memory_space<vmem>> -> memref<1x128xi32, #tpu.memory_space<vmem>>
    %dma_start3A_90 = tpu.memref_squeeze %dma_start3A_89 : memref<1x128xi32, #tpu.memory_space<vmem>> -> memref<128xi32, #tpu.memory_space<vmem>>
    %dma_start3A_91 = arith.constant 0 : i32
    %dma_start3A_92 = arith.constant 0 : i32
    %dma_start3A_93 = tpu.memref_slice %arg15[%dma_start3A_91, %dma_start3A_92] : memref<10000x32xf32, #tpu.memory_space<vmem_shared>> -> memref<10000x32xf32, #tpu.memory_space<vmem_shared>>
    tpu.enqueue_indirect_dma source(%dma_start3A_93 : memref<10000x32xf32, #tpu.memory_space<vmem_shared>>) target(%dma_start3A_87 : memref<128x32xf32, #tpu.memory_space<vmem>>) offsets(%dma_start3A_90 : memref<128xi32, #tpu.memory_space<vmem>>) semaphore(%arg18 : memref<!tpu.dma_semaphore, #tpu.memory_space<semaphore_mem>>)
    %dma_start3A_94 = arith.constant 3 : i32
    %dma_start3A_95 = arith.constant 3 : i32
    %dma_start3A_96 = arith.constant 0 : i32
    %dma_start3A_97 = arith.constant 0 : i32
    %dma_start3A_98 = tpu.memref_slice %arg11[%dma_start3A_95, %dma_start3A_96, %dma_start3A_97] : memref<8x128x32xf32, #tpu.memory_space<vmem>> -> memref<1x128x32xf32, #tpu.memory_space<vmem>>
    %dma_start3A_99 = tpu.memref_squeeze %dma_start3A_98 : memref<1x128x32xf32, #tpu.memory_space<vmem>> -> memref<128x32xf32, #tpu.memory_space<vmem>>
    %dma_start3A_100 = arith.constant 0 : i32
    %dma_start3A_101 = tpu.memref_slice %arg9[%dma_start3A_94, %dma_start3A_100] : memref<80x128xi32, #tpu.memory_space<vmem>> -> memref<1x128xi32, #tpu.memory_space<vmem>>
    %dma_start3A_102 = tpu.memref_squeeze %dma_start3A_101 : memref<1x128xi32, #tpu.memory_space<vmem>> -> memref<128xi32, #tpu.memory_space<vmem>>
    %dma_start3A_103 = arith.constant 0 : i32
    %dma_start3A_104 = arith.constant 0 : i32
    %dma_start3A_105 = tpu.memref_slice %arg15[%dma_start3A_103, %dma_start3A_104] : memref<10000x32xf32, #tpu.memory_space<vmem_shared>> -> memref<10000x32xf32, #tpu.memory_space<vmem_shared>>
    tpu.enqueue_indirect_dma source(%dma_start3A_105 : memref<10000x32xf32, #tpu.memory_space<vmem_shared>>) target(%dma_start3A_99 : memref<128x32xf32, #tpu.memory_space<vmem>>) offsets(%dma_start3A_102 : memref<128xi32, #tpu.memory_space<vmem>>) semaphore(%arg18 : memref<!tpu.dma_semaphore, #tpu.memory_space<semaphore_mem>>)
    %dma_start3A_106 = arith.constant 4 : i32
    %dma_start3A_107 = arith.constant 4 : i32
    %dma_start3A_108 = arith.constant 0 : i32
    %dma_start3A_109 = arith.constant 0 : i32
    %dma_start3A_110 = tpu.memref_slice %arg11[%dma_start3A_107, %dma_start3A_108, %dma_start3A_109] : memref<8x128x32xf32, #tpu.memory_space<vmem>> -> memref<1x128x32xf32, #tpu.memory_space<vmem>>
    %dma_start3A_111 = tpu.memref_squeeze %dma_start3A_110 : memref<1x128x32xf32, #tpu.memory_space<vmem>> -> memref<128x32xf32, #tpu.memory_space<vmem>>
    %dma_start3A_112 = arith.constant 0 : i32
    %dma_start3A_113 = tpu.memref_slice %arg9[%dma_start3A_106, %dma_start3A_112] : memref<80x128xi32, #tpu.memory_space<vmem>> -> memref<1x128xi32, #tpu.memory_space<vmem>>
    %dma_start3A_114 = tpu.memref_squeeze %dma_start3A_113 : memref<1x128xi32, #tpu.memory_space<vmem>> -> memref<128xi32, #tpu.memory_space<vmem>>
    %dma_start3A_115 = arith.constant 0 : i32
    %dma_start3A_116 = arith.constant 0 : i32
    %dma_start3A_117 = tpu.memref_slice %arg15[%dma_start3A_115, %dma_start3A_116] : memref<10000x32xf32, #tpu.memory_space<vmem_shared>> -> memref<10000x32xf32, #tpu.memory_space<vmem_shared>>
    tpu.enqueue_indirect_dma source(%dma_start3A_117 : memref<10000x32xf32, #tpu.memory_space<vmem_shared>>) target(%dma_start3A_111 : memref<128x32xf32, #tpu.memory_space<vmem>>) offsets(%dma_start3A_114 : memref<128xi32, #tpu.memory_space<vmem>>) semaphore(%arg18 : memref<!tpu.dma_semaphore, #tpu.memory_space<semaphore_mem>>)
    %dma_start3A_118 = arith.constant 5 : i32
    %dma_start3A_119 = arith.constant 5 : i32
    %dma_start3A_120 = arith.constant 0 : i32
    %dma_start3A_121 = arith.constant 0 : i32
    %dma_start3A_122 = tpu.memref_slice %arg11[%dma_start3A_119, %dma_start3A_120, %dma_start3A_121] : memref<8x128x32xf32, #tpu.memory_space<vmem>> -> memref<1x128x32xf32, #tpu.memory_space<vmem>>
    %dma_start3A_123 = tpu.memref_squeeze %dma_start3A_122 : memref<1x128x32xf32, #tpu.memory_space<vmem>> -> memref<128x32xf32, #tpu.memory_space<vmem>>
    %dma_start3A_124 = arith.constant 0 : i32
    %dma_start3A_125 = tpu.memref_slice %arg9[%dma_start3A_118, %dma_start3A_124] : memref<80x128xi32, #tpu.memory_space<vmem>> -> memref<1x128xi32, #tpu.memory_space<vmem>>
    %dma_start3A_126 = tpu.memref_squeeze %dma_start3A_125 : memref<1x128xi32, #tpu.memory_space<vmem>> -> memref<128xi32, #tpu.memory_space<vmem>>
    %dma_start3A_127 = arith.constant 0 : i32
    %dma_start3A_128 = arith.constant 0 : i32
    %dma_start3A_129 = tpu.memref_slice %arg15[%dma_start3A_127, %dma_start3A_128] : memref<10000x32xf32, #tpu.memory_space<vmem_shared>> -> memref<10000x32xf32, #tpu.memory_space<vmem_shared>>
    tpu.enqueue_indirect_dma source(%dma_start3A_129 : memref<10000x32xf32, #tpu.memory_space<vmem_shared>>) target(%dma_start3A_123 : memref<128x32xf32, #tpu.memory_space<vmem>>) offsets(%dma_start3A_126 : memref<128xi32, #tpu.memory_space<vmem>>) semaphore(%arg18 : memref<!tpu.dma_semaphore, #tpu.memory_space<semaphore_mem>>)
    %dma_start3A_130 = arith.constant 6 : i32
    %dma_start3A_131 = arith.constant 6 : i32
    %dma_start3A_132 = arith.constant 0 : i32
    %dma_start3A_133 = arith.constant 0 : i32
    %dma_start3A_134 = tpu.memref_slice %arg11[%dma_start3A_131, %dma_start3A_132, %dma_start3A_133] : memref<8x128x32xf32, #tpu.memory_space<vmem>> -> memref<1x128x32xf32, #tpu.memory_space<vmem>>
    %dma_start3A_135 = tpu.memref_squeeze %dma_start3A_134 : memref<1x128x32xf32, #tpu.memory_space<vmem>> -> memref<128x32xf32, #tpu.memory_space<vmem>>
    %dma_start3A_136 = arith.constant 0 : i32
    %dma_start3A_137 = tpu.memref_slice %arg9[%dma_start3A_130, %dma_start3A_136] : memref<80x128xi32, #tpu.memory_space<vmem>> -> memref<1x128xi32, #tpu.memory_space<vmem>>
    %dma_start3A_138 = tpu.memref_squeeze %dma_start3A_137 : memref<1x128xi32, #tpu.memory_space<vmem>> -> memref<128xi32, #tpu.memory_space<vmem>>
    %dma_start3A_139 = arith.constant 0 : i32
    %dma_start3A_140 = arith.constant 0 : i32
    %dma_start3A_141 = tpu.memref_slice %arg15[%dma_start3A_139, %dma_start3A_140] : memref<10000x32xf32, #tpu.memory_space<vmem_shared>> -> memref<10000x32xf32, #tpu.memory_space<vmem_shared>>
    tpu.enqueue_indirect_dma source(%dma_start3A_141 : memref<10000x32xf32, #tpu.memory_space<vmem_shared>>) target(%dma_start3A_135 : memref<128x32xf32, #tpu.memory_space<vmem>>) offsets(%dma_start3A_138 : memref<128xi32, #tpu.memory_space<vmem>>) semaphore(%arg18 : memref<!tpu.dma_semaphore, #tpu.memory_space<semaphore_mem>>)
    %dma_start3A_142 = arith.constant 7 : i32
    %dma_start3A_143 = arith.constant 7 : i32
    %dma_start3A_144 = arith.constant 0 : i32
    %dma_start3A_145 = arith.constant 0 : i32
    %dma_start3A_146 = tpu.memref_slice %arg11[%dma_start3A_143, %dma_start3A_144, %dma_start3A_145] : memref<8x128x32xf32, #tpu.memory_space<vmem>> -> memref<1x128x32xf32, #tpu.memory_space<vmem>>
    %dma_start3A_147 = tpu.memref_squeeze %dma_start3A_146 : memref<1x128x32xf32, #tpu.memory_space<vmem>> -> memref<128x32xf32, #tpu.memory_space<vmem>>
    %dma_start3A_148 = arith.constant 0 : i32
    %dma_start3A_149 = tpu.memref_slice %arg9[%dma_start3A_142, %dma_start3A_148] : memref<80x128xi32, #tpu.memory_space<vmem>> -> memref<1x128xi32, #tpu.memory_space<vmem>>
    %dma_start3A_150 = tpu.memref_squeeze %dma_start3A_149 : memref<1x128xi32, #tpu.memory_space<vmem>> -> memref<128xi32, #tpu.memory_space<vmem>>
    %dma_start3A_151 = arith.constant 0 : i32
    %dma_start3A_152 = arith.constant 0 : i32
    %dma_start3A_153 = tpu.memref_slice %arg15[%dma_start3A_151, %dma_start3A_152] : memref<10000x32xf32, #tpu.memory_space<vmem_shared>> -> memref<10000x32xf32, #tpu.memory_space<vmem_shared>>
    tpu.enqueue_indirect_dma source(%dma_start3A_153 : memref<10000x32xf32, #tpu.memory_space<vmem_shared>>) target(%dma_start3A_147 : memref<128x32xf32, #tpu.memory_space<vmem>>) offsets(%dma_start3A_150 : memref<128xi32, #tpu.memory_space<vmem>>) semaphore(%arg18 : memref<!tpu.dma_semaphore, #tpu.memory_space<semaphore_mem>>)
    %scan3A = arith.constant 0 : i32
    %scan3A_154 = arith.constant 0 : i32
    %scan3A_155 = arith.constant 5 : i32
    %scan3A_156 = arith.addi %scan3A_154, %scan3A_155 : i32
    %scan3A_157 = arith.constant 1 : i32
    scf.for %scan3A_166 = %scan3A_154 to %scan3A_156 step %scan3A_157  : i32 {
      %mul3A_167 = arith.constant 2 : i32
      %mul3A_168 = arith.muli %mul3A_167, %scan3A_166 : i32
      %mul3A_169 = arith.constant 8 : i32
      %mul3A_170 = arith.muli %mul3A_168, %mul3A_169 : i32
      %add3A_171 = arith.constant 8 : i32
      %add3A_172 = arith.addi %mul3A_170, %add3A_171 : i32
      %add3A_173 = arith.constant 8 : i32
      %add3A_174 = arith.addi %add3A_172, %add3A_173 : i32
      %add3A_175 = arith.constant 0 : i32
      %add3A_176 = arith.addi %add3A_172, %add3A_175 : i32
      %dma_start3A_177 = arith.constant 0 : i32
      %dma_start3A_178 = arith.constant 0 : i32
      %dma_start3A_179 = arith.constant 0 : i32
      %dma_start3A_180 = tpu.memref_slice %arg12[%dma_start3A_177, %dma_start3A_178, %dma_start3A_179] : memref<8x128x32xf32, #tpu.memory_space<vmem>> -> memref<1x128x32xf32, #tpu.memory_space<vmem>>
      %dma_start3A_181 = tpu.memref_squeeze %dma_start3A_180 : memref<1x128x32xf32, #tpu.memory_space<vmem>> -> memref<128x32xf32, #tpu.memory_space<vmem>>
      %dma_start3A_182 = arith.constant 0 : i32
      %dma_start3A_183 = tpu.memref_slice %arg9[%add3A_176, %dma_start3A_182] : memref<80x128xi32, #tpu.memory_space<vmem>> -> memref<1x128xi32, #tpu.memory_space<vmem>>
      %dma_start3A_184 = tpu.memref_squeeze %dma_start3A_183 : memref<1x128xi32, #tpu.memory_space<vmem>> -> memref<128xi32, #tpu.memory_space<vmem>>
      %dma_start3A_185 = arith.constant 0 : i32
      %dma_start3A_186 = arith.constant 0 : i32
      %dma_start3A_187 = tpu.memref_slice %arg15[%dma_start3A_185, %dma_start3A_186] : memref<10000x32xf32, #tpu.memory_space<vmem_shared>> -> memref<10000x32xf32, #tpu.memory_space<vmem_shared>>
      tpu.enqueue_indirect_dma source(%dma_start3A_187 : memref<10000x32xf32, #tpu.memory_space<vmem_shared>>) target(%dma_start3A_181 : memref<128x32xf32, #tpu.memory_space<vmem>>) offsets(%dma_start3A_184 : memref<128xi32, #tpu.memory_space<vmem>>) semaphore(%arg19 : memref<!tpu.dma_semaphore, #tpu.memory_space<semaphore_mem>>)
      %add3A_188 = arith.constant 1 : i32
      %add3A_189 = arith.addi %add3A_172, %add3A_188 : i32
      %dma_start3A_190 = arith.constant 1 : i32
      %dma_start3A_191 = arith.constant 0 : i32
      %dma_start3A_192 = arith.constant 0 : i32
      %dma_start3A_193 = tpu.memref_slice %arg12[%dma_start3A_190, %dma_start3A_191, %dma_start3A_192] : memref<8x128x32xf32, #tpu.memory_space<vmem>> -> memref<1x128x32xf32, #tpu.memory_space<vmem>>
      %dma_start3A_194 = tpu.memref_squeeze %dma_start3A_193 : memref<1x128x32xf32, #tpu.memory_space<vmem>> -> memref<128x32xf32, #tpu.memory_space<vmem>>
      %dma_start3A_195 = arith.constant 0 : i32
      %dma_start3A_196 = tpu.memref_slice %arg9[%add3A_189, %dma_start3A_195] : memref<80x128xi32, #tpu.memory_space<vmem>> -> memref<1x128xi32, #tpu.memory_space<vmem>>
      %dma_start3A_197 = tpu.memref_squeeze %dma_start3A_196 : memref<1x128xi32, #tpu.memory_space<vmem>> -> memref<128xi32, #tpu.memory_space<vmem>>
      %dma_start3A_198 = arith.constant 0 : i32
      %dma_start3A_199 = arith.constant 0 : i32
      %dma_start3A_200 = tpu.memref_slice %arg15[%dma_start3A_198, %dma_start3A_199] : memref<10000x32xf32, #tpu.memory_space<vmem_shared>> -> memref<10000x32xf32, #tpu.memory_space<vmem_shared>>
      tpu.enqueue_indirect_dma source(%dma_start3A_200 : memref<10000x32xf32, #tpu.memory_space<vmem_shared>>) target(%dma_start3A_194 : memref<128x32xf32, #tpu.memory_space<vmem>>) offsets(%dma_start3A_197 : memref<128xi32, #tpu.memory_space<vmem>>) semaphore(%arg19 : memref<!tpu.dma_semaphore, #tpu.memory_space<semaphore_mem>>)
      %add3A_201 = arith.constant 2 : i32
      %add3A_202 = arith.addi %add3A_172, %add3A_201 : i32
      %dma_start3A_203 = arith.constant 2 : i32
      %dma_start3A_204 = arith.constant 0 : i32
      %dma_start3A_205 = arith.constant 0 : i32
      %dma_start3A_206 = tpu.memref_slice %arg12[%dma_start3A_203, %dma_start3A_204, %dma_start3A_205] : memref<8x128x32xf32, #tpu.memory_space<vmem>> -> memref<1x128x32xf32, #tpu.memory_space<vmem>>
      %dma_start3A_207 = tpu.memref_squeeze %dma_start3A_206 : memref<1x128x32xf32, #tpu.memory_space<vmem>> -> memref<128x32xf32, #tpu.memory_space<vmem>>
      %dma_start3A_208 = arith.constant 0 : i32
      %dma_start3A_209 = tpu.memref_slice %arg9[%add3A_202, %dma_start3A_208] : memref<80x128xi32, #tpu.memory_space<vmem>> -> memref<1x128xi32, #tpu.memory_space<vmem>>
      %dma_start3A_210 = tpu.memref_squeeze %dma_start3A_209 : memref<1x128xi32, #tpu.memory_space<vmem>> -> memref<128xi32, #tpu.memory_space<vmem>>
      %dma_start3A_211 = arith.constant 0 : i32
      %dma_start3A_212 = arith.constant 0 : i32
      %dma_start3A_213 = tpu.memref_slice %arg15[%dma_start3A_211, %dma_start3A_212] : memref<10000x32xf32, #tpu.memory_space<vmem_shared>> -> memref<10000x32xf32, #tpu.memory_space<vmem_shared>>
      tpu.enqueue_indirect_dma source(%dma_start3A_213 : memref<10000x32xf32, #tpu.memory_space<vmem_shared>>) target(%dma_start3A_207 : memref<128x32xf32, #tpu.memory_space<vmem>>) offsets(%dma_start3A_210 : memref<128xi32, #tpu.memory_space<vmem>>) semaphore(%arg19 : memref<!tpu.dma_semaphore, #tpu.memory_space<semaphore_mem>>)
      %add3A_214 = arith.constant 3 : i32
      %add3A_215 = arith.addi %add3A_172, %add3A_214 : i32
      %dma_start3A_216 = arith.constant 3 : i32
      %dma_start3A_217 = arith.constant 0 : i32
      %dma_start3A_218 = arith.constant 0 : i32
      %dma_start3A_219 = tpu.memref_slice %arg12[%dma_start3A_216, %dma_start3A_217, %dma_start3A_218] : memref<8x128x32xf32, #tpu.memory_space<vmem>> -> memref<1x128x32xf32, #tpu.memory_space<vmem>>
      %dma_start3A_220 = tpu.memref_squeeze %dma_start3A_219 : memref<1x128x32xf32, #tpu.memory_space<vmem>> -> memref<128x32xf32, #tpu.memory_space<vmem>>
      %dma_start3A_221 = arith.constant 0 : i32
      %dma_start3A_222 = tpu.memref_slice %arg9[%add3A_215, %dma_start3A_221] : memref<80x128xi32, #tpu.memory_space<vmem>> -> memref<1x128xi32, #tpu.memory_space<vmem>>
      %dma_start3A_223 = tpu.memref_squeeze %dma_start3A_222 : memref<1x128xi32, #tpu.memory_space<vmem>> -> memref<128xi32, #tpu.memory_space<vmem>>
      %dma_start3A_224 = arith.constant 0 : i32
      %dma_start3A_225 = arith.constant 0 : i32
      %dma_start3A_226 = tpu.memref_slice %arg15[%dma_start3A_224, %dma_start3A_225] : memref<10000x32xf32, #tpu.memory_space<vmem_shared>> -> memref<10000x32xf32, #tpu.memory_space<vmem_shared>>
      tpu.enqueue_indirect_dma source(%dma_start3A_226 : memref<10000x32xf32, #tpu.memory_space<vmem_shared>>) target(%dma_start3A_220 : memref<128x32xf32, #tpu.memory_space<vmem>>) offsets(%dma_start3A_223 : memref<128xi32, #tpu.memory_space<vmem>>) semaphore(%arg19 : memref<!tpu.dma_semaphore, #tpu.memory_space<semaphore_mem>>)
      %add3A_227 = arith.constant 4 : i32
      %add3A_228 = arith.addi %add3A_172, %add3A_227 : i32
      %dma_start3A_229 = arith.constant 4 : i32
      %dma_start3A_230 = arith.constant 0 : i32
      %dma_start3A_231 = arith.constant 0 : i32
      %dma_start3A_232 = tpu.memref_slice %arg12[%dma_start3A_229, %dma_start3A_230, %dma_start3A_231] : memref<8x128x32xf32, #tpu.memory_space<vmem>> -> memref<1x128x32xf32, #tpu.memory_space<vmem>>
      %dma_start3A_233 = tpu.memref_squeeze %dma_start3A_232 : memref<1x128x32xf32, #tpu.memory_space<vmem>> -> memref<128x32xf32, #tpu.memory_space<vmem>>
      %dma_start3A_234 = arith.constant 0 : i32
      %dma_start3A_235 = tpu.memref_slice %arg9[%add3A_228, %dma_start3A_234] : memref<80x128xi32, #tpu.memory_space<vmem>> -> memref<1x128xi32, #tpu.memory_space<vmem>>
      %dma_start3A_236 = tpu.memref_squeeze %dma_start3A_235 : memref<1x128xi32, #tpu.memory_space<vmem>> -> memref<128xi32, #tpu.memory_space<vmem>>
      %dma_start3A_237 = arith.constant 0 : i32
      %dma_start3A_238 = arith.constant 0 : i32
      %dma_start3A_239 = tpu.memref_slice %arg15[%dma_start3A_237, %dma_start3A_238] : memref<10000x32xf32, #tpu.memory_space<vmem_shared>> -> memref<10000x32xf32, #tpu.memory_space<vmem_shared>>
      tpu.enqueue_indirect_dma source(%dma_start3A_239 : memref<10000x32xf32, #tpu.memory_space<vmem_shared>>) target(%dma_start3A_233 : memref<128x32xf32, #tpu.memory_space<vmem>>) offsets(%dma_start3A_236 : memref<128xi32, #tpu.memory_space<vmem>>) semaphore(%arg19 : memref<!tpu.dma_semaphore, #tpu.memory_space<semaphore_mem>>)
      %add3A_240 = arith.constant 5 : i32
      %add3A_241 = arith.addi %add3A_172, %add3A_240 : i32
      %dma_start3A_242 = arith.constant 5 : i32
      %dma_start3A_243 = arith.constant 0 : i32
      %dma_start3A_244 = arith.constant 0 : i32
      %dma_start3A_245 = tpu.memref_slice %arg12[%dma_start3A_242, %dma_start3A_243, %dma_start3A_244] : memref<8x128x32xf32, #tpu.memory_space<vmem>> -> memref<1x128x32xf32, #tpu.memory_space<vmem>>
      %dma_start3A_246 = tpu.memref_squeeze %dma_start3A_245 : memref<1x128x32xf32, #tpu.memory_space<vmem>> -> memref<128x32xf32, #tpu.memory_space<vmem>>
      %dma_start3A_247 = arith.constant 0 : i32
      %dma_start3A_248 = tpu.memref_slice %arg9[%add3A_241, %dma_start3A_247] : memref<80x128xi32, #tpu.memory_space<vmem>> -> memref<1x128xi32, #tpu.memory_space<vmem>>
      %dma_start3A_249 = tpu.memref_squeeze %dma_start3A_248 : memref<1x128xi32, #tpu.memory_space<vmem>> -> memref<128xi32, #tpu.memory_space<vmem>>
      %dma_start3A_250 = arith.constant 0 : i32
      %dma_start3A_251 = arith.constant 0 : i32
      %dma_start3A_252 = tpu.memref_slice %arg15[%dma_start3A_250, %dma_start3A_251] : memref<10000x32xf32, #tpu.memory_space<vmem_shared>> -> memref<10000x32xf32, #tpu.memory_space<vmem_shared>>
      tpu.enqueue_indirect_dma source(%dma_start3A_252 : memref<10000x32xf32, #tpu.memory_space<vmem_shared>>) target(%dma_start3A_246 : memref<128x32xf32, #tpu.memory_space<vmem>>) offsets(%dma_start3A_249 : memref<128xi32, #tpu.memory_space<vmem>>) semaphore(%arg19 : memref<!tpu.dma_semaphore, #tpu.memory_space<semaphore_mem>>)
      %add3A_253 = arith.constant 6 : i32
      %add3A_254 = arith.addi %add3A_172, %add3A_253 : i32
      %dma_start3A_255 = arith.constant 6 : i32
      %dma_start3A_256 = arith.constant 0 : i32
      %dma_start3A_257 = arith.constant 0 : i32
      %dma_start3A_258 = tpu.memref_slice %arg12[%dma_start3A_255, %dma_start3A_256, %dma_start3A_257] : memref<8x128x32xf32, #tpu.memory_space<vmem>> -> memref<1x128x32xf32, #tpu.memory_space<vmem>>
      %dma_start3A_259 = tpu.memref_squeeze %dma_start3A_258 : memref<1x128x32xf32, #tpu.memory_space<vmem>> -> memref<128x32xf32, #tpu.memory_space<vmem>>
      %dma_start3A_260 = arith.constant 0 : i32
      %dma_start3A_261 = tpu.memref_slice %arg9[%add3A_254, %dma_start3A_260] : memref<80x128xi32, #tpu.memory_space<vmem>> -> memref<1x128xi32, #tpu.memory_space<vmem>>
      %dma_start3A_262 = tpu.memref_squeeze %dma_start3A_261 : memref<1x128xi32, #tpu.memory_space<vmem>> -> memref<128xi32, #tpu.memory_space<vmem>>
      %dma_start3A_263 = arith.constant 0 : i32
      %dma_start3A_264 = arith.constant 0 : i32
      %dma_start3A_265 = tpu.memref_slice %arg15[%dma_start3A_263, %dma_start3A_264] : memref<10000x32xf32, #tpu.memory_space<vmem_shared>> -> memref<10000x32xf32, #tpu.memory_space<vmem_shared>>
      tpu.enqueue_indirect_dma source(%dma_start3A_265 : memref<10000x32xf32, #tpu.memory_space<vmem_shared>>) target(%dma_start3A_259 : memref<128x32xf32, #tpu.memory_space<vmem>>) offsets(%dma_start3A_262 : memref<128xi32, #tpu.memory_space<vmem>>) semaphore(%arg19 : memref<!tpu.dma_semaphore, #tpu.memory_space<semaphore_mem>>)
      %add3A_266 = arith.constant 7 : i32
      %add3A_267 = arith.addi %add3A_172, %add3A_266 : i32
      %dma_start3A_268 = arith.constant 7 : i32
      %dma_start3A_269 = arith.constant 0 : i32
      %dma_start3A_270 = arith.constant 0 : i32
      %dma_start3A_271 = tpu.memref_slice %arg12[%dma_start3A_268, %dma_start3A_269, %dma_start3A_270] : memref<8x128x32xf32, #tpu.memory_space<vmem>> -> memref<1x128x32xf32, #tpu.memory_space<vmem>>
      %dma_start3A_272 = tpu.memref_squeeze %dma_start3A_271 : memref<1x128x32xf32, #tpu.memory_space<vmem>> -> memref<128x32xf32, #tpu.memory_space<vmem>>
      %dma_start3A_273 = arith.constant 0 : i32
      %dma_start3A_274 = tpu.memref_slice %arg9[%add3A_267, %dma_start3A_273] : memref<80x128xi32, #tpu.memory_space<vmem>> -> memref<1x128xi32, #tpu.memory_space<vmem>>
      %dma_start3A_275 = tpu.memref_squeeze %dma_start3A_274 : memref<1x128xi32, #tpu.memory_space<vmem>> -> memref<128xi32, #tpu.memory_space<vmem>>
      %dma_start3A_276 = arith.constant 0 : i32
      %dma_start3A_277 = arith.constant 0 : i32
      %dma_start3A_278 = tpu.memref_slice %arg15[%dma_start3A_276, %dma_start3A_277] : memref<10000x32xf32, #tpu.memory_space<vmem_shared>> -> memref<10000x32xf32, #tpu.memory_space<vmem_shared>>
      tpu.enqueue_indirect_dma source(%dma_start3A_278 : memref<10000x32xf32, #tpu.memory_space<vmem_shared>>) target(%dma_start3A_272 : memref<128x32xf32, #tpu.memory_space<vmem>>) offsets(%dma_start3A_275 : memref<128xi32, #tpu.memory_space<vmem>>) semaphore(%arg19 : memref<!tpu.dma_semaphore, #tpu.memory_space<semaphore_mem>>)
      %dma_wait3A = arith.constant 0 : i32
      %dma_wait3A_279 = arith.constant 0 : i32
      %dma_wait3A_280 = arith.constant 0 : i32
      %dma_wait3A_281 = tpu.memref_slice %arg11[%dma_wait3A, %dma_wait3A_279, %dma_wait3A_280] : memref<8x128x32xf32, #tpu.memory_space<vmem>> -> memref<1x128x32xf32, #tpu.memory_space<vmem>>
      %dma_wait3A_282 = tpu.memref_squeeze %dma_wait3A_281 : memref<1x128x32xf32, #tpu.memory_space<vmem>> -> memref<128x32xf32, #tpu.memory_space<vmem>>
      %dma_wait3A_283 = arith.constant 0 : i32
      %dma_wait3A_284 = arith.constant 0 : i32
      %dma_wait3A_285 = tpu.memref_slice %arg5[%dma_wait3A_283, %dma_wait3A_284] : memref<10112x32xf32, #tpu.memory_space<hbm>> -> memref<128x32xf32, #tpu.memory_space<hbm>>
      %dma_wait3A_286 = arith.constant 0 : i32
      %dma_wait3A_287 = arith.constant 0 : i32
      %dma_wait3A_288 = tpu.memref_slice %arg11[%dma_wait3A, %dma_wait3A_286, %dma_wait3A_287] : memref<8x128x32xf32, #tpu.memory_space<vmem>> -> memref<1x128x32xf32, #tpu.memory_space<vmem>>
      %dma_wait3A_289 = tpu.memref_squeeze %dma_wait3A_288 : memref<1x128x32xf32, #tpu.memory_space<vmem>> -> memref<128x32xf32, #tpu.memory_space<vmem>>
      %dma_wait3A_290 = arith.constant 0 : i32
      %dma_wait3A_291 = arith.constant 0 : i32
      %dma_wait3A_292 = tpu.memref_slice %arg5[%dma_wait3A_290, %dma_wait3A_291] : memref<10112x32xf32, #tpu.memory_space<hbm>> -> memref<128x32xf32, #tpu.memory_space<hbm>>
      tpu.wait_dma2 semaphore(%arg18 : memref<!tpu.dma_semaphore, #tpu.memory_space<semaphore_mem>>) src(%dma_wait3A_292 : memref<128x32xf32, #tpu.memory_space<hbm>>) dst(%dma_wait3A_289 : memref<128x32xf32, #tpu.memory_space<vmem>>)
      %dma_wait3A_293 = arith.constant 1 : i32
      %dma_wait3A_294 = arith.constant 0 : i32
      %dma_wait3A_295 = arith.constant 0 : i32
      %dma_wait3A_296 = tpu.memref_slice %arg11[%dma_wait3A_293, %dma_wait3A_294, %dma_wait3A_295] : memref<8x128x32xf32, #tpu.memory_space<vmem>> -> memref<1x128x32xf32, #tpu.memory_space<vmem>>
      %dma_wait3A_297 = tpu.memref_squeeze %dma_wait3A_296 : memref<1x128x32xf32, #tpu.memory_space<vmem>> -> memref<128x32xf32, #tpu.memory_space<vmem>>
      %dma_wait3A_298 = arith.constant 0 : i32
      %dma_wait3A_299 = arith.constant 0 : i32
      %dma_wait3A_300 = tpu.memref_slice %arg5[%dma_wait3A_298, %dma_wait3A_299] : memref<10112x32xf32, #tpu.memory_space<hbm>> -> memref<128x32xf32, #tpu.memory_space<hbm>>
      %dma_wait3A_301 = arith.constant 0 : i32
      %dma_wait3A_302 = arith.constant 0 : i32
      %dma_wait3A_303 = tpu.memref_slice %arg11[%dma_wait3A_293, %dma_wait3A_301, %dma_wait3A_302] : memref<8x128x32xf32, #tpu.memory_space<vmem>> -> memref<1x128x32xf32, #tpu.memory_space<vmem>>
      %dma_wait3A_304 = tpu.memref_squeeze %dma_wait3A_303 : memref<1x128x32xf32, #tpu.memory_space<vmem>> -> memref<128x32xf32, #tpu.memory_space<vmem>>
      %dma_wait3A_305 = arith.constant 0 : i32
      %dma_wait3A_306 = arith.constant 0 : i32
      %dma_wait3A_307 = tpu.memref_slice %arg5[%dma_wait3A_305, %dma_wait3A_306] : memref<10112x32xf32, #tpu.memory_space<hbm>> -> memref<128x32xf32, #tpu.memory_space<hbm>>
      tpu.wait_dma2 semaphore(%arg18 : memref<!tpu.dma_semaphore, #tpu.memory_space<semaphore_mem>>) src(%dma_wait3A_307 : memref<128x32xf32, #tpu.memory_space<hbm>>) dst(%dma_wait3A_304 : memref<128x32xf32, #tpu.memory_space<vmem>>)
      %dma_wait3A_308 = arith.constant 2 : i32
      %dma_wait3A_309 = arith.constant 0 : i32
      %dma_wait3A_310 = arith.constant 0 : i32
      %dma_wait3A_311 = tpu.memref_slice %arg11[%dma_wait3A_308, %dma_wait3A_309, %dma_wait3A_310] : memref<8x128x32xf32, #tpu.memory_space<vmem>> -> memref<1x128x32xf32, #tpu.memory_space<vmem>>
      %dma_wait3A_312 = tpu.memref_squeeze %dma_wait3A_311 : memref<1x128x32xf32, #tpu.memory_space<vmem>> -> memref<128x32xf32, #tpu.memory_space<vmem>>
      %dma_wait3A_313 = arith.constant 0 : i32
      %dma_wait3A_314 = arith.constant 0 : i32
      %dma_wait3A_315 = tpu.memref_slice %arg5[%dma_wait3A_313, %dma_wait3A_314] : memref<10112x32xf32, #tpu.memory_space<hbm>> -> memref<128x32xf32, #tpu.memory_space<hbm>>
      %dma_wait3A_316 = arith.constant 0 : i32
      %dma_wait3A_317 = arith.constant 0 : i32
      %dma_wait3A_318 = tpu.memref_slice %arg11[%dma_wait3A_308, %dma_wait3A_316, %dma_wait3A_317] : memref<8x128x32xf32, #tpu.memory_space<vmem>> -> memref<1x128x32xf32, #tpu.memory_space<vmem>>
      %dma_wait3A_319 = tpu.memref_squeeze %dma_wait3A_318 : memref<1x128x32xf32, #tpu.memory_space<vmem>> -> memref<128x32xf32, #tpu.memory_space<vmem>>
      %dma_wait3A_320 = arith.constant 0 : i32
      %dma_wait3A_321 = arith.constant 0 : i32
      %dma_wait3A_322 = tpu.memref_slice %arg5[%dma_wait3A_320, %dma_wait3A_321] : memref<10112x32xf32, #tpu.memory_space<hbm>> -> memref<128x32xf32, #tpu.memory_space<hbm>>
      tpu.wait_dma2 semaphore(%arg18 : memref<!tpu.dma_semaphore, #tpu.memory_space<semaphore_mem>>) src(%dma_wait3A_322 : memref<128x32xf32, #tpu.memory_space<hbm>>) dst(%dma_wait3A_319 : memref<128x32xf32, #tpu.memory_space<vmem>>)
      %dma_wait3A_323 = arith.constant 3 : i32
      %dma_wait3A_324 = arith.constant 0 : i32
      %dma_wait3A_325 = arith.constant 0 : i32
      %dma_wait3A_326 = tpu.memref_slice %arg11[%dma_wait3A_323, %dma_wait3A_324, %dma_wait3A_325] : memref<8x128x32xf32, #tpu.memory_space<vmem>> -> memref<1x128x32xf32, #tpu.memory_space<vmem>>
      %dma_wait3A_327 = tpu.memref_squeeze %dma_wait3A_326 : memref<1x128x32xf32, #tpu.memory_space<vmem>> -> memref<128x32xf32, #tpu.memory_space<vmem>>
      %dma_wait3A_328 = arith.constant 0 : i32
      %dma_wait3A_329 = arith.constant 0 : i32
      %dma_wait3A_330 = tpu.memref_slice %arg5[%dma_wait3A_328, %dma_wait3A_329] : memref<10112x32xf32, #tpu.memory_space<hbm>> -> memref<128x32xf32, #tpu.memory_space<hbm>>
      %dma_wait3A_331 = arith.constant 0 : i32
      %dma_wait3A_332 = arith.constant 0 : i32
      %dma_wait3A_333 = tpu.memref_slice %arg11[%dma_wait3A_323, %dma_wait3A_331, %dma_wait3A_332] : memref<8x128x32xf32, #tpu.memory_space<vmem>> -> memref<1x128x32xf32, #tpu.memory_space<vmem>>
      %dma_wait3A_334 = tpu.memref_squeeze %dma_wait3A_333 : memref<1x128x32xf32, #tpu.memory_space<vmem>> -> memref<128x32xf32, #tpu.memory_space<vmem>>
      %dma_wait3A_335 = arith.constant 0 : i32
      %dma_wait3A_336 = arith.constant 0 : i32
      %dma_wait3A_337 = tpu.memref_slice %arg5[%dma_wait3A_335, %dma_wait3A_336] : memref<10112x32xf32, #tpu.memory_space<hbm>> -> memref<128x32xf32, #tpu.memory_space<hbm>>
      tpu.wait_dma2 semaphore(%arg18 : memref<!tpu.dma_semaphore, #tpu.memory_space<semaphore_mem>>) src(%dma_wait3A_337 : memref<128x32xf32, #tpu.memory_space<hbm>>) dst(%dma_wait3A_334 : memref<128x32xf32, #tpu.memory_space<vmem>>)
      %dma_wait3A_338 = arith.constant 4 : i32
      %dma_wait3A_339 = arith.constant 0 : i32
      %dma_wait3A_340 = arith.constant 0 : i32
      %dma_wait3A_341 = tpu.memref_slice %arg11[%dma_wait3A_338, %dma_wait3A_339, %dma_wait3A_340] : memref<8x128x32xf32, #tpu.memory_space<vmem>> -> memref<1x128x32xf32, #tpu.memory_space<vmem>>
      %dma_wait3A_342 = tpu.memref_squeeze %dma_wait3A_341 : memref<1x128x32xf32, #tpu.memory_space<vmem>> -> memref<128x32xf32, #tpu.memory_space<vmem>>
      %dma_wait3A_343 = arith.constant 0 : i32
      %dma_wait3A_344 = arith.constant 0 : i32
      %dma_wait3A_345 = tpu.memref_slice %arg5[%dma_wait3A_343, %dma_wait3A_344] : memref<10112x32xf32, #tpu.memory_space<hbm>> -> memref<128x32xf32, #tpu.memory_space<hbm>>
      %dma_wait3A_346 = arith.constant 0 : i32
      %dma_wait3A_347 = arith.constant 0 : i32
      %dma_wait3A_348 = tpu.memref_slice %arg11[%dma_wait3A_338, %dma_wait3A_346, %dma_wait3A_347] : memref<8x128x32xf32, #tpu.memory_space<vmem>> -> memref<1x128x32xf32, #tpu.memory_space<vmem>>
      %dma_wait3A_349 = tpu.memref_squeeze %dma_wait3A_348 : memref<1x128x32xf32, #tpu.memory_space<vmem>> -> memref<128x32xf32, #tpu.memory_space<vmem>>
      %dma_wait3A_350 = arith.constant 0 : i32
      %dma_wait3A_351 = arith.constant 0 : i32
      %dma_wait3A_352 = tpu.memref_slice %arg5[%dma_wait3A_350, %dma_wait3A_351] : memref<10112x32xf32, #tpu.memory_space<hbm>> -> memref<128x32xf32, #tpu.memory_space<hbm>>
      tpu.wait_dma2 semaphore(%arg18 : memref<!tpu.dma_semaphore, #tpu.memory_space<semaphore_mem>>) src(%dma_wait3A_352 : memref<128x32xf32, #tpu.memory_space<hbm>>) dst(%dma_wait3A_349 : memref<128x32xf32, #tpu.memory_space<vmem>>)
      %dma_wait3A_353 = arith.constant 5 : i32
      %dma_wait3A_354 = arith.constant 0 : i32
      %dma_wait3A_355 = arith.constant 0 : i32
      %dma_wait3A_356 = tpu.memref_slice %arg11[%dma_wait3A_353, %dma_wait3A_354, %dma_wait3A_355] : memref<8x128x32xf32, #tpu.memory_space<vmem>> -> memref<1x128x32xf32, #tpu.memory_space<vmem>>
      %dma_wait3A_357 = tpu.memref_squeeze %dma_wait3A_356 : memref<1x128x32xf32, #tpu.memory_space<vmem>> -> memref<128x32xf32, #tpu.memory_space<vmem>>
      %dma_wait3A_358 = arith.constant 0 : i32
      %dma_wait3A_359 = arith.constant 0 : i32
      %dma_wait3A_360 = tpu.memref_slice %arg5[%dma_wait3A_358, %dma_wait3A_359] : memref<10112x32xf32, #tpu.memory_space<hbm>> -> memref<128x32xf32, #tpu.memory_space<hbm>>
      %dma_wait3A_361 = arith.constant 0 : i32
      %dma_wait3A_362 = arith.constant 0 : i32
      %dma_wait3A_363 = tpu.memref_slice %arg11[%dma_wait3A_353, %dma_wait3A_361, %dma_wait3A_362] : memref<8x128x32xf32, #tpu.memory_space<vmem>> -> memref<1x128x32xf32, #tpu.memory_space<vmem>>
      %dma_wait3A_364 = tpu.memref_squeeze %dma_wait3A_363 : memref<1x128x32xf32, #tpu.memory_space<vmem>> -> memref<128x32xf32, #tpu.memory_space<vmem>>
      %dma_wait3A_365 = arith.constant 0 : i32
      %dma_wait3A_366 = arith.constant 0 : i32
      %dma_wait3A_367 = tpu.memref_slice %arg5[%dma_wait3A_365, %dma_wait3A_366] : memref<10112x32xf32, #tpu.memory_space<hbm>> -> memref<128x32xf32, #tpu.memory_space<hbm>>
      tpu.wait_dma2 semaphore(%arg18 : memref<!tpu.dma_semaphore, #tpu.memory_space<semaphore_mem>>) src(%dma_wait3A_367 : memref<128x32xf32, #tpu.memory_space<hbm>>) dst(%dma_wait3A_364 : memref<128x32xf32, #tpu.memory_space<vmem>>)
      %dma_wait3A_368 = arith.constant 6 : i32
      %dma_wait3A_369 = arith.constant 0 : i32
      %dma_wait3A_370 = arith.constant 0 : i32
      %dma_wait3A_371 = tpu.memref_slice %arg11[%dma_wait3A_368, %dma_wait3A_369, %dma_wait3A_370] : memref<8x128x32xf32, #tpu.memory_space<vmem>> -> memref<1x128x32xf32, #tpu.memory_space<vmem>>
      %dma_wait3A_372 = tpu.memref_squeeze %dma_wait3A_371 : memref<1x128x32xf32, #tpu.memory_space<vmem>> -> memref<128x32xf32, #tpu.memory_space<vmem>>
      %dma_wait3A_373 = arith.constant 0 : i32
      %dma_wait3A_374 = arith.constant 0 : i32
      %dma_wait3A_375 = tpu.memref_slice %arg5[%dma_wait3A_373, %dma_wait3A_374] : memref<10112x32xf32, #tpu.memory_space<hbm>> -> memref<128x32xf32, #tpu.memory_space<hbm>>
      %dma_wait3A_376 = arith.constant 0 : i32
      %dma_wait3A_377 = arith.constant 0 : i32
      %dma_wait3A_378 = tpu.memref_slice %arg11[%dma_wait3A_368, %dma_wait3A_376, %dma_wait3A_377] : memref<8x128x32xf32, #tpu.memory_space<vmem>> -> memref<1x128x32xf32, #tpu.memory_space<vmem>>
      %dma_wait3A_379 = tpu.memref_squeeze %dma_wait3A_378 : memref<1x128x32xf32, #tpu.memory_space<vmem>> -> memref<128x32xf32, #tpu.memory_space<vmem>>
      %dma_wait3A_380 = arith.constant 0 : i32
      %dma_wait3A_381 = arith.constant 0 : i32
      %dma_wait3A_382 = tpu.memref_slice %arg5[%dma_wait3A_380, %dma_wait3A_381] : memref<10112x32xf32, #tpu.memory_space<hbm>> -> memref<128x32xf32, #tpu.memory_space<hbm>>
      tpu.wait_dma2 semaphore(%arg18 : memref<!tpu.dma_semaphore, #tpu.memory_space<semaphore_mem>>) src(%dma_wait3A_382 : memref<128x32xf32, #tpu.memory_space<hbm>>) dst(%dma_wait3A_379 : memref<128x32xf32, #tpu.memory_space<vmem>>)
      %dma_wait3A_383 = arith.constant 7 : i32
      %dma_wait3A_384 = arith.constant 0 : i32
      %dma_wait3A_385 = arith.constant 0 : i32
      %dma_wait3A_386 = tpu.memref_slice %arg11[%dma_wait3A_383, %dma_wait3A_384, %dma_wait3A_385] : memref<8x128x32xf32, #tpu.memory_space<vmem>> -> memref<1x128x32xf32, #tpu.memory_space<vmem>>
      %dma_wait3A_387 = tpu.memref_squeeze %dma_wait3A_386 : memref<1x128x32xf32, #tpu.memory_space<vmem>> -> memref<128x32xf32, #tpu.memory_space<vmem>>
      %dma_wait3A_388 = arith.constant 0 : i32
      %dma_wait3A_389 = arith.constant 0 : i32
      %dma_wait3A_390 = tpu.memref_slice %arg5[%dma_wait3A_388, %dma_wait3A_389] : memref<10112x32xf32, #tpu.memory_space<hbm>> -> memref<128x32xf32, #tpu.memory_space<hbm>>
      %dma_wait3A_391 = arith.constant 0 : i32
      %dma_wait3A_392 = arith.constant 0 : i32
      %dma_wait3A_393 = tpu.memref_slice %arg11[%dma_wait3A_383, %dma_wait3A_391, %dma_wait3A_392] : memref<8x128x32xf32, #tpu.memory_space<vmem>> -> memref<1x128x32xf32, #tpu.memory_space<vmem>>
      %dma_wait3A_394 = tpu.memref_squeeze %dma_wait3A_393 : memref<1x128x32xf32, #tpu.memory_space<vmem>> -> memref<128x32xf32, #tpu.memory_space<vmem>>
      %dma_wait3A_395 = arith.constant 0 : i32
      %dma_wait3A_396 = arith.constant 0 : i32
      %dma_wait3A_397 = tpu.memref_slice %arg5[%dma_wait3A_395, %dma_wait3A_396] : memref<10112x32xf32, #tpu.memory_space<hbm>> -> memref<128x32xf32, #tpu.memory_space<hbm>>
      tpu.wait_dma2 semaphore(%arg18 : memref<!tpu.dma_semaphore, #tpu.memory_space<semaphore_mem>>) src(%dma_wait3A_397 : memref<128x32xf32, #tpu.memory_space<hbm>>) dst(%dma_wait3A_394 : memref<128x32xf32, #tpu.memory_space<vmem>>)
      %add3A_398 = arith.constant 0 : i32
      %add3A_399 = arith.addi %mul3A_170, %add3A_398 : i32
      %dma_start3A_400 = arith.constant 0 : i32
      %dma_start3A_401 = arith.constant 0 : i32
      %dma_start3A_402 = arith.constant 0 : i32
      %dma_start3A_403 = tpu.memref_slice %arg11[%dma_start3A_400, %dma_start3A_401, %dma_start3A_402] : memref<8x128x32xf32, #tpu.memory_space<vmem>> -> memref<1x128x32xf32, #tpu.memory_space<vmem>>
      %dma_start3A_404 = tpu.memref_squeeze %dma_start3A_403 : memref<1x128x32xf32, #tpu.memory_space<vmem>> -> memref<128x32xf32, #tpu.memory_space<vmem>>
      %dma_start3A_405 = arith.constant 0 : i32
      %dma_start3A_406 = tpu.memref_slice %arg10[%add3A_399, %dma_start3A_405] : memref<80x128xi32, #tpu.memory_space<vmem>> -> memref<1x128xi32, #tpu.memory_space<vmem>>
      %dma_start3A_407 = tpu.memref_squeeze %dma_start3A_406 : memref<1x128xi32, #tpu.memory_space<vmem>> -> memref<128xi32, #tpu.memory_space<vmem>>
      %dma_start3A_408 = arith.constant 0 : i32
      %dma_start3A_409 = arith.constant 0 : i32
      %dma_start3A_410 = tpu.memref_slice %arg16[%dma_start3A_408, %dma_start3A_409] : memref<10112x32xf32, #tpu.memory_space<vmem_shared>> -> memref<10112x32xf32, #tpu.memory_space<vmem_shared>>
      tpu.enqueue_indirect_dma source(%dma_start3A_404 : memref<128x32xf32, #tpu.memory_space<vmem>>) target(%dma_start3A_410 : memref<10112x32xf32, #tpu.memory_space<vmem_shared>>) offsets(%dma_start3A_407 : memref<128xi32, #tpu.memory_space<vmem>>) semaphore(%arg20 : memref<!tpu.dma_semaphore, #tpu.memory_space<semaphore_mem>>) {add = true}
      %add3A_411 = arith.constant 0 : i32
      %add3A_412 = arith.addi %mul3A_170, %add3A_411 : i32
      %dma_start3A_413 = arith.constant 0 : i32
      %dma_start3A_414 = tpu.memref_slice %arg10[%add3A_412, %dma_start3A_413] : memref<80x128xi32, #tpu.memory_space<vmem>> -> memref<1x128xi32, #tpu.memory_space<vmem>>
      %dma_start3A_415 = tpu.memref_squeeze %dma_start3A_414 : memref<1x128xi32, #tpu.memory_space<vmem>> -> memref<128xi32, #tpu.memory_space<vmem>>
      %dma_start3A_416 = arith.constant 0 : i32
      %dma_start3A_417 = tpu.memref_slice %arg17[%dma_start3A_416] : memref<10112xf32, #tpu.memory_space<vmem_shared>> -> memref<10112xf32, #tpu.memory_space<vmem_shared>>
      tpu.enqueue_indirect_dma source(%arg13 : memref<128xf32, #tpu.memory_space<vmem>>) target(%dma_start3A_417 : memref<10112xf32, #tpu.memory_space<vmem_shared>>) offsets(%dma_start3A_415 : memref<128xi32, #tpu.memory_space<vmem>>) semaphore(%arg20 : memref<!tpu.dma_semaphore, #tpu.memory_space<semaphore_mem>>) {add = true}
      %add3A_418 = arith.constant 1 : i32
      %add3A_419 = arith.addi %mul3A_170, %add3A_418 : i32
      %dma_start3A_420 = arith.constant 1 : i32
      %dma_start3A_421 = arith.constant 0 : i32
      %dma_start3A_422 = arith.constant 0 : i32
      %dma_start3A_423 = tpu.memref_slice %arg11[%dma_start3A_420, %dma_start3A_421, %dma_start3A_422] : memref<8x128x32xf32, #tpu.memory_space<vmem>> -> memref<1x128x32xf32, #tpu.memory_space<vmem>>
      %dma_start3A_424 = tpu.memref_squeeze %dma_start3A_423 : memref<1x128x32xf32, #tpu.memory_space<vmem>> -> memref<128x32xf32, #tpu.memory_space<vmem>>
      %dma_start3A_425 = arith.constant 0 : i32
      %dma_start3A_426 = tpu.memref_slice %arg10[%add3A_419, %dma_start3A_425] : memref<80x128xi32, #tpu.memory_space<vmem>> -> memref<1x128xi32, #tpu.memory_space<vmem>>
      %dma_start3A_427 = tpu.memref_squeeze %dma_start3A_426 : memref<1x128xi32, #tpu.memory_space<vmem>> -> memref<128xi32, #tpu.memory_space<vmem>>
      %dma_start3A_428 = arith.constant 0 : i32
      %dma_start3A_429 = arith.constant 0 : i32
      %dma_start3A_430 = tpu.memref_slice %arg16[%dma_start3A_428, %dma_start3A_429] : memref<10112x32xf32, #tpu.memory_space<vmem_shared>> -> memref<10112x32xf32, #tpu.memory_space<vmem_shared>>
      tpu.enqueue_indirect_dma source(%dma_start3A_424 : memref<128x32xf32, #tpu.memory_space<vmem>>) target(%dma_start3A_430 : memref<10112x32xf32, #tpu.memory_space<vmem_shared>>) offsets(%dma_start3A_427 : memref<128xi32, #tpu.memory_space<vmem>>) semaphore(%arg20 : memref<!tpu.dma_semaphore, #tpu.memory_space<semaphore_mem>>) {add = true}
      %add3A_431 = arith.constant 1 : i32
      %add3A_432 = arith.addi %mul3A_170, %add3A_431 : i32
      %dma_start3A_433 = arith.constant 0 : i32
      %dma_start3A_434 = tpu.memref_slice %arg10[%add3A_432, %dma_start3A_433] : memref<80x128xi32, #tpu.memory_space<vmem>> -> memref<1x128xi32, #tpu.memory_space<vmem>>
      %dma_start3A_435 = tpu.memref_squeeze %dma_start3A_434 : memref<1x128xi32, #tpu.memory_space<vmem>> -> memref<128xi32, #tpu.memory_space<vmem>>
      %dma_start3A_436 = arith.constant 0 : i32
      %dma_start3A_437 = tpu.memref_slice %arg17[%dma_start3A_436] : memref<10112xf32, #tpu.memory_space<vmem_shared>> -> memref<10112xf32, #tpu.memory_space<vmem_shared>>
      tpu.enqueue_indirect_dma source(%arg13 : memref<128xf32, #tpu.memory_space<vmem>>) target(%dma_start3A_437 : memref<10112xf32, #tpu.memory_space<vmem_shared>>) offsets(%dma_start3A_435 : memref<128xi32, #tpu.memory_space<vmem>>) semaphore(%arg20 : memref<!tpu.dma_semaphore, #tpu.memory_space<semaphore_mem>>) {add = true}
      %add3A_438 = arith.constant 2 : i32
      %add3A_439 = arith.addi %mul3A_170, %add3A_438 : i32
      %dma_start3A_440 = arith.constant 2 : i32
      %dma_start3A_441 = arith.constant 0 : i32
      %dma_start3A_442 = arith.constant 0 : i32
      %dma_start3A_443 = tpu.memref_slice %arg11[%dma_start3A_440, %dma_start3A_441, %dma_start3A_442] : memref<8x128x32xf32, #tpu.memory_space<vmem>> -> memref<1x128x32xf32, #tpu.memory_space<vmem>>
      %dma_start3A_444 = tpu.memref_squeeze %dma_start3A_443 : memref<1x128x32xf32, #tpu.memory_space<vmem>> -> memref<128x32xf32, #tpu.memory_space<vmem>>
      %dma_start3A_445 = arith.constant 0 : i32
      %dma_start3A_446 = tpu.memref_slice %arg10[%add3A_439, %dma_start3A_445] : memref<80x128xi32, #tpu.memory_space<vmem>> -> memref<1x128xi32, #tpu.memory_space<vmem>>
      %dma_start3A_447 = tpu.memref_squeeze %dma_start3A_446 : memref<1x128xi32, #tpu.memory_space<vmem>> -> memref<128xi32, #tpu.memory_space<vmem>>
      %dma_start3A_448 = arith.constant 0 : i32
      %dma_start3A_449 = arith.constant 0 : i32
      %dma_start3A_450 = tpu.memref_slice %arg16[%dma_start3A_448, %dma_start3A_449] : memref<10112x32xf32, #tpu.memory_space<vmem_shared>> -> memref<10112x32xf32, #tpu.memory_space<vmem_shared>>
      tpu.enqueue_indirect_dma source(%dma_start3A_444 : memref<128x32xf32, #tpu.memory_space<vmem>>) target(%dma_start3A_450 : memref<10112x32xf32, #tpu.memory_space<vmem_shared>>) offsets(%dma_start3A_447 : memref<128xi32, #tpu.memory_space<vmem>>) semaphore(%arg20 : memref<!tpu.dma_semaphore, #tpu.memory_space<semaphore_mem>>) {add = true}
      %add3A_451 = arith.constant 2 : i32
      %add3A_452 = arith.addi %mul3A_170, %add3A_451 : i32
      %dma_start3A_453 = arith.constant 0 : i32
      %dma_start3A_454 = tpu.memref_slice %arg10[%add3A_452, %dma_start3A_453] : memref<80x128xi32, #tpu.memory_space<vmem>> -> memref<1x128xi32, #tpu.memory_space<vmem>>
      %dma_start3A_455 = tpu.memref_squeeze %dma_start3A_454 : memref<1x128xi32, #tpu.memory_space<vmem>> -> memref<128xi32, #tpu.memory_space<vmem>>
      %dma_start3A_456 = arith.constant 0 : i32
      %dma_start3A_457 = tpu.memref_slice %arg17[%dma_start3A_456] : memref<10112xf32, #tpu.memory_space<vmem_shared>> -> memref<10112xf32, #tpu.memory_space<vmem_shared>>
      tpu.enqueue_indirect_dma source(%arg13 : memref<128xf32, #tpu.memory_space<vmem>>) target(%dma_start3A_457 : memref<10112xf32, #tpu.memory_space<vmem_shared>>) offsets(%dma_start3A_455 : memref<128xi32, #tpu.memory_space<vmem>>) semaphore(%arg20 : memref<!tpu.dma_semaphore, #tpu.memory_space<semaphore_mem>>) {add = true}
      %add3A_458 = arith.constant 3 : i32
      %add3A_459 = arith.addi %mul3A_170, %add3A_458 : i32
      %dma_start3A_460 = arith.constant 3 : i32
      %dma_start3A_461 = arith.constant 0 : i32
      %dma_start3A_462 = arith.constant 0 : i32
      %dma_start3A_463 = tpu.memref_slice %arg11[%dma_start3A_460, %dma_start3A_461, %dma_start3A_462] : memref<8x128x32xf32, #tpu.memory_space<vmem>> -> memref<1x128x32xf32, #tpu.memory_space<vmem>>
      %dma_start3A_464 = tpu.memref_squeeze %dma_start3A_463 : memref<1x128x32xf32, #tpu.memory_space<vmem>> -> memref<128x32xf32, #tpu.memory_space<vmem>>
      %dma_start3A_465 = arith.constant 0 : i32
      %dma_start3A_466 = tpu.memref_slice %arg10[%add3A_459, %dma_start3A_465] : memref<80x128xi32, #tpu.memory_space<vmem>> -> memref<1x128xi32, #tpu.memory_space<vmem>>
      %dma_start3A_467 = tpu.memref_squeeze %dma_start3A_466 : memref<1x128xi32, #tpu.memory_space<vmem>> -> memref<128xi32, #tpu.memory_space<vmem>>
      %dma_start3A_468 = arith.constant 0 : i32
      %dma_start3A_469 = arith.constant 0 : i32
      %dma_start3A_470 = tpu.memref_slice %arg16[%dma_start3A_468, %dma_start3A_469] : memref<10112x32xf32, #tpu.memory_space<vmem_shared>> -> memref<10112x32xf32, #tpu.memory_space<vmem_shared>>
      tpu.enqueue_indirect_dma source(%dma_start3A_464 : memref<128x32xf32, #tpu.memory_space<vmem>>) target(%dma_start3A_470 : memref<10112x32xf32, #tpu.memory_space<vmem_shared>>) offsets(%dma_start3A_467 : memref<128xi32, #tpu.memory_space<vmem>>) semaphore(%arg20 : memref<!tpu.dma_semaphore, #tpu.memory_space<semaphore_mem>>) {add = true}
      %add3A_471 = arith.constant 3 : i32
      %add3A_472 = arith.addi %mul3A_170, %add3A_471 : i32
      %dma_start3A_473 = arith.constant 0 : i32
      %dma_start3A_474 = tpu.memref_slice %arg10[%add3A_472, %dma_start3A_473] : memref<80x128xi32, #tpu.memory_space<vmem>> -> memref<1x128xi32, #tpu.memory_space<vmem>>
      %dma_start3A_475 = tpu.memref_squeeze %dma_start3A_474 : memref<1x128xi32, #tpu.memory_space<vmem>> -> memref<128xi32, #tpu.memory_space<vmem>>
      %dma_start3A_476 = arith.constant 0 : i32
      %dma_start3A_477 = tpu.memref_slice %arg17[%dma_start3A_476] : memref<10112xf32, #tpu.memory_space<vmem_shared>> -> memref<10112xf32, #tpu.memory_space<vmem_shared>>
      tpu.enqueue_indirect_dma source(%arg13 : memref<128xf32, #tpu.memory_space<vmem>>) target(%dma_start3A_477 : memref<10112xf32, #tpu.memory_space<vmem_shared>>) offsets(%dma_start3A_475 : memref<128xi32, #tpu.memory_space<vmem>>) semaphore(%arg20 : memref<!tpu.dma_semaphore, #tpu.memory_space<semaphore_mem>>) {add = true}
      %add3A_478 = arith.constant 4 : i32
      %add3A_479 = arith.addi %mul3A_170, %add3A_478 : i32
      %dma_start3A_480 = arith.constant 4 : i32
      %dma_start3A_481 = arith.constant 0 : i32
      %dma_start3A_482 = arith.constant 0 : i32
      %dma_start3A_483 = tpu.memref_slice %arg11[%dma_start3A_480, %dma_start3A_481, %dma_start3A_482] : memref<8x128x32xf32, #tpu.memory_space<vmem>> -> memref<1x128x32xf32, #tpu.memory_space<vmem>>
      %dma_start3A_484 = tpu.memref_squeeze %dma_start3A_483 : memref<1x128x32xf32, #tpu.memory_space<vmem>> -> memref<128x32xf32, #tpu.memory_space<vmem>>
      %dma_start3A_485 = arith.constant 0 : i32
      %dma_start3A_486 = tpu.memref_slice %arg10[%add3A_479, %dma_start3A_485] : memref<80x128xi32, #tpu.memory_space<vmem>> -> memref<1x128xi32, #tpu.memory_space<vmem>>
      %dma_start3A_487 = tpu.memref_squeeze %dma_start3A_486 : memref<1x128xi32, #tpu.memory_space<vmem>> -> memref<128xi32, #tpu.memory_space<vmem>>
      %dma_start3A_488 = arith.constant 0 : i32
      %dma_start3A_489 = arith.constant 0 : i32
      %dma_start3A_490 = tpu.memref_slice %arg16[%dma_start3A_488, %dma_start3A_489] : memref<10112x32xf32, #tpu.memory_space<vmem_shared>> -> memref<10112x32xf32, #tpu.memory_space<vmem_shared>>
      tpu.enqueue_indirect_dma source(%dma_start3A_484 : memref<128x32xf32, #tpu.memory_space<vmem>>) target(%dma_start3A_490 : memref<10112x32xf32, #tpu.memory_space<vmem_shared>>) offsets(%dma_start3A_487 : memref<128xi32, #tpu.memory_space<vmem>>) semaphore(%arg20 : memref<!tpu.dma_semaphore, #tpu.memory_space<semaphore_mem>>) {add = true}
      %add3A_491 = arith.constant 4 : i32
      %add3A_492 = arith.addi %mul3A_170, %add3A_491 : i32
      %dma_start3A_493 = arith.constant 0 : i32
      %dma_start3A_494 = tpu.memref_slice %arg10[%add3A_492, %dma_start3A_493] : memref<80x128xi32, #tpu.memory_space<vmem>> -> memref<1x128xi32, #tpu.memory_space<vmem>>
      %dma_start3A_495 = tpu.memref_squeeze %dma_start3A_494 : memref<1x128xi32, #tpu.memory_space<vmem>> -> memref<128xi32, #tpu.memory_space<vmem>>
      %dma_start3A_496 = arith.constant 0 : i32
      %dma_start3A_497 = tpu.memref_slice %arg17[%dma_start3A_496] : memref<10112xf32, #tpu.memory_space<vmem_shared>> -> memref<10112xf32, #tpu.memory_space<vmem_shared>>
      tpu.enqueue_indirect_dma source(%arg13 : memref<128xf32, #tpu.memory_space<vmem>>) target(%dma_start3A_497 : memref<10112xf32, #tpu.memory_space<vmem_shared>>) offsets(%dma_start3A_495 : memref<128xi32, #tpu.memory_space<vmem>>) semaphore(%arg20 : memref<!tpu.dma_semaphore, #tpu.memory_space<semaphore_mem>>) {add = true}
      %add3A_498 = arith.constant 5 : i32
      %add3A_499 = arith.addi %mul3A_170, %add3A_498 : i32
      %dma_start3A_500 = arith.constant 5 : i32
      %dma_start3A_501 = arith.constant 0 : i32
      %dma_start3A_502 = arith.constant 0 : i32
      %dma_start3A_503 = tpu.memref_slice %arg11[%dma_start3A_500, %dma_start3A_501, %dma_start3A_502] : memref<8x128x32xf32, #tpu.memory_space<vmem>> -> memref<1x128x32xf32, #tpu.memory_space<vmem>>
      %dma_start3A_504 = tpu.memref_squeeze %dma_start3A_503 : memref<1x128x32xf32, #tpu.memory_space<vmem>> -> memref<128x32xf32, #tpu.memory_space<vmem>>
      %dma_start3A_505 = arith.constant 0 : i32
      %dma_start3A_506 = tpu.memref_slice %arg10[%add3A_499, %dma_start3A_505] : memref<80x128xi32, #tpu.memory_space<vmem>> -> memref<1x128xi32, #tpu.memory_space<vmem>>
      %dma_start3A_507 = tpu.memref_squeeze %dma_start3A_506 : memref<1x128xi32, #tpu.memory_space<vmem>> -> memref<128xi32, #tpu.memory_space<vmem>>
      %dma_start3A_508 = arith.constant 0 : i32
      %dma_start3A_509 = arith.constant 0 : i32
      %dma_start3A_510 = tpu.memref_slice %arg16[%dma_start3A_508, %dma_start3A_509] : memref<10112x32xf32, #tpu.memory_space<vmem_shared>> -> memref<10112x32xf32, #tpu.memory_space<vmem_shared>>
      tpu.enqueue_indirect_dma source(%dma_start3A_504 : memref<128x32xf32, #tpu.memory_space<vmem>>) target(%dma_start3A_510 : memref<10112x32xf32, #tpu.memory_space<vmem_shared>>) offsets(%dma_start3A_507 : memref<128xi32, #tpu.memory_space<vmem>>) semaphore(%arg20 : memref<!tpu.dma_semaphore, #tpu.memory_space<semaphore_mem>>) {add = true}
      %add3A_511 = arith.constant 5 : i32
      %add3A_512 = arith.addi %mul3A_170, %add3A_511 : i32
      %dma_start3A_513 = arith.constant 0 : i32
      %dma_start3A_514 = tpu.memref_slice %arg10[%add3A_512, %dma_start3A_513] : memref<80x128xi32, #tpu.memory_space<vmem>> -> memref<1x128xi32, #tpu.memory_space<vmem>>
      %dma_start3A_515 = tpu.memref_squeeze %dma_start3A_514 : memref<1x128xi32, #tpu.memory_space<vmem>> -> memref<128xi32, #tpu.memory_space<vmem>>
      %dma_start3A_516 = arith.constant 0 : i32
      %dma_start3A_517 = tpu.memref_slice %arg17[%dma_start3A_516] : memref<10112xf32, #tpu.memory_space<vmem_shared>> -> memref<10112xf32, #tpu.memory_space<vmem_shared>>
      tpu.enqueue_indirect_dma source(%arg13 : memref<128xf32, #tpu.memory_space<vmem>>) target(%dma_start3A_517 : memref<10112xf32, #tpu.memory_space<vmem_shared>>) offsets(%dma_start3A_515 : memref<128xi32, #tpu.memory_space<vmem>>) semaphore(%arg20 : memref<!tpu.dma_semaphore, #tpu.memory_space<semaphore_mem>>) {add = true}
      %add3A_518 = arith.constant 6 : i32
      %add3A_519 = arith.addi %mul3A_170, %add3A_518 : i32
      %dma_start3A_520 = arith.constant 6 : i32
      %dma_start3A_521 = arith.constant 0 : i32
      %dma_start3A_522 = arith.constant 0 : i32
      %dma_start3A_523 = tpu.memref_slice %arg11[%dma_start3A_520, %dma_start3A_521, %dma_start3A_522] : memref<8x128x32xf32, #tpu.memory_space<vmem>> -> memref<1x128x32xf32, #tpu.memory_space<vmem>>
      %dma_start3A_524 = tpu.memref_squeeze %dma_start3A_523 : memref<1x128x32xf32, #tpu.memory_space<vmem>> -> memref<128x32xf32, #tpu.memory_space<vmem>>
      %dma_start3A_525 = arith.constant 0 : i32
      %dma_start3A_526 = tpu.memref_slice %arg10[%add3A_519, %dma_start3A_525] : memref<80x128xi32, #tpu.memory_space<vmem>> -> memref<1x128xi32, #tpu.memory_space<vmem>>
      %dma_start3A_527 = tpu.memref_squeeze %dma_start3A_526 : memref<1x128xi32, #tpu.memory_space<vmem>> -> memref<128xi32, #tpu.memory_space<vmem>>
      %dma_start3A_528 = arith.constant 0 : i32
      %dma_start3A_529 = arith.constant 0 : i32
      %dma_start3A_530 = tpu.memref_slice %arg16[%dma_start3A_528, %dma_start3A_529] : memref<10112x32xf32, #tpu.memory_space<vmem_shared>> -> memref<10112x32xf32, #tpu.memory_space<vmem_shared>>
      tpu.enqueue_indirect_dma source(%dma_start3A_524 : memref<128x32xf32, #tpu.memory_space<vmem>>) target(%dma_start3A_530 : memref<10112x32xf32, #tpu.memory_space<vmem_shared>>) offsets(%dma_start3A_527 : memref<128xi32, #tpu.memory_space<vmem>>) semaphore(%arg20 : memref<!tpu.dma_semaphore, #tpu.memory_space<semaphore_mem>>) {add = true}
      %add3A_531 = arith.constant 6 : i32
      %add3A_532 = arith.addi %mul3A_170, %add3A_531 : i32
      %dma_start3A_533 = arith.constant 0 : i32
      %dma_start3A_534 = tpu.memref_slice %arg10[%add3A_532, %dma_start3A_533] : memref<80x128xi32, #tpu.memory_space<vmem>> -> memref<1x128xi32, #tpu.memory_space<vmem>>
      %dma_start3A_535 = tpu.memref_squeeze %dma_start3A_534 : memref<1x128xi32, #tpu.memory_space<vmem>> -> memref<128xi32, #tpu.memory_space<vmem>>
      %dma_start3A_536 = arith.constant 0 : i32
      %dma_start3A_537 = tpu.memref_slice %arg17[%dma_start3A_536] : memref<10112xf32, #tpu.memory_space<vmem_shared>> -> memref<10112xf32, #tpu.memory_space<vmem_shared>>
      tpu.enqueue_indirect_dma source(%arg13 : memref<128xf32, #tpu.memory_space<vmem>>) target(%dma_start3A_537 : memref<10112xf32, #tpu.memory_space<vmem_shared>>) offsets(%dma_start3A_535 : memref<128xi32, #tpu.memory_space<vmem>>) semaphore(%arg20 : memref<!tpu.dma_semaphore, #tpu.memory_space<semaphore_mem>>) {add = true}
      %add3A_538 = arith.constant 7 : i32
      %add3A_539 = arith.addi %mul3A_170, %add3A_538 : i32
      %dma_start3A_540 = arith.constant 7 : i32
      %dma_start3A_541 = arith.constant 0 : i32
      %dma_start3A_542 = arith.constant 0 : i32
      %dma_start3A_543 = tpu.memref_slice %arg11[%dma_start3A_540, %dma_start3A_541, %dma_start3A_542] : memref<8x128x32xf32, #tpu.memory_space<vmem>> -> memref<1x128x32xf32, #tpu.memory_space<vmem>>
      %dma_start3A_544 = tpu.memref_squeeze %dma_start3A_543 : memref<1x128x32xf32, #tpu.memory_space<vmem>> -> memref<128x32xf32, #tpu.memory_space<vmem>>
      %dma_start3A_545 = arith.constant 0 : i32
      %dma_start3A_546 = tpu.memref_slice %arg10[%add3A_539, %dma_start3A_545] : memref<80x128xi32, #tpu.memory_space<vmem>> -> memref<1x128xi32, #tpu.memory_space<vmem>>
      %dma_start3A_547 = tpu.memref_squeeze %dma_start3A_546 : memref<1x128xi32, #tpu.memory_space<vmem>> -> memref<128xi32, #tpu.memory_space<vmem>>
      %dma_start3A_548 = arith.constant 0 : i32
      %dma_start3A_549 = arith.constant 0 : i32
      %dma_start3A_550 = tpu.memref_slice %arg16[%dma_start3A_548, %dma_start3A_549] : memref<10112x32xf32, #tpu.memory_space<vmem_shared>> -> memref<10112x32xf32, #tpu.memory_space<vmem_shared>>
      tpu.enqueue_indirect_dma source(%dma_start3A_544 : memref<128x32xf32, #tpu.memory_space<vmem>>) target(%dma_start3A_550 : memref<10112x32xf32, #tpu.memory_space<vmem_shared>>) offsets(%dma_start3A_547 : memref<128xi32, #tpu.memory_space<vmem>>) semaphore(%arg20 : memref<!tpu.dma_semaphore, #tpu.memory_space<semaphore_mem>>) {add = true}
      %add3A_551 = arith.constant 7 : i32
      %add3A_552 = arith.addi %mul3A_170, %add3A_551 : i32
      %dma_start3A_553 = arith.constant 0 : i32
      %dma_start3A_554 = tpu.memref_slice %arg10[%add3A_552, %dma_start3A_553] : memref<80x128xi32, #tpu.memory_space<vmem>> -> memref<1x128xi32, #tpu.memory_space<vmem>>
      %dma_start3A_555 = tpu.memref_squeeze %dma_start3A_554 : memref<1x128xi32, #tpu.memory_space<vmem>> -> memref<128xi32, #tpu.memory_space<vmem>>
      %dma_start3A_556 = arith.constant 0 : i32
      %dma_start3A_557 = tpu.memref_slice %arg17[%dma_start3A_556] : memref<10112xf32, #tpu.memory_space<vmem_shared>> -> memref<10112xf32, #tpu.memory_space<vmem_shared>>
      tpu.enqueue_indirect_dma source(%arg13 : memref<128xf32, #tpu.memory_space<vmem>>) target(%dma_start3A_557 : memref<10112xf32, #tpu.memory_space<vmem_shared>>) offsets(%dma_start3A_555 : memref<128xi32, #tpu.memory_space<vmem>>) semaphore(%arg20 : memref<!tpu.dma_semaphore, #tpu.memory_space<semaphore_mem>>) {add = true}
      %dma_wait3A_558 = arith.constant 0 : i32
      %dma_wait3A_559 = arith.constant 0 : i32
      %dma_wait3A_560 = arith.constant 0 : i32
      %dma_wait3A_561 = tpu.memref_slice %arg12[%dma_wait3A_558, %dma_wait3A_559, %dma_wait3A_560] : memref<8x128x32xf32, #tpu.memory_space<vmem>> -> memref<1x128x32xf32, #tpu.memory_space<vmem>>
      %dma_wait3A_562 = tpu.memref_squeeze %dma_wait3A_561 : memref<1x128x32xf32, #tpu.memory_space<vmem>> -> memref<128x32xf32, #tpu.memory_space<vmem>>
      %dma_wait3A_563 = arith.constant 0 : i32
      %dma_wait3A_564 = arith.constant 0 : i32
      %dma_wait3A_565 = tpu.memref_slice %arg5[%dma_wait3A_563, %dma_wait3A_564] : memref<10112x32xf32, #tpu.memory_space<hbm>> -> memref<128x32xf32, #tpu.memory_space<hbm>>
      %dma_wait3A_566 = arith.constant 0 : i32
      %dma_wait3A_567 = arith.constant 0 : i32
      %dma_wait3A_568 = tpu.memref_slice %arg12[%dma_wait3A_558, %dma_wait3A_566, %dma_wait3A_567] : memref<8x128x32xf32, #tpu.memory_space<vmem>> -> memref<1x128x32xf32, #tpu.memory_space<vmem>>
      %dma_wait3A_569 = tpu.memref_squeeze %dma_wait3A_568 : memref<1x128x32xf32, #tpu.memory_space<vmem>> -> memref<128x32xf32, #tpu.memory_space<vmem>>
      %dma_wait3A_570 = arith.constant 0 : i32
      %dma_wait3A_571 = arith.constant 0 : i32
      %dma_wait3A_572 = tpu.memref_slice %arg5[%dma_wait3A_570, %dma_wait3A_571] : memref<10112x32xf32, #tpu.memory_space<hbm>> -> memref<128x32xf32, #tpu.memory_space<hbm>>
      tpu.wait_dma2 semaphore(%arg19 : memref<!tpu.dma_semaphore, #tpu.memory_space<semaphore_mem>>) src(%dma_wait3A_572 : memref<128x32xf32, #tpu.memory_space<hbm>>) dst(%dma_wait3A_569 : memref<128x32xf32, #tpu.memory_space<vmem>>)
      %dma_wait3A_573 = arith.constant 1 : i32
      %dma_wait3A_574 = arith.constant 0 : i32
      %dma_wait3A_575 = arith.constant 0 : i32
      %dma_wait3A_576 = tpu.memref_slice %arg12[%dma_wait3A_573, %dma_wait3A_574, %dma_wait3A_575] : memref<8x128x32xf32, #tpu.memory_space<vmem>> -> memref<1x128x32xf32, #tpu.memory_space<vmem>>
      %dma_wait3A_577 = tpu.memref_squeeze %dma_wait3A_576 : memref<1x128x32xf32, #tpu.memory_space<vmem>> -> memref<128x32xf32, #tpu.memory_space<vmem>>
      %dma_wait3A_578 = arith.constant 0 : i32
      %dma_wait3A_579 = arith.constant 0 : i32
      %dma_wait3A_580 = tpu.memref_slice %arg5[%dma_wait3A_578, %dma_wait3A_579] : memref<10112x32xf32, #tpu.memory_space<hbm>> -> memref<128x32xf32, #tpu.memory_space<hbm>>
      %dma_wait3A_581 = arith.constant 0 : i32
      %dma_wait3A_582 = arith.constant 0 : i32
      %dma_wait3A_583 = tpu.memref_slice %arg12[%dma_wait3A_573, %dma_wait3A_581, %dma_wait3A_582] : memref<8x128x32xf32, #tpu.memory_space<vmem>> -> memref<1x128x32xf32, #tpu.memory_space<vmem>>
      %dma_wait3A_584 = tpu.memref_squeeze %dma_wait3A_583 : memref<1x128x32xf32, #tpu.memory_space<vmem>> -> memref<128x32xf32, #tpu.memory_space<vmem>>
      %dma_wait3A_585 = arith.constant 0 : i32
      %dma_wait3A_586 = arith.constant 0 : i32
      %dma_wait3A_587 = tpu.memref_slice %arg5[%dma_wait3A_585, %dma_wait3A_586] : memref<10112x32xf32, #tpu.memory_space<hbm>> -> memref<128x32xf32, #tpu.memory_space<hbm>>
      tpu.wait_dma2 semaphore(%arg19 : memref<!tpu.dma_semaphore, #tpu.memory_space<semaphore_mem>>) src(%dma_wait3A_587 : memref<128x32xf32, #tpu.memory_space<hbm>>) dst(%dma_wait3A_584 : memref<128x32xf32, #tpu.memory_space<vmem>>)
      %dma_wait3A_588 = arith.constant 2 : i32
      %dma_wait3A_589 = arith.constant 0 : i32
      %dma_wait3A_590 = arith.constant 0 : i32
      %dma_wait3A_591 = tpu.memref_slice %arg12[%dma_wait3A_588, %dma_wait3A_589, %dma_wait3A_590] : memref<8x128x32xf32, #tpu.memory_space<vmem>> -> memref<1x128x32xf32, #tpu.memory_space<vmem>>
      %dma_wait3A_592 = tpu.memref_squeeze %dma_wait3A_591 : memref<1x128x32xf32, #tpu.memory_space<vmem>> -> memref<128x32xf32, #tpu.memory_space<vmem>>
      %dma_wait3A_593 = arith.constant 0 : i32
      %dma_wait3A_594 = arith.constant 0 : i32
      %dma_wait3A_595 = tpu.memref_slice %arg5[%dma_wait3A_593, %dma_wait3A_594] : memref<10112x32xf32, #tpu.memory_space<hbm>> -> memref<128x32xf32, #tpu.memory_space<hbm>>
      %dma_wait3A_596 = arith.constant 0 : i32
      %dma_wait3A_597 = arith.constant 0 : i32
      %dma_wait3A_598 = tpu.memref_slice %arg12[%dma_wait3A_588, %dma_wait3A_596, %dma_wait3A_597] : memref<8x128x32xf32, #tpu.memory_space<vmem>> -> memref<1x128x32xf32, #tpu.memory_space<vmem>>
      %dma_wait3A_599 = tpu.memref_squeeze %dma_wait3A_598 : memref<1x128x32xf32, #tpu.memory_space<vmem>> -> memref<128x32xf32, #tpu.memory_space<vmem>>
      %dma_wait3A_600 = arith.constant 0 : i32
      %dma_wait3A_601 = arith.constant 0 : i32
      %dma_wait3A_602 = tpu.memref_slice %arg5[%dma_wait3A_600, %dma_wait3A_601] : memref<10112x32xf32, #tpu.memory_space<hbm>> -> memref<128x32xf32, #tpu.memory_space<hbm>>
      tpu.wait_dma2 semaphore(%arg19 : memref<!tpu.dma_semaphore, #tpu.memory_space<semaphore_mem>>) src(%dma_wait3A_602 : memref<128x32xf32, #tpu.memory_space<hbm>>) dst(%dma_wait3A_599 : memref<128x32xf32, #tpu.memory_space<vmem>>)
      %dma_wait3A_603 = arith.constant 3 : i32
      %dma_wait3A_604 = arith.constant 0 : i32
      %dma_wait3A_605 = arith.constant 0 : i32
      %dma_wait3A_606 = tpu.memref_slice %arg12[%dma_wait3A_603, %dma_wait3A_604, %dma_wait3A_605] : memref<8x128x32xf32, #tpu.memory_space<vmem>> -> memref<1x128x32xf32, #tpu.memory_space<vmem>>
      %dma_wait3A_607 = tpu.memref_squeeze %dma_wait3A_606 : memref<1x128x32xf32, #tpu.memory_space<vmem>> -> memref<128x32xf32, #tpu.memory_space<vmem>>
      %dma_wait3A_608 = arith.constant 0 : i32
      %dma_wait3A_609 = arith.constant 0 : i32
      %dma_wait3A_610 = tpu.memref_slice %arg5[%dma_wait3A_608, %dma_wait3A_609] : memref<10112x32xf32, #tpu.memory_space<hbm>> -> memref<128x32xf32, #tpu.memory_space<hbm>>
      %dma_wait3A_611 = arith.constant 0 : i32
      %dma_wait3A_612 = arith.constant 0 : i32
      %dma_wait3A_613 = tpu.memref_slice %arg12[%dma_wait3A_603, %dma_wait3A_611, %dma_wait3A_612] : memref<8x128x32xf32, #tpu.memory_space<vmem>> -> memref<1x128x32xf32, #tpu.memory_space<vmem>>
      %dma_wait3A_614 = tpu.memref_squeeze %dma_wait3A_613 : memref<1x128x32xf32, #tpu.memory_space<vmem>> -> memref<128x32xf32, #tpu.memory_space<vmem>>
      %dma_wait3A_615 = arith.constant 0 : i32
      %dma_wait3A_616 = arith.constant 0 : i32
      %dma_wait3A_617 = tpu.memref_slice %arg5[%dma_wait3A_615, %dma_wait3A_616] : memref<10112x32xf32, #tpu.memory_space<hbm>> -> memref<128x32xf32, #tpu.memory_space<hbm>>
      tpu.wait_dma2 semaphore(%arg19 : memref<!tpu.dma_semaphore, #tpu.memory_space<semaphore_mem>>) src(%dma_wait3A_617 : memref<128x32xf32, #tpu.memory_space<hbm>>) dst(%dma_wait3A_614 : memref<128x32xf32, #tpu.memory_space<vmem>>)
      %dma_wait3A_618 = arith.constant 4 : i32
      %dma_wait3A_619 = arith.constant 0 : i32
      %dma_wait3A_620 = arith.constant 0 : i32
      %dma_wait3A_621 = tpu.memref_slice %arg12[%dma_wait3A_618, %dma_wait3A_619, %dma_wait3A_620] : memref<8x128x32xf32, #tpu.memory_space<vmem>> -> memref<1x128x32xf32, #tpu.memory_space<vmem>>
      %dma_wait3A_622 = tpu.memref_squeeze %dma_wait3A_621 : memref<1x128x32xf32, #tpu.memory_space<vmem>> -> memref<128x32xf32, #tpu.memory_space<vmem>>
      %dma_wait3A_623 = arith.constant 0 : i32
      %dma_wait3A_624 = arith.constant 0 : i32
      %dma_wait3A_625 = tpu.memref_slice %arg5[%dma_wait3A_623, %dma_wait3A_624] : memref<10112x32xf32, #tpu.memory_space<hbm>> -> memref<128x32xf32, #tpu.memory_space<hbm>>
      %dma_wait3A_626 = arith.constant 0 : i32
      %dma_wait3A_627 = arith.constant 0 : i32
      %dma_wait3A_628 = tpu.memref_slice %arg12[%dma_wait3A_618, %dma_wait3A_626, %dma_wait3A_627] : memref<8x128x32xf32, #tpu.memory_space<vmem>> -> memref<1x128x32xf32, #tpu.memory_space<vmem>>
      %dma_wait3A_629 = tpu.memref_squeeze %dma_wait3A_628 : memref<1x128x32xf32, #tpu.memory_space<vmem>> -> memref<128x32xf32, #tpu.memory_space<vmem>>
      %dma_wait3A_630 = arith.constant 0 : i32
      %dma_wait3A_631 = arith.constant 0 : i32
      %dma_wait3A_632 = tpu.memref_slice %arg5[%dma_wait3A_630, %dma_wait3A_631] : memref<10112x32xf32, #tpu.memory_space<hbm>> -> memref<128x32xf32, #tpu.memory_space<hbm>>
      tpu.wait_dma2 semaphore(%arg19 : memref<!tpu.dma_semaphore, #tpu.memory_space<semaphore_mem>>) src(%dma_wait3A_632 : memref<128x32xf32, #tpu.memory_space<hbm>>) dst(%dma_wait3A_629 : memref<128x32xf32, #tpu.memory_space<vmem>>)
      %dma_wait3A_633 = arith.constant 5 : i32
      %dma_wait3A_634 = arith.constant 0 : i32
      %dma_wait3A_635 = arith.constant 0 : i32
      %dma_wait3A_636 = tpu.memref_slice %arg12[%dma_wait3A_633, %dma_wait3A_634, %dma_wait3A_635] : memref<8x128x32xf32, #tpu.memory_space<vmem>> -> memref<1x128x32xf32, #tpu.memory_space<vmem>>
      %dma_wait3A_637 = tpu.memref_squeeze %dma_wait3A_636 : memref<1x128x32xf32, #tpu.memory_space<vmem>> -> memref<128x32xf32, #tpu.memory_space<vmem>>
      %dma_wait3A_638 = arith.constant 0 : i32
      %dma_wait3A_639 = arith.constant 0 : i32
      %dma_wait3A_640 = tpu.memref_slice %arg5[%dma_wait3A_638, %dma_wait3A_639] : memref<10112x32xf32, #tpu.memory_space<hbm>> -> memref<128x32xf32, #tpu.memory_space<hbm>>
      %dma_wait3A_641 = arith.constant 0 : i32
      %dma_wait3A_642 = arith.constant 0 : i32
      %dma_wait3A_643 = tpu.memref_slice %arg12[%dma_wait3A_633, %dma_wait3A_641, %dma_wait3A_642] : memref<8x128x32xf32, #tpu.memory_space<vmem>> -> memref<1x128x32xf32, #tpu.memory_space<vmem>>
      %dma_wait3A_644 = tpu.memref_squeeze %dma_wait3A_643 : memref<1x128x32xf32, #tpu.memory_space<vmem>> -> memref<128x32xf32, #tpu.memory_space<vmem>>
      %dma_wait3A_645 = arith.constant 0 : i32
      %dma_wait3A_646 = arith.constant 0 : i32
      %dma_wait3A_647 = tpu.memref_slice %arg5[%dma_wait3A_645, %dma_wait3A_646] : memref<10112x32xf32, #tpu.memory_space<hbm>> -> memref<128x32xf32, #tpu.memory_space<hbm>>
      tpu.wait_dma2 semaphore(%arg19 : memref<!tpu.dma_semaphore, #tpu.memory_space<semaphore_mem>>) src(%dma_wait3A_647 : memref<128x32xf32, #tpu.memory_space<hbm>>) dst(%dma_wait3A_644 : memref<128x32xf32, #tpu.memory_space<vmem>>)
      %dma_wait3A_648 = arith.constant 6 : i32
      %dma_wait3A_649 = arith.constant 0 : i32
      %dma_wait3A_650 = arith.constant 0 : i32
      %dma_wait3A_651 = tpu.memref_slice %arg12[%dma_wait3A_648, %dma_wait3A_649, %dma_wait3A_650] : memref<8x128x32xf32, #tpu.memory_space<vmem>> -> memref<1x128x32xf32, #tpu.memory_space<vmem>>
      %dma_wait3A_652 = tpu.memref_squeeze %dma_wait3A_651 : memref<1x128x32xf32, #tpu.memory_space<vmem>> -> memref<128x32xf32, #tpu.memory_space<vmem>>
      %dma_wait3A_653 = arith.constant 0 : i32
      %dma_wait3A_654 = arith.constant 0 : i32
      %dma_wait3A_655 = tpu.memref_slice %arg5[%dma_wait3A_653, %dma_wait3A_654] : memref<10112x32xf32, #tpu.memory_space<hbm>> -> memref<128x32xf32, #tpu.memory_space<hbm>>
      %dma_wait3A_656 = arith.constant 0 : i32
      %dma_wait3A_657 = arith.constant 0 : i32
      %dma_wait3A_658 = tpu.memref_slice %arg12[%dma_wait3A_648, %dma_wait3A_656, %dma_wait3A_657] : memref<8x128x32xf32, #tpu.memory_space<vmem>> -> memref<1x128x32xf32, #tpu.memory_space<vmem>>
      %dma_wait3A_659 = tpu.memref_squeeze %dma_wait3A_658 : memref<1x128x32xf32, #tpu.memory_space<vmem>> -> memref<128x32xf32, #tpu.memory_space<vmem>>
      %dma_wait3A_660 = arith.constant 0 : i32
      %dma_wait3A_661 = arith.constant 0 : i32
      %dma_wait3A_662 = tpu.memref_slice %arg5[%dma_wait3A_660, %dma_wait3A_661] : memref<10112x32xf32, #tpu.memory_space<hbm>> -> memref<128x32xf32, #tpu.memory_space<hbm>>
      tpu.wait_dma2 semaphore(%arg19 : memref<!tpu.dma_semaphore, #tpu.memory_space<semaphore_mem>>) src(%dma_wait3A_662 : memref<128x32xf32, #tpu.memory_space<hbm>>) dst(%dma_wait3A_659 : memref<128x32xf32, #tpu.memory_space<vmem>>)
      %dma_wait3A_663 = arith.constant 7 : i32
      %dma_wait3A_664 = arith.constant 0 : i32
      %dma_wait3A_665 = arith.constant 0 : i32
      %dma_wait3A_666 = tpu.memref_slice %arg12[%dma_wait3A_663, %dma_wait3A_664, %dma_wait3A_665] : memref<8x128x32xf32, #tpu.memory_space<vmem>> -> memref<1x128x32xf32, #tpu.memory_space<vmem>>
      %dma_wait3A_667 = tpu.memref_squeeze %dma_wait3A_666 : memref<1x128x32xf32, #tpu.memory_space<vmem>> -> memref<128x32xf32, #tpu.memory_space<vmem>>
      %dma_wait3A_668 = arith.constant 0 : i32
      %dma_wait3A_669 = arith.constant 0 : i32
      %dma_wait3A_670 = tpu.memref_slice %arg5[%dma_wait3A_668, %dma_wait3A_669] : memref<10112x32xf32, #tpu.memory_space<hbm>> -> memref<128x32xf32, #tpu.memory_space<hbm>>
      %dma_wait3A_671 = arith.constant 0 : i32
      %dma_wait3A_672 = arith.constant 0 : i32
      %dma_wait3A_673 = tpu.memref_slice %arg12[%dma_wait3A_663, %dma_wait3A_671, %dma_wait3A_672] : memref<8x128x32xf32, #tpu.memory_space<vmem>> -> memref<1x128x32xf32, #tpu.memory_space<vmem>>
      %dma_wait3A_674 = tpu.memref_squeeze %dma_wait3A_673 : memref<1x128x32xf32, #tpu.memory_space<vmem>> -> memref<128x32xf32, #tpu.memory_space<vmem>>
      %dma_wait3A_675 = arith.constant 0 : i32
      %dma_wait3A_676 = arith.constant 0 : i32
      %dma_wait3A_677 = tpu.memref_slice %arg5[%dma_wait3A_675, %dma_wait3A_676] : memref<10112x32xf32, #tpu.memory_space<hbm>> -> memref<128x32xf32, #tpu.memory_space<hbm>>
      tpu.wait_dma2 semaphore(%arg19 : memref<!tpu.dma_semaphore, #tpu.memory_space<semaphore_mem>>) src(%dma_wait3A_677 : memref<128x32xf32, #tpu.memory_space<hbm>>) dst(%dma_wait3A_674 : memref<128x32xf32, #tpu.memory_space<vmem>>)
      %dma_wait3A_678 = arith.constant 0 : i32
      %dma_wait3A_679 = arith.constant 0 : i32
      %dma_wait3A_680 = arith.constant 0 : i32
      %dma_wait3A_681 = tpu.memref_slice %arg11[%dma_wait3A_678, %dma_wait3A_679, %dma_wait3A_680] : memref<8x128x32xf32, #tpu.memory_space<vmem>> -> memref<1x128x32xf32, #tpu.memory_space<vmem>>
      %dma_wait3A_682 = tpu.memref_squeeze %dma_wait3A_681 : memref<1x128x32xf32, #tpu.memory_space<vmem>> -> memref<128x32xf32, #tpu.memory_space<vmem>>
      %dma_wait3A_683 = arith.constant 0 : i32
      %dma_wait3A_684 = tpu.memref_slice %arg10[%add3A_399, %dma_wait3A_683] : memref<80x128xi32, #tpu.memory_space<vmem>> -> memref<1x128xi32, #tpu.memory_space<vmem>>
      %dma_wait3A_685 = tpu.memref_squeeze %dma_wait3A_684 : memref<1x128xi32, #tpu.memory_space<vmem>> -> memref<128xi32, #tpu.memory_space<vmem>>
      %dma_wait3A_686 = arith.constant 0 : i32
      %dma_wait3A_687 = arith.constant 0 : i32
      %dma_wait3A_688 = tpu.memref_slice %arg16[%dma_wait3A_686, %dma_wait3A_687] : memref<10112x32xf32, #tpu.memory_space<vmem_shared>> -> memref<10112x32xf32, #tpu.memory_space<vmem_shared>>
      tpu.wait_indirect_dma semaphore(%arg20 : memref<!tpu.dma_semaphore, #tpu.memory_space<semaphore_mem>>) src(%dma_wait3A_682 : memref<128x32xf32, #tpu.memory_space<vmem>>) dst(%dma_wait3A_688 : memref<10112x32xf32, #tpu.memory_space<vmem_shared>>)
      %dma_wait3A_689 = arith.constant 0 : i32
      %dma_wait3A_690 = tpu.memref_slice %arg10[%add3A_412, %dma_wait3A_689] : memref<80x128xi32, #tpu.memory_space<vmem>> -> memref<1x128xi32, #tpu.memory_space<vmem>>
      %dma_wait3A_691 = tpu.memref_squeeze %dma_wait3A_690 : memref<1x128xi32, #tpu.memory_space<vmem>> -> memref<128xi32, #tpu.memory_space<vmem>>
      %dma_wait3A_692 = arith.constant 0 : i32
      %dma_wait3A_693 = tpu.memref_slice %arg17[%dma_wait3A_692] : memref<10112xf32, #tpu.memory_space<vmem_shared>> -> memref<10112xf32, #tpu.memory_space<vmem_shared>>
      tpu.wait_indirect_dma semaphore(%arg20 : memref<!tpu.dma_semaphore, #tpu.memory_space<semaphore_mem>>) src(%arg13 : memref<128xf32, #tpu.memory_space<vmem>>) dst(%dma_wait3A_693 : memref<10112xf32, #tpu.memory_space<vmem_shared>>)
      %dma_wait3A_694 = arith.constant 1 : i32
      %dma_wait3A_695 = arith.constant 0 : i32
      %dma_wait3A_696 = arith.constant 0 : i32
      %dma_wait3A_697 = tpu.memref_slice %arg11[%dma_wait3A_694, %dma_wait3A_695, %dma_wait3A_696] : memref<8x128x32xf32, #tpu.memory_space<vmem>> -> memref<1x128x32xf32, #tpu.memory_space<vmem>>
      %dma_wait3A_698 = tpu.memref_squeeze %dma_wait3A_697 : memref<1x128x32xf32, #tpu.memory_space<vmem>> -> memref<128x32xf32, #tpu.memory_space<vmem>>
      %dma_wait3A_699 = arith.constant 0 : i32
      %dma_wait3A_700 = tpu.memref_slice %arg10[%add3A_419, %dma_wait3A_699] : memref<80x128xi32, #tpu.memory_space<vmem>> -> memref<1x128xi32, #tpu.memory_space<vmem>>
      %dma_wait3A_701 = tpu.memref_squeeze %dma_wait3A_700 : memref<1x128xi32, #tpu.memory_space<vmem>> -> memref<128xi32, #tpu.memory_space<vmem>>
      %dma_wait3A_702 = arith.constant 0 : i32
      %dma_wait3A_703 = arith.constant 0 : i32
      %dma_wait3A_704 = tpu.memref_slice %arg16[%dma_wait3A_702, %dma_wait3A_703] : memref<10112x32xf32, #tpu.memory_space<vmem_shared>> -> memref<10112x32xf32, #tpu.memory_space<vmem_shared>>
      tpu.wait_indirect_dma semaphore(%arg20 : memref<!tpu.dma_semaphore, #tpu.memory_space<semaphore_mem>>) src(%dma_wait3A_698 : memref<128x32xf32, #tpu.memory_space<vmem>>) dst(%dma_wait3A_704 : memref<10112x32xf32, #tpu.memory_space<vmem_shared>>)
      %dma_wait3A_705 = arith.constant 0 : i32
      %dma_wait3A_706 = tpu.memref_slice %arg10[%add3A_432, %dma_wait3A_705] : memref<80x128xi32, #tpu.memory_space<vmem>> -> memref<1x128xi32, #tpu.memory_space<vmem>>
      %dma_wait3A_707 = tpu.memref_squeeze %dma_wait3A_706 : memref<1x128xi32, #tpu.memory_space<vmem>> -> memref<128xi32, #tpu.memory_space<vmem>>
      %dma_wait3A_708 = arith.constant 0 : i32
      %dma_wait3A_709 = tpu.memref_slice %arg17[%dma_wait3A_708] : memref<10112xf32, #tpu.memory_space<vmem_shared>> -> memref<10112xf32, #tpu.memory_space<vmem_shared>>
      tpu.wait_indirect_dma semaphore(%arg20 : memref<!tpu.dma_semaphore, #tpu.memory_space<semaphore_mem>>) src(%arg13 : memref<128xf32, #tpu.memory_space<vmem>>) dst(%dma_wait3A_709 : memref<10112xf32, #tpu.memory_space<vmem_shared>>)
      %dma_wait3A_710 = arith.constant 2 : i32
      %dma_wait3A_711 = arith.constant 0 : i32
      %dma_wait3A_712 = arith.constant 0 : i32
      %dma_wait3A_713 = tpu.memref_slice %arg11[%dma_wait3A_710, %dma_wait3A_711, %dma_wait3A_712] : memref<8x128x32xf32, #tpu.memory_space<vmem>> -> memref<1x128x32xf32, #tpu.memory_space<vmem>>
      %dma_wait3A_714 = tpu.memref_squeeze %dma_wait3A_713 : memref<1x128x32xf32, #tpu.memory_space<vmem>> -> memref<128x32xf32, #tpu.memory_space<vmem>>
      %dma_wait3A_715 = arith.constant 0 : i32
      %dma_wait3A_716 = tpu.memref_slice %arg10[%add3A_439, %dma_wait3A_715] : memref<80x128xi32, #tpu.memory_space<vmem>> -> memref<1x128xi32, #tpu.memory_space<vmem>>
      %dma_wait3A_717 = tpu.memref_squeeze %dma_wait3A_716 : memref<1x128xi32, #tpu.memory_space<vmem>> -> memref<128xi32, #tpu.memory_space<vmem>>
      %dma_wait3A_718 = arith.constant 0 : i32
      %dma_wait3A_719 = arith.constant 0 : i32
      %dma_wait3A_720 = tpu.memref_slice %arg16[%dma_wait3A_718, %dma_wait3A_719] : memref<10112x32xf32, #tpu.memory_space<vmem_shared>> -> memref<10112x32xf32, #tpu.memory_space<vmem_shared>>
      tpu.wait_indirect_dma semaphore(%arg20 : memref<!tpu.dma_semaphore, #tpu.memory_space<semaphore_mem>>) src(%dma_wait3A_714 : memref<128x32xf32, #tpu.memory_space<vmem>>) dst(%dma_wait3A_720 : memref<10112x32xf32, #tpu.memory_space<vmem_shared>>)
      %dma_wait3A_721 = arith.constant 0 : i32
      %dma_wait3A_722 = tpu.memref_slice %arg10[%add3A_452, %dma_wait3A_721] : memref<80x128xi32, #tpu.memory_space<vmem>> -> memref<1x128xi32, #tpu.memory_space<vmem>>
      %dma_wait3A_723 = tpu.memref_squeeze %dma_wait3A_722 : memref<1x128xi32, #tpu.memory_space<vmem>> -> memref<128xi32, #tpu.memory_space<vmem>>
      %dma_wait3A_724 = arith.constant 0 : i32
      %dma_wait3A_725 = tpu.memref_slice %arg17[%dma_wait3A_724] : memref<10112xf32, #tpu.memory_space<vmem_shared>> -> memref<10112xf32, #tpu.memory_space<vmem_shared>>
      tpu.wait_indirect_dma semaphore(%arg20 : memref<!tpu.dma_semaphore, #tpu.memory_space<semaphore_mem>>) src(%arg13 : memref<128xf32, #tpu.memory_space<vmem>>) dst(%dma_wait3A_725 : memref<10112xf32, #tpu.memory_space<vmem_shared>>)
      %dma_wait3A_726 = arith.constant 3 : i32
      %dma_wait3A_727 = arith.constant 0 : i32
      %dma_wait3A_728 = arith.constant 0 : i32
      %dma_wait3A_729 = tpu.memref_slice %arg11[%dma_wait3A_726, %dma_wait3A_727, %dma_wait3A_728] : memref<8x128x32xf32, #tpu.memory_space<vmem>> -> memref<1x128x32xf32, #tpu.memory_space<vmem>>
      %dma_wait3A_730 = tpu.memref_squeeze %dma_wait3A_729 : memref<1x128x32xf32, #tpu.memory_space<vmem>> -> memref<128x32xf32, #tpu.memory_space<vmem>>
      %dma_wait3A_731 = arith.constant 0 : i32
      %dma_wait3A_732 = tpu.memref_slice %arg10[%add3A_459, %dma_wait3A_731] : memref<80x128xi32, #tpu.memory_space<vmem>> -> memref<1x128xi32, #tpu.memory_space<vmem>>
      %dma_wait3A_733 = tpu.memref_squeeze %dma_wait3A_732 : memref<1x128xi32, #tpu.memory_space<vmem>> -> memref<128xi32, #tpu.memory_space<vmem>>
      %dma_wait3A_734 = arith.constant 0 : i32
      %dma_wait3A_735 = arith.constant 0 : i32
      %dma_wait3A_736 = tpu.memref_slice %arg16[%dma_wait3A_734, %dma_wait3A_735] : memref<10112x32xf32, #tpu.memory_space<vmem_shared>> -> memref<10112x32xf32, #tpu.memory_space<vmem_shared>>
      tpu.wait_indirect_dma semaphore(%arg20 : memref<!tpu.dma_semaphore, #tpu.memory_space<semaphore_mem>>) src(%dma_wait3A_730 : memref<128x32xf32, #tpu.memory_space<vmem>>) dst(%dma_wait3A_736 : memref<10112x32xf32, #tpu.memory_space<vmem_shared>>)
      %dma_wait3A_737 = arith.constant 0 : i32
      %dma_wait3A_738 = tpu.memref_slice %arg10[%add3A_472, %dma_wait3A_737] : memref<80x128xi32, #tpu.memory_space<vmem>> -> memref<1x128xi32, #tpu.memory_space<vmem>>
      %dma_wait3A_739 = tpu.memref_squeeze %dma_wait3A_738 : memref<1x128xi32, #tpu.memory_space<vmem>> -> memref<128xi32, #tpu.memory_space<vmem>>
      %dma_wait3A_740 = arith.constant 0 : i32
      %dma_wait3A_741 = tpu.memref_slice %arg17[%dma_wait3A_740] : memref<10112xf32, #tpu.memory_space<vmem_shared>> -> memref<10112xf32, #tpu.memory_space<vmem_shared>>
      tpu.wait_indirect_dma semaphore(%arg20 : memref<!tpu.dma_semaphore, #tpu.memory_space<semaphore_mem>>) src(%arg13 : memref<128xf32, #tpu.memory_space<vmem>>) dst(%dma_wait3A_741 : memref<10112xf32, #tpu.memory_space<vmem_shared>>)
      %dma_wait3A_742 = arith.constant 4 : i32
      %dma_wait3A_743 = arith.constant 0 : i32
      %dma_wait3A_744 = arith.constant 0 : i32
      %dma_wait3A_745 = tpu.memref_slice %arg11[%dma_wait3A_742, %dma_wait3A_743, %dma_wait3A_744] : memref<8x128x32xf32, #tpu.memory_space<vmem>> -> memref<1x128x32xf32, #tpu.memory_space<vmem>>
      %dma_wait3A_746 = tpu.memref_squeeze %dma_wait3A_745 : memref<1x128x32xf32, #tpu.memory_space<vmem>> -> memref<128x32xf32, #tpu.memory_space<vmem>>
      %dma_wait3A_747 = arith.constant 0 : i32
      %dma_wait3A_748 = tpu.memref_slice %arg10[%add3A_479, %dma_wait3A_747] : memref<80x128xi32, #tpu.memory_space<vmem>> -> memref<1x128xi32, #tpu.memory_space<vmem>>
      %dma_wait3A_749 = tpu.memref_squeeze %dma_wait3A_748 : memref<1x128xi32, #tpu.memory_space<vmem>> -> memref<128xi32, #tpu.memory_space<vmem>>
      %dma_wait3A_750 = arith.constant 0 : i32
      %dma_wait3A_751 = arith.constant 0 : i32
      %dma_wait3A_752 = tpu.memref_slice %arg16[%dma_wait3A_750, %dma_wait3A_751] : memref<10112x32xf32, #tpu.memory_space<vmem_shared>> -> memref<10112x32xf32, #tpu.memory_space<vmem_shared>>
      tpu.wait_indirect_dma semaphore(%arg20 : memref<!tpu.dma_semaphore, #tpu.memory_space<semaphore_mem>>) src(%dma_wait3A_746 : memref<128x32xf32, #tpu.memory_space<vmem>>) dst(%dma_wait3A_752 : memref<10112x32xf32, #tpu.memory_space<vmem_shared>>)
      %dma_wait3A_753 = arith.constant 0 : i32
      %dma_wait3A_754 = tpu.memref_slice %arg10[%add3A_492, %dma_wait3A_753] : memref<80x128xi32, #tpu.memory_space<vmem>> -> memref<1x128xi32, #tpu.memory_space<vmem>>
      %dma_wait3A_755 = tpu.memref_squeeze %dma_wait3A_754 : memref<1x128xi32, #tpu.memory_space<vmem>> -> memref<128xi32, #tpu.memory_space<vmem>>
      %dma_wait3A_756 = arith.constant 0 : i32
      %dma_wait3A_757 = tpu.memref_slice %arg17[%dma_wait3A_756] : memref<10112xf32, #tpu.memory_space<vmem_shared>> -> memref<10112xf32, #tpu.memory_space<vmem_shared>>
      tpu.wait_indirect_dma semaphore(%arg20 : memref<!tpu.dma_semaphore, #tpu.memory_space<semaphore_mem>>) src(%arg13 : memref<128xf32, #tpu.memory_space<vmem>>) dst(%dma_wait3A_757 : memref<10112xf32, #tpu.memory_space<vmem_shared>>)
      %dma_wait3A_758 = arith.constant 5 : i32
      %dma_wait3A_759 = arith.constant 0 : i32
      %dma_wait3A_760 = arith.constant 0 : i32
      %dma_wait3A_761 = tpu.memref_slice %arg11[%dma_wait3A_758, %dma_wait3A_759, %dma_wait3A_760] : memref<8x128x32xf32, #tpu.memory_space<vmem>> -> memref<1x128x32xf32, #tpu.memory_space<vmem>>
      %dma_wait3A_762 = tpu.memref_squeeze %dma_wait3A_761 : memref<1x128x32xf32, #tpu.memory_space<vmem>> -> memref<128x32xf32, #tpu.memory_space<vmem>>
      %dma_wait3A_763 = arith.constant 0 : i32
      %dma_wait3A_764 = tpu.memref_slice %arg10[%add3A_499, %dma_wait3A_763] : memref<80x128xi32, #tpu.memory_space<vmem>> -> memref<1x128xi32, #tpu.memory_space<vmem>>
      %dma_wait3A_765 = tpu.memref_squeeze %dma_wait3A_764 : memref<1x128xi32, #tpu.memory_space<vmem>> -> memref<128xi32, #tpu.memory_space<vmem>>
      %dma_wait3A_766 = arith.constant 0 : i32
      %dma_wait3A_767 = arith.constant 0 : i32
      %dma_wait3A_768 = tpu.memref_slice %arg16[%dma_wait3A_766, %dma_wait3A_767] : memref<10112x32xf32, #tpu.memory_space<vmem_shared>> -> memref<10112x32xf32, #tpu.memory_space<vmem_shared>>
      tpu.wait_indirect_dma semaphore(%arg20 : memref<!tpu.dma_semaphore, #tpu.memory_space<semaphore_mem>>) src(%dma_wait3A_762 : memref<128x32xf32, #tpu.memory_space<vmem>>) dst(%dma_wait3A_768 : memref<10112x32xf32, #tpu.memory_space<vmem_shared>>)
      %dma_wait3A_769 = arith.constant 0 : i32
      %dma_wait3A_770 = tpu.memref_slice %arg10[%add3A_512, %dma_wait3A_769] : memref<80x128xi32, #tpu.memory_space<vmem>> -> memref<1x128xi32, #tpu.memory_space<vmem>>
      %dma_wait3A_771 = tpu.memref_squeeze %dma_wait3A_770 : memref<1x128xi32, #tpu.memory_space<vmem>> -> memref<128xi32, #tpu.memory_space<vmem>>
      %dma_wait3A_772 = arith.constant 0 : i32
      %dma_wait3A_773 = tpu.memref_slice %arg17[%dma_wait3A_772] : memref<10112xf32, #tpu.memory_space<vmem_shared>> -> memref<10112xf32, #tpu.memory_space<vmem_shared>>
      tpu.wait_indirect_dma semaphore(%arg20 : memref<!tpu.dma_semaphore, #tpu.memory_space<semaphore_mem>>) src(%arg13 : memref<128xf32, #tpu.memory_space<vmem>>) dst(%dma_wait3A_773 : memref<10112xf32, #tpu.memory_space<vmem_shared>>)
      %dma_wait3A_774 = arith.constant 6 : i32
      %dma_wait3A_775 = arith.constant 0 : i32
      %dma_wait3A_776 = arith.constant 0 : i32
      %dma_wait3A_777 = tpu.memref_slice %arg11[%dma_wait3A_774, %dma_wait3A_775, %dma_wait3A_776] : memref<8x128x32xf32, #tpu.memory_space<vmem>> -> memref<1x128x32xf32, #tpu.memory_space<vmem>>
      %dma_wait3A_778 = tpu.memref_squeeze %dma_wait3A_777 : memref<1x128x32xf32, #tpu.memory_space<vmem>> -> memref<128x32xf32, #tpu.memory_space<vmem>>
      %dma_wait3A_779 = arith.constant 0 : i32
      %dma_wait3A_780 = tpu.memref_slice %arg10[%add3A_519, %dma_wait3A_779] : memref<80x128xi32, #tpu.memory_space<vmem>> -> memref<1x128xi32, #tpu.memory_space<vmem>>
      %dma_wait3A_781 = tpu.memref_squeeze %dma_wait3A_780 : memref<1x128xi32, #tpu.memory_space<vmem>> -> memref<128xi32, #tpu.memory_space<vmem>>
      %dma_wait3A_782 = arith.constant 0 : i32
      %dma_wait3A_783 = arith.constant 0 : i32
      %dma_wait3A_784 = tpu.memref_slice %arg16[%dma_wait3A_782, %dma_wait3A_783] : memref<10112x32xf32, #tpu.memory_space<vmem_shared>> -> memref<10112x32xf32, #tpu.memory_space<vmem_shared>>
      tpu.wait_indirect_dma semaphore(%arg20 : memref<!tpu.dma_semaphore, #tpu.memory_space<semaphore_mem>>) src(%dma_wait3A_778 : memref<128x32xf32, #tpu.memory_space<vmem>>) dst(%dma_wait3A_784 : memref<10112x32xf32, #tpu.memory_space<vmem_shared>>)
      %dma_wait3A_785 = arith.constant 0 : i32
      %dma_wait3A_786 = tpu.memref_slice %arg10[%add3A_532, %dma_wait3A_785] : memref<80x128xi32, #tpu.memory_space<vmem>> -> memref<1x128xi32, #tpu.memory_space<vmem>>
      %dma_wait3A_787 = tpu.memref_squeeze %dma_wait3A_786 : memref<1x128xi32, #tpu.memory_space<vmem>> -> memref<128xi32, #tpu.memory_space<vmem>>
      %dma_wait3A_788 = arith.constant 0 : i32
      %dma_wait3A_789 = tpu.memref_slice %arg17[%dma_wait3A_788] : memref<10112xf32, #tpu.memory_space<vmem_shared>> -> memref<10112xf32, #tpu.memory_space<vmem_shared>>
      tpu.wait_indirect_dma semaphore(%arg20 : memref<!tpu.dma_semaphore, #tpu.memory_space<semaphore_mem>>) src(%arg13 : memref<128xf32, #tpu.memory_space<vmem>>) dst(%dma_wait3A_789 : memref<10112xf32, #tpu.memory_space<vmem_shared>>)
      %dma_wait3A_790 = arith.constant 7 : i32
      %dma_wait3A_791 = arith.constant 0 : i32
      %dma_wait3A_792 = arith.constant 0 : i32
      %dma_wait3A_793 = tpu.memref_slice %arg11[%dma_wait3A_790, %dma_wait3A_791, %dma_wait3A_792] : memref<8x128x32xf32, #tpu.memory_space<vmem>> -> memref<1x128x32xf32, #tpu.memory_space<vmem>>
      %dma_wait3A_794 = tpu.memref_squeeze %dma_wait3A_793 : memref<1x128x32xf32, #tpu.memory_space<vmem>> -> memref<128x32xf32, #tpu.memory_space<vmem>>
      %dma_wait3A_795 = arith.constant 0 : i32
      %dma_wait3A_796 = tpu.memref_slice %arg10[%add3A_539, %dma_wait3A_795] : memref<80x128xi32, #tpu.memory_space<vmem>> -> memref<1x128xi32, #tpu.memory_space<vmem>>
      %dma_wait3A_797 = tpu.memref_squeeze %dma_wait3A_796 : memref<1x128xi32, #tpu.memory_space<vmem>> -> memref<128xi32, #tpu.memory_space<vmem>>
      %dma_wait3A_798 = arith.constant 0 : i32
      %dma_wait3A_799 = arith.constant 0 : i32
      %dma_wait3A_800 = tpu.memref_slice %arg16[%dma_wait3A_798, %dma_wait3A_799] : memref<10112x32xf32, #tpu.memory_space<vmem_shared>> -> memref<10112x32xf32, #tpu.memory_space<vmem_shared>>
      tpu.wait_indirect_dma semaphore(%arg20 : memref<!tpu.dma_semaphore, #tpu.memory_space<semaphore_mem>>) src(%dma_wait3A_794 : memref<128x32xf32, #tpu.memory_space<vmem>>) dst(%dma_wait3A_800 : memref<10112x32xf32, #tpu.memory_space<vmem_shared>>)
      %dma_wait3A_801 = arith.constant 0 : i32
      %dma_wait3A_802 = tpu.memref_slice %arg10[%add3A_552, %dma_wait3A_801] : memref<80x128xi32, #tpu.memory_space<vmem>> -> memref<1x128xi32, #tpu.memory_space<vmem>>
      %dma_wait3A_803 = tpu.memref_squeeze %dma_wait3A_802 : memref<1x128xi32, #tpu.memory_space<vmem>> -> memref<128xi32, #tpu.memory_space<vmem>>
      %dma_wait3A_804 = arith.constant 0 : i32
      %dma_wait3A_805 = tpu.memref_slice %arg17[%dma_wait3A_804] : memref<10112xf32, #tpu.memory_space<vmem_shared>> -> memref<10112xf32, #tpu.memory_space<vmem_shared>>
      tpu.wait_indirect_dma semaphore(%arg20 : memref<!tpu.dma_semaphore, #tpu.memory_space<semaphore_mem>>) src(%arg13 : memref<128xf32, #tpu.memory_space<vmem>>) dst(%dma_wait3A_805 : memref<10112xf32, #tpu.memory_space<vmem_shared>>)
      %lt3A = arith.constant 4 : i32
      %lt3A_806 = arith.cmpi slt, %scan3A_166, %lt3A : i32
      %convert_element_type3A = arith.extui %lt3A_806 : i1 to i32
      %cond3A = arith.constant 0 : i32
      %cond3A_807 = arith.cmpi ne, %convert_element_type3A, %cond3A : i32
      scf.if %cond3A_807 {
        %add3A_1096 = arith.constant 0 : i32
        %add3A_1097 = arith.addi %add3A_174, %add3A_1096 : i32
        %dma_start3A_1098 = arith.constant 0 : i32
        %dma_start3A_1099 = arith.constant 0 : i32
        %dma_start3A_1100 = arith.constant 0 : i32
        %dma_start3A_1101 = tpu.memref_slice %arg11[%dma_start3A_1098, %dma_start3A_1099, %dma_start3A_1100] : memref<8x128x32xf32, #tpu.memory_space<vmem>> -> memref<1x128x32xf32, #tpu.memory_space<vmem>>
        %dma_start3A_1102 = tpu.memref_squeeze %dma_start3A_1101 : memref<1x128x32xf32, #tpu.memory_space<vmem>> -> memref<128x32xf32, #tpu.memory_space<vmem>>
        %dma_start3A_1103 = arith.constant 0 : i32
        %dma_start3A_1104 = tpu.memref_slice %arg9[%add3A_1097, %dma_start3A_1103] : memref<80x128xi32, #tpu.memory_space<vmem>> -> memref<1x128xi32, #tpu.memory_space<vmem>>
        %dma_start3A_1105 = tpu.memref_squeeze %dma_start3A_1104 : memref<1x128xi32, #tpu.memory_space<vmem>> -> memref<128xi32, #tpu.memory_space<vmem>>
        %dma_start3A_1106 = arith.constant 0 : i32
        %dma_start3A_1107 = arith.constant 0 : i32
        %dma_start3A_1108 = tpu.memref_slice %arg15[%dma_start3A_1106, %dma_start3A_1107] : memref<10000x32xf32, #tpu.memory_space<vmem_shared>> -> memref<10000x32xf32, #tpu.memory_space<vmem_shared>>
        tpu.enqueue_indirect_dma source(%dma_start3A_1108 : memref<10000x32xf32, #tpu.memory_space<vmem_shared>>) target(%dma_start3A_1102 : memref<128x32xf32, #tpu.memory_space<vmem>>) offsets(%dma_start3A_1105 : memref<128xi32, #tpu.memory_space<vmem>>) semaphore(%arg18 : memref<!tpu.dma_semaphore, #tpu.memory_space<semaphore_mem>>)
        %add3A_1109 = arith.constant 1 : i32
        %add3A_1110 = arith.addi %add3A_174, %add3A_1109 : i32
        %dma_start3A_1111 = arith.constant 1 : i32
        %dma_start3A_1112 = arith.constant 0 : i32
        %dma_start3A_1113 = arith.constant 0 : i32
        %dma_start3A_1114 = tpu.memref_slice %arg11[%dma_start3A_1111, %dma_start3A_1112, %dma_start3A_1113] : memref<8x128x32xf32, #tpu.memory_space<vmem>> -> memref<1x128x32xf32, #tpu.memory_space<vmem>>
        %dma_start3A_1115 = tpu.memref_squeeze %dma_start3A_1114 : memref<1x128x32xf32, #tpu.memory_space<vmem>> -> memref<128x32xf32, #tpu.memory_space<vmem>>
        %dma_start3A_1116 = arith.constant 0 : i32
        %dma_start3A_1117 = tpu.memref_slice %arg9[%add3A_1110, %dma_start3A_1116] : memref<80x128xi32, #tpu.memory_space<vmem>> -> memref<1x128xi32, #tpu.memory_space<vmem>>
        %dma_start3A_1118 = tpu.memref_squeeze %dma_start3A_1117 : memref<1x128xi32, #tpu.memory_space<vmem>> -> memref<128xi32, #tpu.memory_space<vmem>>
        %dma_start3A_1119 = arith.constant 0 : i32
        %dma_start3A_1120 = arith.constant 0 : i32
        %dma_start3A_1121 = tpu.memref_slice %arg15[%dma_start3A_1119, %dma_start3A_1120] : memref<10000x32xf32, #tpu.memory_space<vmem_shared>> -> memref<10000x32xf32, #tpu.memory_space<vmem_shared>>
        tpu.enqueue_indirect_dma source(%dma_start3A_1121 : memref<10000x32xf32, #tpu.memory_space<vmem_shared>>) target(%dma_start3A_1115 : memref<128x32xf32, #tpu.memory_space<vmem>>) offsets(%dma_start3A_1118 : memref<128xi32, #tpu.memory_space<vmem>>) semaphore(%arg18 : memref<!tpu.dma_semaphore, #tpu.memory_space<semaphore_mem>>)
        %add3A_1122 = arith.constant 2 : i32
        %add3A_1123 = arith.addi %add3A_174, %add3A_1122 : i32
        %dma_start3A_1124 = arith.constant 2 : i32
        %dma_start3A_1125 = arith.constant 0 : i32
        %dma_start3A_1126 = arith.constant 0 : i32
        %dma_start3A_1127 = tpu.memref_slice %arg11[%dma_start3A_1124, %dma_start3A_1125, %dma_start3A_1126] : memref<8x128x32xf32, #tpu.memory_space<vmem>> -> memref<1x128x32xf32, #tpu.memory_space<vmem>>
        %dma_start3A_1128 = tpu.memref_squeeze %dma_start3A_1127 : memref<1x128x32xf32, #tpu.memory_space<vmem>> -> memref<128x32xf32, #tpu.memory_space<vmem>>
        %dma_start3A_1129 = arith.constant 0 : i32
        %dma_start3A_1130 = tpu.memref_slice %arg9[%add3A_1123, %dma_start3A_1129] : memref<80x128xi32, #tpu.memory_space<vmem>> -> memref<1x128xi32, #tpu.memory_space<vmem>>
        %dma_start3A_1131 = tpu.memref_squeeze %dma_start3A_1130 : memref<1x128xi32, #tpu.memory_space<vmem>> -> memref<128xi32, #tpu.memory_space<vmem>>
        %dma_start3A_1132 = arith.constant 0 : i32
        %dma_start3A_1133 = arith.constant 0 : i32
        %dma_start3A_1134 = tpu.memref_slice %arg15[%dma_start3A_1132, %dma_start3A_1133] : memref<10000x32xf32, #tpu.memory_space<vmem_shared>> -> memref<10000x32xf32, #tpu.memory_space<vmem_shared>>
        tpu.enqueue_indirect_dma source(%dma_start3A_1134 : memref<10000x32xf32, #tpu.memory_space<vmem_shared>>) target(%dma_start3A_1128 : memref<128x32xf32, #tpu.memory_space<vmem>>) offsets(%dma_start3A_1131 : memref<128xi32, #tpu.memory_space<vmem>>) semaphore(%arg18 : memref<!tpu.dma_semaphore, #tpu.memory_space<semaphore_mem>>)
        %add3A_1135 = arith.constant 3 : i32
        %add3A_1136 = arith.addi %add3A_174, %add3A_1135 : i32
        %dma_start3A_1137 = arith.constant 3 : i32
        %dma_start3A_1138 = arith.constant 0 : i32
        %dma_start3A_1139 = arith.constant 0 : i32
        %dma_start3A_1140 = tpu.memref_slice %arg11[%dma_start3A_1137, %dma_start3A_1138, %dma_start3A_1139] : memref<8x128x32xf32, #tpu.memory_space<vmem>> -> memref<1x128x32xf32, #tpu.memory_space<vmem>>
        %dma_start3A_1141 = tpu.memref_squeeze %dma_start3A_1140 : memref<1x128x32xf32, #tpu.memory_space<vmem>> -> memref<128x32xf32, #tpu.memory_space<vmem>>
        %dma_start3A_1142 = arith.constant 0 : i32
        %dma_start3A_1143 = tpu.memref_slice %arg9[%add3A_1136, %dma_start3A_1142] : memref<80x128xi32, #tpu.memory_space<vmem>> -> memref<1x128xi32, #tpu.memory_space<vmem>>
        %dma_start3A_1144 = tpu.memref_squeeze %dma_start3A_1143 : memref<1x128xi32, #tpu.memory_space<vmem>> -> memref<128xi32, #tpu.memory_space<vmem>>
        %dma_start3A_1145 = arith.constant 0 : i32
        %dma_start3A_1146 = arith.constant 0 : i32
        %dma_start3A_1147 = tpu.memref_slice %arg15[%dma_start3A_1145, %dma_start3A_1146] : memref<10000x32xf32, #tpu.memory_space<vmem_shared>> -> memref<10000x32xf32, #tpu.memory_space<vmem_shared>>
        tpu.enqueue_indirect_dma source(%dma_start3A_1147 : memref<10000x32xf32, #tpu.memory_space<vmem_shared>>) target(%dma_start3A_1141 : memref<128x32xf32, #tpu.memory_space<vmem>>) offsets(%dma_start3A_1144 : memref<128xi32, #tpu.memory_space<vmem>>) semaphore(%arg18 : memref<!tpu.dma_semaphore, #tpu.memory_space<semaphore_mem>>)
        %add3A_1148 = arith.constant 4 : i32
        %add3A_1149 = arith.addi %add3A_174, %add3A_1148 : i32
        %dma_start3A_1150 = arith.constant 4 : i32
        %dma_start3A_1151 = arith.constant 0 : i32
        %dma_start3A_1152 = arith.constant 0 : i32
        %dma_start3A_1153 = tpu.memref_slice %arg11[%dma_start3A_1150, %dma_start3A_1151, %dma_start3A_1152] : memref<8x128x32xf32, #tpu.memory_space<vmem>> -> memref<1x128x32xf32, #tpu.memory_space<vmem>>
        %dma_start3A_1154 = tpu.memref_squeeze %dma_start3A_1153 : memref<1x128x32xf32, #tpu.memory_space<vmem>> -> memref<128x32xf32, #tpu.memory_space<vmem>>
        %dma_start3A_1155 = arith.constant 0 : i32
        %dma_start3A_1156 = tpu.memref_slice %arg9[%add3A_1149, %dma_start3A_1155] : memref<80x128xi32, #tpu.memory_space<vmem>> -> memref<1x128xi32, #tpu.memory_space<vmem>>
        %dma_start3A_1157 = tpu.memref_squeeze %dma_start3A_1156 : memref<1x128xi32, #tpu.memory_space<vmem>> -> memref<128xi32, #tpu.memory_space<vmem>>
        %dma_start3A_1158 = arith.constant 0 : i32
        %dma_start3A_1159 = arith.constant 0 : i32
        %dma_start3A_1160 = tpu.memref_slice %arg15[%dma_start3A_1158, %dma_start3A_1159] : memref<10000x32xf32, #tpu.memory_space<vmem_shared>> -> memref<10000x32xf32, #tpu.memory_space<vmem_shared>>
        tpu.enqueue_indirect_dma source(%dma_start3A_1160 : memref<10000x32xf32, #tpu.memory_space<vmem_shared>>) target(%dma_start3A_1154 : memref<128x32xf32, #tpu.memory_space<vmem>>) offsets(%dma_start3A_1157 : memref<128xi32, #tpu.memory_space<vmem>>) semaphore(%arg18 : memref<!tpu.dma_semaphore, #tpu.memory_space<semaphore_mem>>)
        %add3A_1161 = arith.constant 5 : i32
        %add3A_1162 = arith.addi %add3A_174, %add3A_1161 : i32
        %dma_start3A_1163 = arith.constant 5 : i32
        %dma_start3A_1164 = arith.constant 0 : i32
        %dma_start3A_1165 = arith.constant 0 : i32
        %dma_start3A_1166 = tpu.memref_slice %arg11[%dma_start3A_1163, %dma_start3A_1164, %dma_start3A_1165] : memref<8x128x32xf32, #tpu.memory_space<vmem>> -> memref<1x128x32xf32, #tpu.memory_space<vmem>>
        %dma_start3A_1167 = tpu.memref_squeeze %dma_start3A_1166 : memref<1x128x32xf32, #tpu.memory_space<vmem>> -> memref<128x32xf32, #tpu.memory_space<vmem>>
        %dma_start3A_1168 = arith.constant 0 : i32
        %dma_start3A_1169 = tpu.memref_slice %arg9[%add3A_1162, %dma_start3A_1168] : memref<80x128xi32, #tpu.memory_space<vmem>> -> memref<1x128xi32, #tpu.memory_space<vmem>>
        %dma_start3A_1170 = tpu.memref_squeeze %dma_start3A_1169 : memref<1x128xi32, #tpu.memory_space<vmem>> -> memref<128xi32, #tpu.memory_space<vmem>>
        %dma_start3A_1171 = arith.constant 0 : i32
        %dma_start3A_1172 = arith.constant 0 : i32
        %dma_start3A_1173 = tpu.memref_slice %arg15[%dma_start3A_1171, %dma_start3A_1172] : memref<10000x32xf32, #tpu.memory_space<vmem_shared>> -> memref<10000x32xf32, #tpu.memory_space<vmem_shared>>
        tpu.enqueue_indirect_dma source(%dma_start3A_1173 : memref<10000x32xf32, #tpu.memory_space<vmem_shared>>) target(%dma_start3A_1167 : memref<128x32xf32, #tpu.memory_space<vmem>>) offsets(%dma_start3A_1170 : memref<128xi32, #tpu.memory_space<vmem>>) semaphore(%arg18 : memref<!tpu.dma_semaphore, #tpu.memory_space<semaphore_mem>>)
        %add3A_1174 = arith.constant 6 : i32
        %add3A_1175 = arith.addi %add3A_174, %add3A_1174 : i32
        %dma_start3A_1176 = arith.constant 6 : i32
        %dma_start3A_1177 = arith.constant 0 : i32
        %dma_start3A_1178 = arith.constant 0 : i32
        %dma_start3A_1179 = tpu.memref_slice %arg11[%dma_start3A_1176, %dma_start3A_1177, %dma_start3A_1178] : memref<8x128x32xf32, #tpu.memory_space<vmem>> -> memref<1x128x32xf32, #tpu.memory_space<vmem>>
        %dma_start3A_1180 = tpu.memref_squeeze %dma_start3A_1179 : memref<1x128x32xf32, #tpu.memory_space<vmem>> -> memref<128x32xf32, #tpu.memory_space<vmem>>
        %dma_start3A_1181 = arith.constant 0 : i32
        %dma_start3A_1182 = tpu.memref_slice %arg9[%add3A_1175, %dma_start3A_1181] : memref<80x128xi32, #tpu.memory_space<vmem>> -> memref<1x128xi32, #tpu.memory_space<vmem>>
        %dma_start3A_1183 = tpu.memref_squeeze %dma_start3A_1182 : memref<1x128xi32, #tpu.memory_space<vmem>> -> memref<128xi32, #tpu.memory_space<vmem>>
        %dma_start3A_1184 = arith.constant 0 : i32
        %dma_start3A_1185 = arith.constant 0 : i32
        %dma_start3A_1186 = tpu.memref_slice %arg15[%dma_start3A_1184, %dma_start3A_1185] : memref<10000x32xf32, #tpu.memory_space<vmem_shared>> -> memref<10000x32xf32, #tpu.memory_space<vmem_shared>>
        tpu.enqueue_indirect_dma source(%dma_start3A_1186 : memref<10000x32xf32, #tpu.memory_space<vmem_shared>>) target(%dma_start3A_1180 : memref<128x32xf32, #tpu.memory_space<vmem>>) offsets(%dma_start3A_1183 : memref<128xi32, #tpu.memory_space<vmem>>) semaphore(%arg18 : memref<!tpu.dma_semaphore, #tpu.memory_space<semaphore_mem>>)
        %add3A_1187 = arith.constant 7 : i32
        %add3A_1188 = arith.addi %add3A_174, %add3A_1187 : i32
        %dma_start3A_1189 = arith.constant 7 : i32
        %dma_start3A_1190 = arith.constant 0 : i32
        %dma_start3A_1191 = arith.constant 0 : i32
        %dma_start3A_1192 = tpu.memref_slice %arg11[%dma_start3A_1189, %dma_start3A_1190, %dma_start3A_1191] : memref<8x128x32xf32, #tpu.memory_space<vmem>> -> memref<1x128x32xf32, #tpu.memory_space<vmem>>
        %dma_start3A_1193 = tpu.memref_squeeze %dma_start3A_1192 : memref<1x128x32xf32, #tpu.memory_space<vmem>> -> memref<128x32xf32, #tpu.memory_space<vmem>>
        %dma_start3A_1194 = arith.constant 0 : i32
        %dma_start3A_1195 = tpu.memref_slice %arg9[%add3A_1188, %dma_start3A_1194] : memref<80x128xi32, #tpu.memory_space<vmem>> -> memref<1x128xi32, #tpu.memory_space<vmem>>
        %dma_start3A_1196 = tpu.memref_squeeze %dma_start3A_1195 : memref<1x128xi32, #tpu.memory_space<vmem>> -> memref<128xi32, #tpu.memory_space<vmem>>
        %dma_start3A_1197 = arith.constant 0 : i32
        %dma_start3A_1198 = arith.constant 0 : i32
        %dma_start3A_1199 = tpu.memref_slice %arg15[%dma_start3A_1197, %dma_start3A_1198] : memref<10000x32xf32, #tpu.memory_space<vmem_shared>> -> memref<10000x32xf32, #tpu.memory_space<vmem_shared>>
        tpu.enqueue_indirect_dma source(%dma_start3A_1199 : memref<10000x32xf32, #tpu.memory_space<vmem_shared>>) target(%dma_start3A_1193 : memref<128x32xf32, #tpu.memory_space<vmem>>) offsets(%dma_start3A_1196 : memref<128xi32, #tpu.memory_space<vmem>>) semaphore(%arg18 : memref<!tpu.dma_semaphore, #tpu.memory_space<semaphore_mem>>)
      } else {
      }
      %add3A_808 = arith.constant 0 : i32
      %add3A_809 = arith.addi %add3A_172, %add3A_808 : i32
      %dma_start3A_810 = arith.constant 0 : i32
      %dma_start3A_811 = arith.constant 0 : i32
      %dma_start3A_812 = arith.constant 0 : i32
      %dma_start3A_813 = tpu.memref_slice %arg12[%dma_start3A_810, %dma_start3A_811, %dma_start3A_812] : memref<8x128x32xf32, #tpu.memory_space<vmem>> -> memref<1x128x32xf32, #tpu.memory_space<vmem>>
      %dma_start3A_814 = tpu.memref_squeeze %dma_start3A_813 : memref<1x128x32xf32, #tpu.memory_space<vmem>> -> memref<128x32xf32, #tpu.memory_space<vmem>>
      %dma_start3A_815 = arith.constant 0 : i32
      %dma_start3A_816 = tpu.memref_slice %arg10[%add3A_809, %dma_start3A_815] : memref<80x128xi32, #tpu.memory_space<vmem>> -> memref<1x128xi32, #tpu.memory_space<vmem>>
      %dma_start3A_817 = tpu.memref_squeeze %dma_start3A_816 : memref<1x128xi32, #tpu.memory_space<vmem>> -> memref<128xi32, #tpu.memory_space<vmem>>
      %dma_start3A_818 = arith.constant 0 : i32
      %dma_start3A_819 = arith.constant 0 : i32
      %dma_start3A_820 = tpu.memref_slice %arg16[%dma_start3A_818, %dma_start3A_819] : memref<10112x32xf32, #tpu.memory_space<vmem_shared>> -> memref<10112x32xf32, #tpu.memory_space<vmem_shared>>
      tpu.enqueue_indirect_dma source(%dma_start3A_814 : memref<128x32xf32, #tpu.memory_space<vmem>>) target(%dma_start3A_820 : memref<10112x32xf32, #tpu.memory_space<vmem_shared>>) offsets(%dma_start3A_817 : memref<128xi32, #tpu.memory_space<vmem>>) semaphore(%arg21 : memref<!tpu.dma_semaphore, #tpu.memory_space<semaphore_mem>>) {add = true}
      %add3A_821 = arith.constant 0 : i32
      %add3A_822 = arith.addi %add3A_172, %add3A_821 : i32
      %dma_start3A_823 = arith.constant 0 : i32
      %dma_start3A_824 = tpu.memref_slice %arg10[%add3A_822, %dma_start3A_823] : memref<80x128xi32, #tpu.memory_space<vmem>> -> memref<1x128xi32, #tpu.memory_space<vmem>>
      %dma_start3A_825 = tpu.memref_squeeze %dma_start3A_824 : memref<1x128xi32, #tpu.memory_space<vmem>> -> memref<128xi32, #tpu.memory_space<vmem>>
      %dma_start3A_826 = arith.constant 0 : i32
      %dma_start3A_827 = tpu.memref_slice %arg17[%dma_start3A_826] : memref<10112xf32, #tpu.memory_space<vmem_shared>> -> memref<10112xf32, #tpu.memory_space<vmem_shared>>
      tpu.enqueue_indirect_dma source(%arg13 : memref<128xf32, #tpu.memory_space<vmem>>) target(%dma_start3A_827 : memref<10112xf32, #tpu.memory_space<vmem_shared>>) offsets(%dma_start3A_825 : memref<128xi32, #tpu.memory_space<vmem>>) semaphore(%arg21 : memref<!tpu.dma_semaphore, #tpu.memory_space<semaphore_mem>>) {add = true}
      %add3A_828 = arith.constant 1 : i32
      %add3A_829 = arith.addi %add3A_172, %add3A_828 : i32
      %dma_start3A_830 = arith.constant 1 : i32
      %dma_start3A_831 = arith.constant 0 : i32
      %dma_start3A_832 = arith.constant 0 : i32
      %dma_start3A_833 = tpu.memref_slice %arg12[%dma_start3A_830, %dma_start3A_831, %dma_start3A_832] : memref<8x128x32xf32, #tpu.memory_space<vmem>> -> memref<1x128x32xf32, #tpu.memory_space<vmem>>
      %dma_start3A_834 = tpu.memref_squeeze %dma_start3A_833 : memref<1x128x32xf32, #tpu.memory_space<vmem>> -> memref<128x32xf32, #tpu.memory_space<vmem>>
      %dma_start3A_835 = arith.constant 0 : i32
      %dma_start3A_836 = tpu.memref_slice %arg10[%add3A_829, %dma_start3A_835] : memref<80x128xi32, #tpu.memory_space<vmem>> -> memref<1x128xi32, #tpu.memory_space<vmem>>
      %dma_start3A_837 = tpu.memref_squeeze %dma_start3A_836 : memref<1x128xi32, #tpu.memory_space<vmem>> -> memref<128xi32, #tpu.memory_space<vmem>>
      %dma_start3A_838 = arith.constant 0 : i32
      %dma_start3A_839 = arith.constant 0 : i32
      %dma_start3A_840 = tpu.memref_slice %arg16[%dma_start3A_838, %dma_start3A_839] : memref<10112x32xf32, #tpu.memory_space<vmem_shared>> -> memref<10112x32xf32, #tpu.memory_space<vmem_shared>>
      tpu.enqueue_indirect_dma source(%dma_start3A_834 : memref<128x32xf32, #tpu.memory_space<vmem>>) target(%dma_start3A_840 : memref<10112x32xf32, #tpu.memory_space<vmem_shared>>) offsets(%dma_start3A_837 : memref<128xi32, #tpu.memory_space<vmem>>) semaphore(%arg21 : memref<!tpu.dma_semaphore, #tpu.memory_space<semaphore_mem>>) {add = true}
      %add3A_841 = arith.constant 1 : i32
      %add3A_842 = arith.addi %add3A_172, %add3A_841 : i32
      %dma_start3A_843 = arith.constant 0 : i32
      %dma_start3A_844 = tpu.memref_slice %arg10[%add3A_842, %dma_start3A_843] : memref<80x128xi32, #tpu.memory_space<vmem>> -> memref<1x128xi32, #tpu.memory_space<vmem>>
      %dma_start3A_845 = tpu.memref_squeeze %dma_start3A_844 : memref<1x128xi32, #tpu.memory_space<vmem>> -> memref<128xi32, #tpu.memory_space<vmem>>
      %dma_start3A_846 = arith.constant 0 : i32
      %dma_start3A_847 = tpu.memref_slice %arg17[%dma_start3A_846] : memref<10112xf32, #tpu.memory_space<vmem_shared>> -> memref<10112xf32, #tpu.memory_space<vmem_shared>>
      tpu.enqueue_indirect_dma source(%arg13 : memref<128xf32, #tpu.memory_space<vmem>>) target(%dma_start3A_847 : memref<10112xf32, #tpu.memory_space<vmem_shared>>) offsets(%dma_start3A_845 : memref<128xi32, #tpu.memory_space<vmem>>) semaphore(%arg21 : memref<!tpu.dma_semaphore, #tpu.memory_space<semaphore_mem>>) {add = true}
      %add3A_848 = arith.constant 2 : i32
      %add3A_849 = arith.addi %add3A_172, %add3A_848 : i32
      %dma_start3A_850 = arith.constant 2 : i32
      %dma_start3A_851 = arith.constant 0 : i32
      %dma_start3A_852 = arith.constant 0 : i32
      %dma_start3A_853 = tpu.memref_slice %arg12[%dma_start3A_850, %dma_start3A_851, %dma_start3A_852] : memref<8x128x32xf32, #tpu.memory_space<vmem>> -> memref<1x128x32xf32, #tpu.memory_space<vmem>>
      %dma_start3A_854 = tpu.memref_squeeze %dma_start3A_853 : memref<1x128x32xf32, #tpu.memory_space<vmem>> -> memref<128x32xf32, #tpu.memory_space<vmem>>
      %dma_start3A_855 = arith.constant 0 : i32
      %dma_start3A_856 = tpu.memref_slice %arg10[%add3A_849, %dma_start3A_855] : memref<80x128xi32, #tpu.memory_space<vmem>> -> memref<1x128xi32, #tpu.memory_space<vmem>>
      %dma_start3A_857 = tpu.memref_squeeze %dma_start3A_856 : memref<1x128xi32, #tpu.memory_space<vmem>> -> memref<128xi32, #tpu.memory_space<vmem>>
      %dma_start3A_858 = arith.constant 0 : i32
      %dma_start3A_859 = arith.constant 0 : i32
      %dma_start3A_860 = tpu.memref_slice %arg16[%dma_start3A_858, %dma_start3A_859] : memref<10112x32xf32, #tpu.memory_space<vmem_shared>> -> memref<10112x32xf32, #tpu.memory_space<vmem_shared>>
      tpu.enqueue_indirect_dma source(%dma_start3A_854 : memref<128x32xf32, #tpu.memory_space<vmem>>) target(%dma_start3A_860 : memref<10112x32xf32, #tpu.memory_space<vmem_shared>>) offsets(%dma_start3A_857 : memref<128xi32, #tpu.memory_space<vmem>>) semaphore(%arg21 : memref<!tpu.dma_semaphore, #tpu.memory_space<semaphore_mem>>) {add = true}
      %add3A_861 = arith.constant 2 : i32
      %add3A_862 = arith.addi %add3A_172, %add3A_861 : i32
      %dma_start3A_863 = arith.constant 0 : i32
      %dma_start3A_864 = tpu.memref_slice %arg10[%add3A_862, %dma_start3A_863] : memref<80x128xi32, #tpu.memory_space<vmem>> -> memref<1x128xi32, #tpu.memory_space<vmem>>
      %dma_start3A_865 = tpu.memref_squeeze %dma_start3A_864 : memref<1x128xi32, #tpu.memory_space<vmem>> -> memref<128xi32, #tpu.memory_space<vmem>>
      %dma_start3A_866 = arith.constant 0 : i32
      %dma_start3A_867 = tpu.memref_slice %arg17[%dma_start3A_866] : memref<10112xf32, #tpu.memory_space<vmem_shared>> -> memref<10112xf32, #tpu.memory_space<vmem_shared>>
      tpu.enqueue_indirect_dma source(%arg13 : memref<128xf32, #tpu.memory_space<vmem>>) target(%dma_start3A_867 : memref<10112xf32, #tpu.memory_space<vmem_shared>>) offsets(%dma_start3A_865 : memref<128xi32, #tpu.memory_space<vmem>>) semaphore(%arg21 : memref<!tpu.dma_semaphore, #tpu.memory_space<semaphore_mem>>) {add = true}
      %add3A_868 = arith.constant 3 : i32
      %add3A_869 = arith.addi %add3A_172, %add3A_868 : i32
      %dma_start3A_870 = arith.constant 3 : i32
      %dma_start3A_871 = arith.constant 0 : i32
      %dma_start3A_872 = arith.constant 0 : i32
      %dma_start3A_873 = tpu.memref_slice %arg12[%dma_start3A_870, %dma_start3A_871, %dma_start3A_872] : memref<8x128x32xf32, #tpu.memory_space<vmem>> -> memref<1x128x32xf32, #tpu.memory_space<vmem>>
      %dma_start3A_874 = tpu.memref_squeeze %dma_start3A_873 : memref<1x128x32xf32, #tpu.memory_space<vmem>> -> memref<128x32xf32, #tpu.memory_space<vmem>>
      %dma_start3A_875 = arith.constant 0 : i32
      %dma_start3A_876 = tpu.memref_slice %arg10[%add3A_869, %dma_start3A_875] : memref<80x128xi32, #tpu.memory_space<vmem>> -> memref<1x128xi32, #tpu.memory_space<vmem>>
      %dma_start3A_877 = tpu.memref_squeeze %dma_start3A_876 : memref<1x128xi32, #tpu.memory_space<vmem>> -> memref<128xi32, #tpu.memory_space<vmem>>
      %dma_start3A_878 = arith.constant 0 : i32
      %dma_start3A_879 = arith.constant 0 : i32
      %dma_start3A_880 = tpu.memref_slice %arg16[%dma_start3A_878, %dma_start3A_879] : memref<10112x32xf32, #tpu.memory_space<vmem_shared>> -> memref<10112x32xf32, #tpu.memory_space<vmem_shared>>
      tpu.enqueue_indirect_dma source(%dma_start3A_874 : memref<128x32xf32, #tpu.memory_space<vmem>>) target(%dma_start3A_880 : memref<10112x32xf32, #tpu.memory_space<vmem_shared>>) offsets(%dma_start3A_877 : memref<128xi32, #tpu.memory_space<vmem>>) semaphore(%arg21 : memref<!tpu.dma_semaphore, #tpu.memory_space<semaphore_mem>>) {add = true}
      %add3A_881 = arith.constant 3 : i32
      %add3A_882 = arith.addi %add3A_172, %add3A_881 : i32
      %dma_start3A_883 = arith.constant 0 : i32
      %dma_start3A_884 = tpu.memref_slice %arg10[%add3A_882, %dma_start3A_883] : memref<80x128xi32, #tpu.memory_space<vmem>> -> memref<1x128xi32, #tpu.memory_space<vmem>>
      %dma_start3A_885 = tpu.memref_squeeze %dma_start3A_884 : memref<1x128xi32, #tpu.memory_space<vmem>> -> memref<128xi32, #tpu.memory_space<vmem>>
      %dma_start3A_886 = arith.constant 0 : i32
      %dma_start3A_887 = tpu.memref_slice %arg17[%dma_start3A_886] : memref<10112xf32, #tpu.memory_space<vmem_shared>> -> memref<10112xf32, #tpu.memory_space<vmem_shared>>
      tpu.enqueue_indirect_dma source(%arg13 : memref<128xf32, #tpu.memory_space<vmem>>) target(%dma_start3A_887 : memref<10112xf32, #tpu.memory_space<vmem_shared>>) offsets(%dma_start3A_885 : memref<128xi32, #tpu.memory_space<vmem>>) semaphore(%arg21 : memref<!tpu.dma_semaphore, #tpu.memory_space<semaphore_mem>>) {add = true}
      %add3A_888 = arith.constant 4 : i32
      %add3A_889 = arith.addi %add3A_172, %add3A_888 : i32
      %dma_start3A_890 = arith.constant 4 : i32
      %dma_start3A_891 = arith.constant 0 : i32
      %dma_start3A_892 = arith.constant 0 : i32
      %dma_start3A_893 = tpu.memref_slice %arg12[%dma_start3A_890, %dma_start3A_891, %dma_start3A_892] : memref<8x128x32xf32, #tpu.memory_space<vmem>> -> memref<1x128x32xf32, #tpu.memory_space<vmem>>
      %dma_start3A_894 = tpu.memref_squeeze %dma_start3A_893 : memref<1x128x32xf32, #tpu.memory_space<vmem>> -> memref<128x32xf32, #tpu.memory_space<vmem>>
      %dma_start3A_895 = arith.constant 0 : i32
      %dma_start3A_896 = tpu.memref_slice %arg10[%add3A_889, %dma_start3A_895] : memref<80x128xi32, #tpu.memory_space<vmem>> -> memref<1x128xi32, #tpu.memory_space<vmem>>
      %dma_start3A_897 = tpu.memref_squeeze %dma_start3A_896 : memref<1x128xi32, #tpu.memory_space<vmem>> -> memref<128xi32, #tpu.memory_space<vmem>>
      %dma_start3A_898 = arith.constant 0 : i32
      %dma_start3A_899 = arith.constant 0 : i32
      %dma_start3A_900 = tpu.memref_slice %arg16[%dma_start3A_898, %dma_start3A_899] : memref<10112x32xf32, #tpu.memory_space<vmem_shared>> -> memref<10112x32xf32, #tpu.memory_space<vmem_shared>>
      tpu.enqueue_indirect_dma source(%dma_start3A_894 : memref<128x32xf32, #tpu.memory_space<vmem>>) target(%dma_start3A_900 : memref<10112x32xf32, #tpu.memory_space<vmem_shared>>) offsets(%dma_start3A_897 : memref<128xi32, #tpu.memory_space<vmem>>) semaphore(%arg21 : memref<!tpu.dma_semaphore, #tpu.memory_space<semaphore_mem>>) {add = true}
      %add3A_901 = arith.constant 4 : i32
      %add3A_902 = arith.addi %add3A_172, %add3A_901 : i32
      %dma_start3A_903 = arith.constant 0 : i32
      %dma_start3A_904 = tpu.memref_slice %arg10[%add3A_902, %dma_start3A_903] : memref<80x128xi32, #tpu.memory_space<vmem>> -> memref<1x128xi32, #tpu.memory_space<vmem>>
      %dma_start3A_905 = tpu.memref_squeeze %dma_start3A_904 : memref<1x128xi32, #tpu.memory_space<vmem>> -> memref<128xi32, #tpu.memory_space<vmem>>
      %dma_start3A_906 = arith.constant 0 : i32
      %dma_start3A_907 = tpu.memref_slice %arg17[%dma_start3A_906] : memref<10112xf32, #tpu.memory_space<vmem_shared>> -> memref<10112xf32, #tpu.memory_space<vmem_shared>>
      tpu.enqueue_indirect_dma source(%arg13 : memref<128xf32, #tpu.memory_space<vmem>>) target(%dma_start3A_907 : memref<10112xf32, #tpu.memory_space<vmem_shared>>) offsets(%dma_start3A_905 : memref<128xi32, #tpu.memory_space<vmem>>) semaphore(%arg21 : memref<!tpu.dma_semaphore, #tpu.memory_space<semaphore_mem>>) {add = true}
      %add3A_908 = arith.constant 5 : i32
      %add3A_909 = arith.addi %add3A_172, %add3A_908 : i32
      %dma_start3A_910 = arith.constant 5 : i32
      %dma_start3A_911 = arith.constant 0 : i32
      %dma_start3A_912 = arith.constant 0 : i32
      %dma_start3A_913 = tpu.memref_slice %arg12[%dma_start3A_910, %dma_start3A_911, %dma_start3A_912] : memref<8x128x32xf32, #tpu.memory_space<vmem>> -> memref<1x128x32xf32, #tpu.memory_space<vmem>>
      %dma_start3A_914 = tpu.memref_squeeze %dma_start3A_913 : memref<1x128x32xf32, #tpu.memory_space<vmem>> -> memref<128x32xf32, #tpu.memory_space<vmem>>
      %dma_start3A_915 = arith.constant 0 : i32
      %dma_start3A_916 = tpu.memref_slice %arg10[%add3A_909, %dma_start3A_915] : memref<80x128xi32, #tpu.memory_space<vmem>> -> memref<1x128xi32, #tpu.memory_space<vmem>>
      %dma_start3A_917 = tpu.memref_squeeze %dma_start3A_916 : memref<1x128xi32, #tpu.memory_space<vmem>> -> memref<128xi32, #tpu.memory_space<vmem>>
      %dma_start3A_918 = arith.constant 0 : i32
      %dma_start3A_919 = arith.constant 0 : i32
      %dma_start3A_920 = tpu.memref_slice %arg16[%dma_start3A_918, %dma_start3A_919] : memref<10112x32xf32, #tpu.memory_space<vmem_shared>> -> memref<10112x32xf32, #tpu.memory_space<vmem_shared>>
      tpu.enqueue_indirect_dma source(%dma_start3A_914 : memref<128x32xf32, #tpu.memory_space<vmem>>) target(%dma_start3A_920 : memref<10112x32xf32, #tpu.memory_space<vmem_shared>>) offsets(%dma_start3A_917 : memref<128xi32, #tpu.memory_space<vmem>>) semaphore(%arg21 : memref<!tpu.dma_semaphore, #tpu.memory_space<semaphore_mem>>) {add = true}
      %add3A_921 = arith.constant 5 : i32
      %add3A_922 = arith.addi %add3A_172, %add3A_921 : i32
      %dma_start3A_923 = arith.constant 0 : i32
      %dma_start3A_924 = tpu.memref_slice %arg10[%add3A_922, %dma_start3A_923] : memref<80x128xi32, #tpu.memory_space<vmem>> -> memref<1x128xi32, #tpu.memory_space<vmem>>
      %dma_start3A_925 = tpu.memref_squeeze %dma_start3A_924 : memref<1x128xi32, #tpu.memory_space<vmem>> -> memref<128xi32, #tpu.memory_space<vmem>>
      %dma_start3A_926 = arith.constant 0 : i32
      %dma_start3A_927 = tpu.memref_slice %arg17[%dma_start3A_926] : memref<10112xf32, #tpu.memory_space<vmem_shared>> -> memref<10112xf32, #tpu.memory_space<vmem_shared>>
      tpu.enqueue_indirect_dma source(%arg13 : memref<128xf32, #tpu.memory_space<vmem>>) target(%dma_start3A_927 : memref<10112xf32, #tpu.memory_space<vmem_shared>>) offsets(%dma_start3A_925 : memref<128xi32, #tpu.memory_space<vmem>>) semaphore(%arg21 : memref<!tpu.dma_semaphore, #tpu.memory_space<semaphore_mem>>) {add = true}
      %add3A_928 = arith.constant 6 : i32
      %add3A_929 = arith.addi %add3A_172, %add3A_928 : i32
      %dma_start3A_930 = arith.constant 6 : i32
      %dma_start3A_931 = arith.constant 0 : i32
      %dma_start3A_932 = arith.constant 0 : i32
      %dma_start3A_933 = tpu.memref_slice %arg12[%dma_start3A_930, %dma_start3A_931, %dma_start3A_932] : memref<8x128x32xf32, #tpu.memory_space<vmem>> -> memref<1x128x32xf32, #tpu.memory_space<vmem>>
      %dma_start3A_934 = tpu.memref_squeeze %dma_start3A_933 : memref<1x128x32xf32, #tpu.memory_space<vmem>> -> memref<128x32xf32, #tpu.memory_space<vmem>>
      %dma_start3A_935 = arith.constant 0 : i32
      %dma_start3A_936 = tpu.memref_slice %arg10[%add3A_929, %dma_start3A_935] : memref<80x128xi32, #tpu.memory_space<vmem>> -> memref<1x128xi32, #tpu.memory_space<vmem>>
      %dma_start3A_937 = tpu.memref_squeeze %dma_start3A_936 : memref<1x128xi32, #tpu.memory_space<vmem>> -> memref<128xi32, #tpu.memory_space<vmem>>
      %dma_start3A_938 = arith.constant 0 : i32
      %dma_start3A_939 = arith.constant 0 : i32
      %dma_start3A_940 = tpu.memref_slice %arg16[%dma_start3A_938, %dma_start3A_939] : memref<10112x32xf32, #tpu.memory_space<vmem_shared>> -> memref<10112x32xf32, #tpu.memory_space<vmem_shared>>
      tpu.enqueue_indirect_dma source(%dma_start3A_934 : memref<128x32xf32, #tpu.memory_space<vmem>>) target(%dma_start3A_940 : memref<10112x32xf32, #tpu.memory_space<vmem_shared>>) offsets(%dma_start3A_937 : memref<128xi32, #tpu.memory_space<vmem>>) semaphore(%arg21 : memref<!tpu.dma_semaphore, #tpu.memory_space<semaphore_mem>>) {add = true}
      %add3A_941 = arith.constant 6 : i32
      %add3A_942 = arith.addi %add3A_172, %add3A_941 : i32
      %dma_start3A_943 = arith.constant 0 : i32
      %dma_start3A_944 = tpu.memref_slice %arg10[%add3A_942, %dma_start3A_943] : memref<80x128xi32, #tpu.memory_space<vmem>> -> memref<1x128xi32, #tpu.memory_space<vmem>>
      %dma_start3A_945 = tpu.memref_squeeze %dma_start3A_944 : memref<1x128xi32, #tpu.memory_space<vmem>> -> memref<128xi32, #tpu.memory_space<vmem>>
      %dma_start3A_946 = arith.constant 0 : i32
      %dma_start3A_947 = tpu.memref_slice %arg17[%dma_start3A_946] : memref<10112xf32, #tpu.memory_space<vmem_shared>> -> memref<10112xf32, #tpu.memory_space<vmem_shared>>
      tpu.enqueue_indirect_dma source(%arg13 : memref<128xf32, #tpu.memory_space<vmem>>) target(%dma_start3A_947 : memref<10112xf32, #tpu.memory_space<vmem_shared>>) offsets(%dma_start3A_945 : memref<128xi32, #tpu.memory_space<vmem>>) semaphore(%arg21 : memref<!tpu.dma_semaphore, #tpu.memory_space<semaphore_mem>>) {add = true}
      %add3A_948 = arith.constant 7 : i32
      %add3A_949 = arith.addi %add3A_172, %add3A_948 : i32
      %dma_start3A_950 = arith.constant 7 : i32
      %dma_start3A_951 = arith.constant 0 : i32
      %dma_start3A_952 = arith.constant 0 : i32
      %dma_start3A_953 = tpu.memref_slice %arg12[%dma_start3A_950, %dma_start3A_951, %dma_start3A_952] : memref<8x128x32xf32, #tpu.memory_space<vmem>> -> memref<1x128x32xf32, #tpu.memory_space<vmem>>
      %dma_start3A_954 = tpu.memref_squeeze %dma_start3A_953 : memref<1x128x32xf32, #tpu.memory_space<vmem>> -> memref<128x32xf32, #tpu.memory_space<vmem>>
      %dma_start3A_955 = arith.constant 0 : i32
      %dma_start3A_956 = tpu.memref_slice %arg10[%add3A_949, %dma_start3A_955] : memref<80x128xi32, #tpu.memory_space<vmem>> -> memref<1x128xi32, #tpu.memory_space<vmem>>
      %dma_start3A_957 = tpu.memref_squeeze %dma_start3A_956 : memref<1x128xi32, #tpu.memory_space<vmem>> -> memref<128xi32, #tpu.memory_space<vmem>>
      %dma_start3A_958 = arith.constant 0 : i32
      %dma_start3A_959 = arith.constant 0 : i32
      %dma_start3A_960 = tpu.memref_slice %arg16[%dma_start3A_958, %dma_start3A_959] : memref<10112x32xf32, #tpu.memory_space<vmem_shared>> -> memref<10112x32xf32, #tpu.memory_space<vmem_shared>>
      tpu.enqueue_indirect_dma source(%dma_start3A_954 : memref<128x32xf32, #tpu.memory_space<vmem>>) target(%dma_start3A_960 : memref<10112x32xf32, #tpu.memory_space<vmem_shared>>) offsets(%dma_start3A_957 : memref<128xi32, #tpu.memory_space<vmem>>) semaphore(%arg21 : memref<!tpu.dma_semaphore, #tpu.memory_space<semaphore_mem>>) {add = true}
      %add3A_961 = arith.constant 7 : i32
      %add3A_962 = arith.addi %add3A_172, %add3A_961 : i32
      %dma_start3A_963 = arith.constant 0 : i32
      %dma_start3A_964 = tpu.memref_slice %arg10[%add3A_962, %dma_start3A_963] : memref<80x128xi32, #tpu.memory_space<vmem>> -> memref<1x128xi32, #tpu.memory_space<vmem>>
      %dma_start3A_965 = tpu.memref_squeeze %dma_start3A_964 : memref<1x128xi32, #tpu.memory_space<vmem>> -> memref<128xi32, #tpu.memory_space<vmem>>
      %dma_start3A_966 = arith.constant 0 : i32
      %dma_start3A_967 = tpu.memref_slice %arg17[%dma_start3A_966] : memref<10112xf32, #tpu.memory_space<vmem_shared>> -> memref<10112xf32, #tpu.memory_space<vmem_shared>>
      tpu.enqueue_indirect_dma source(%arg13 : memref<128xf32, #tpu.memory_space<vmem>>) target(%dma_start3A_967 : memref<10112xf32, #tpu.memory_space<vmem_shared>>) offsets(%dma_start3A_965 : memref<128xi32, #tpu.memory_space<vmem>>) semaphore(%arg21 : memref<!tpu.dma_semaphore, #tpu.memory_space<semaphore_mem>>) {add = true}
      %dma_wait3A_968 = arith.constant 0 : i32
      %dma_wait3A_969 = arith.constant 0 : i32
      %dma_wait3A_970 = arith.constant 0 : i32
      %dma_wait3A_971 = tpu.memref_slice %arg12[%dma_wait3A_968, %dma_wait3A_969, %dma_wait3A_970] : memref<8x128x32xf32, #tpu.memory_space<vmem>> -> memref<1x128x32xf32, #tpu.memory_space<vmem>>
      %dma_wait3A_972 = tpu.memref_squeeze %dma_wait3A_971 : memref<1x128x32xf32, #tpu.memory_space<vmem>> -> memref<128x32xf32, #tpu.memory_space<vmem>>
      %dma_wait3A_973 = arith.constant 0 : i32
      %dma_wait3A_974 = tpu.memref_slice %arg10[%add3A_809, %dma_wait3A_973] : memref<80x128xi32, #tpu.memory_space<vmem>> -> memref<1x128xi32, #tpu.memory_space<vmem>>
      %dma_wait3A_975 = tpu.memref_squeeze %dma_wait3A_974 : memref<1x128xi32, #tpu.memory_space<vmem>> -> memref<128xi32, #tpu.memory_space<vmem>>
      %dma_wait3A_976 = arith.constant 0 : i32
      %dma_wait3A_977 = arith.constant 0 : i32
      %dma_wait3A_978 = tpu.memref_slice %arg16[%dma_wait3A_976, %dma_wait3A_977] : memref<10112x32xf32, #tpu.memory_space<vmem_shared>> -> memref<10112x32xf32, #tpu.memory_space<vmem_shared>>
      tpu.wait_indirect_dma semaphore(%arg21 : memref<!tpu.dma_semaphore, #tpu.memory_space<semaphore_mem>>) src(%dma_wait3A_972 : memref<128x32xf32, #tpu.memory_space<vmem>>) dst(%dma_wait3A_978 : memref<10112x32xf32, #tpu.memory_space<vmem_shared>>)
      %dma_wait3A_979 = arith.constant 0 : i32
      %dma_wait3A_980 = tpu.memref_slice %arg10[%add3A_822, %dma_wait3A_979] : memref<80x128xi32, #tpu.memory_space<vmem>> -> memref<1x128xi32, #tpu.memory_space<vmem>>
      %dma_wait3A_981 = tpu.memref_squeeze %dma_wait3A_980 : memref<1x128xi32, #tpu.memory_space<vmem>> -> memref<128xi32, #tpu.memory_space<vmem>>
      %dma_wait3A_982 = arith.constant 0 : i32
      %dma_wait3A_983 = tpu.memref_slice %arg17[%dma_wait3A_982] : memref<10112xf32, #tpu.memory_space<vmem_shared>> -> memref<10112xf32, #tpu.memory_space<vmem_shared>>
      tpu.wait_indirect_dma semaphore(%arg21 : memref<!tpu.dma_semaphore, #tpu.memory_space<semaphore_mem>>) src(%arg13 : memref<128xf32, #tpu.memory_space<vmem>>) dst(%dma_wait3A_983 : memref<10112xf32, #tpu.memory_space<vmem_shared>>)
      %dma_wait3A_984 = arith.constant 1 : i32
      %dma_wait3A_985 = arith.constant 0 : i32
      %dma_wait3A_986 = arith.constant 0 : i32
      %dma_wait3A_987 = tpu.memref_slice %arg12[%dma_wait3A_984, %dma_wait3A_985, %dma_wait3A_986] : memref<8x128x32xf32, #tpu.memory_space<vmem>> -> memref<1x128x32xf32, #tpu.memory_space<vmem>>
      %dma_wait3A_988 = tpu.memref_squeeze %dma_wait3A_987 : memref<1x128x32xf32, #tpu.memory_space<vmem>> -> memref<128x32xf32, #tpu.memory_space<vmem>>
      %dma_wait3A_989 = arith.constant 0 : i32
      %dma_wait3A_990 = tpu.memref_slice %arg10[%add3A_829, %dma_wait3A_989] : memref<80x128xi32, #tpu.memory_space<vmem>> -> memref<1x128xi32, #tpu.memory_space<vmem>>
      %dma_wait3A_991 = tpu.memref_squeeze %dma_wait3A_990 : memref<1x128xi32, #tpu.memory_space<vmem>> -> memref<128xi32, #tpu.memory_space<vmem>>
      %dma_wait3A_992 = arith.constant 0 : i32
      %dma_wait3A_993 = arith.constant 0 : i32
      %dma_wait3A_994 = tpu.memref_slice %arg16[%dma_wait3A_992, %dma_wait3A_993] : memref<10112x32xf32, #tpu.memory_space<vmem_shared>> -> memref<10112x32xf32, #tpu.memory_space<vmem_shared>>
      tpu.wait_indirect_dma semaphore(%arg21 : memref<!tpu.dma_semaphore, #tpu.memory_space<semaphore_mem>>) src(%dma_wait3A_988 : memref<128x32xf32, #tpu.memory_space<vmem>>) dst(%dma_wait3A_994 : memref<10112x32xf32, #tpu.memory_space<vmem_shared>>)
      %dma_wait3A_995 = arith.constant 0 : i32
      %dma_wait3A_996 = tpu.memref_slice %arg10[%add3A_842, %dma_wait3A_995] : memref<80x128xi32, #tpu.memory_space<vmem>> -> memref<1x128xi32, #tpu.memory_space<vmem>>
      %dma_wait3A_997 = tpu.memref_squeeze %dma_wait3A_996 : memref<1x128xi32, #tpu.memory_space<vmem>> -> memref<128xi32, #tpu.memory_space<vmem>>
      %dma_wait3A_998 = arith.constant 0 : i32
      %dma_wait3A_999 = tpu.memref_slice %arg17[%dma_wait3A_998] : memref<10112xf32, #tpu.memory_space<vmem_shared>> -> memref<10112xf32, #tpu.memory_space<vmem_shared>>
      tpu.wait_indirect_dma semaphore(%arg21 : memref<!tpu.dma_semaphore, #tpu.memory_space<semaphore_mem>>) src(%arg13 : memref<128xf32, #tpu.memory_space<vmem>>) dst(%dma_wait3A_999 : memref<10112xf32, #tpu.memory_space<vmem_shared>>)
      %dma_wait3A_1000 = arith.constant 2 : i32
      %dma_wait3A_1001 = arith.constant 0 : i32
      %dma_wait3A_1002 = arith.constant 0 : i32
      %dma_wait3A_1003 = tpu.memref_slice %arg12[%dma_wait3A_1000, %dma_wait3A_1001, %dma_wait3A_1002] : memref<8x128x32xf32, #tpu.memory_space<vmem>> -> memref<1x128x32xf32, #tpu.memory_space<vmem>>
      %dma_wait3A_1004 = tpu.memref_squeeze %dma_wait3A_1003 : memref<1x128x32xf32, #tpu.memory_space<vmem>> -> memref<128x32xf32, #tpu.memory_space<vmem>>
      %dma_wait3A_1005 = arith.constant 0 : i32
      %dma_wait3A_1006 = tpu.memref_slice %arg10[%add3A_849, %dma_wait3A_1005] : memref<80x128xi32, #tpu.memory_space<vmem>> -> memref<1x128xi32, #tpu.memory_space<vmem>>
      %dma_wait3A_1007 = tpu.memref_squeeze %dma_wait3A_1006 : memref<1x128xi32, #tpu.memory_space<vmem>> -> memref<128xi32, #tpu.memory_space<vmem>>
      %dma_wait3A_1008 = arith.constant 0 : i32
      %dma_wait3A_1009 = arith.constant 0 : i32
      %dma_wait3A_1010 = tpu.memref_slice %arg16[%dma_wait3A_1008, %dma_wait3A_1009] : memref<10112x32xf32, #tpu.memory_space<vmem_shared>> -> memref<10112x32xf32, #tpu.memory_space<vmem_shared>>
      tpu.wait_indirect_dma semaphore(%arg21 : memref<!tpu.dma_semaphore, #tpu.memory_space<semaphore_mem>>) src(%dma_wait3A_1004 : memref<128x32xf32, #tpu.memory_space<vmem>>) dst(%dma_wait3A_1010 : memref<10112x32xf32, #tpu.memory_space<vmem_shared>>)
      %dma_wait3A_1011 = arith.constant 0 : i32
      %dma_wait3A_1012 = tpu.memref_slice %arg10[%add3A_862, %dma_wait3A_1011] : memref<80x128xi32, #tpu.memory_space<vmem>> -> memref<1x128xi32, #tpu.memory_space<vmem>>
      %dma_wait3A_1013 = tpu.memref_squeeze %dma_wait3A_1012 : memref<1x128xi32, #tpu.memory_space<vmem>> -> memref<128xi32, #tpu.memory_space<vmem>>
      %dma_wait3A_1014 = arith.constant 0 : i32
      %dma_wait3A_1015 = tpu.memref_slice %arg17[%dma_wait3A_1014] : memref<10112xf32, #tpu.memory_space<vmem_shared>> -> memref<10112xf32, #tpu.memory_space<vmem_shared>>
      tpu.wait_indirect_dma semaphore(%arg21 : memref<!tpu.dma_semaphore, #tpu.memory_space<semaphore_mem>>) src(%arg13 : memref<128xf32, #tpu.memory_space<vmem>>) dst(%dma_wait3A_1015 : memref<10112xf32, #tpu.memory_space<vmem_shared>>)
      %dma_wait3A_1016 = arith.constant 3 : i32
      %dma_wait3A_1017 = arith.constant 0 : i32
      %dma_wait3A_1018 = arith.constant 0 : i32
      %dma_wait3A_1019 = tpu.memref_slice %arg12[%dma_wait3A_1016, %dma_wait3A_1017, %dma_wait3A_1018] : memref<8x128x32xf32, #tpu.memory_space<vmem>> -> memref<1x128x32xf32, #tpu.memory_space<vmem>>
      %dma_wait3A_1020 = tpu.memref_squeeze %dma_wait3A_1019 : memref<1x128x32xf32, #tpu.memory_space<vmem>> -> memref<128x32xf32, #tpu.memory_space<vmem>>
      %dma_wait3A_1021 = arith.constant 0 : i32
      %dma_wait3A_1022 = tpu.memref_slice %arg10[%add3A_869, %dma_wait3A_1021] : memref<80x128xi32, #tpu.memory_space<vmem>> -> memref<1x128xi32, #tpu.memory_space<vmem>>
      %dma_wait3A_1023 = tpu.memref_squeeze %dma_wait3A_1022 : memref<1x128xi32, #tpu.memory_space<vmem>> -> memref<128xi32, #tpu.memory_space<vmem>>
      %dma_wait3A_1024 = arith.constant 0 : i32
      %dma_wait3A_1025 = arith.constant 0 : i32
      %dma_wait3A_1026 = tpu.memref_slice %arg16[%dma_wait3A_1024, %dma_wait3A_1025] : memref<10112x32xf32, #tpu.memory_space<vmem_shared>> -> memref<10112x32xf32, #tpu.memory_space<vmem_shared>>
      tpu.wait_indirect_dma semaphore(%arg21 : memref<!tpu.dma_semaphore, #tpu.memory_space<semaphore_mem>>) src(%dma_wait3A_1020 : memref<128x32xf32, #tpu.memory_space<vmem>>) dst(%dma_wait3A_1026 : memref<10112x32xf32, #tpu.memory_space<vmem_shared>>)
      %dma_wait3A_1027 = arith.constant 0 : i32
      %dma_wait3A_1028 = tpu.memref_slice %arg10[%add3A_882, %dma_wait3A_1027] : memref<80x128xi32, #tpu.memory_space<vmem>> -> memref<1x128xi32, #tpu.memory_space<vmem>>
      %dma_wait3A_1029 = tpu.memref_squeeze %dma_wait3A_1028 : memref<1x128xi32, #tpu.memory_space<vmem>> -> memref<128xi32, #tpu.memory_space<vmem>>
      %dma_wait3A_1030 = arith.constant 0 : i32
      %dma_wait3A_1031 = tpu.memref_slice %arg17[%dma_wait3A_1030] : memref<10112xf32, #tpu.memory_space<vmem_shared>> -> memref<10112xf32, #tpu.memory_space<vmem_shared>>
      tpu.wait_indirect_dma semaphore(%arg21 : memref<!tpu.dma_semaphore, #tpu.memory_space<semaphore_mem>>) src(%arg13 : memref<128xf32, #tpu.memory_space<vmem>>) dst(%dma_wait3A_1031 : memref<10112xf32, #tpu.memory_space<vmem_shared>>)
      %dma_wait3A_1032 = arith.constant 4 : i32
      %dma_wait3A_1033 = arith.constant 0 : i32
      %dma_wait3A_1034 = arith.constant 0 : i32
      %dma_wait3A_1035 = tpu.memref_slice %arg12[%dma_wait3A_1032, %dma_wait3A_1033, %dma_wait3A_1034] : memref<8x128x32xf32, #tpu.memory_space<vmem>> -> memref<1x128x32xf32, #tpu.memory_space<vmem>>
      %dma_wait3A_1036 = tpu.memref_squeeze %dma_wait3A_1035 : memref<1x128x32xf32, #tpu.memory_space<vmem>> -> memref<128x32xf32, #tpu.memory_space<vmem>>
      %dma_wait3A_1037 = arith.constant 0 : i32
      %dma_wait3A_1038 = tpu.memref_slice %arg10[%add3A_889, %dma_wait3A_1037] : memref<80x128xi32, #tpu.memory_space<vmem>> -> memref<1x128xi32, #tpu.memory_space<vmem>>
      %dma_wait3A_1039 = tpu.memref_squeeze %dma_wait3A_1038 : memref<1x128xi32, #tpu.memory_space<vmem>> -> memref<128xi32, #tpu.memory_space<vmem>>
      %dma_wait3A_1040 = arith.constant 0 : i32
      %dma_wait3A_1041 = arith.constant 0 : i32
      %dma_wait3A_1042 = tpu.memref_slice %arg16[%dma_wait3A_1040, %dma_wait3A_1041] : memref<10112x32xf32, #tpu.memory_space<vmem_shared>> -> memref<10112x32xf32, #tpu.memory_space<vmem_shared>>
      tpu.wait_indirect_dma semaphore(%arg21 : memref<!tpu.dma_semaphore, #tpu.memory_space<semaphore_mem>>) src(%dma_wait3A_1036 : memref<128x32xf32, #tpu.memory_space<vmem>>) dst(%dma_wait3A_1042 : memref<10112x32xf32, #tpu.memory_space<vmem_shared>>)
      %dma_wait3A_1043 = arith.constant 0 : i32
      %dma_wait3A_1044 = tpu.memref_slice %arg10[%add3A_902, %dma_wait3A_1043] : memref<80x128xi32, #tpu.memory_space<vmem>> -> memref<1x128xi32, #tpu.memory_space<vmem>>
      %dma_wait3A_1045 = tpu.memref_squeeze %dma_wait3A_1044 : memref<1x128xi32, #tpu.memory_space<vmem>> -> memref<128xi32, #tpu.memory_space<vmem>>
      %dma_wait3A_1046 = arith.constant 0 : i32
      %dma_wait3A_1047 = tpu.memref_slice %arg17[%dma_wait3A_1046] : memref<10112xf32, #tpu.memory_space<vmem_shared>> -> memref<10112xf32, #tpu.memory_space<vmem_shared>>
      tpu.wait_indirect_dma semaphore(%arg21 : memref<!tpu.dma_semaphore, #tpu.memory_space<semaphore_mem>>) src(%arg13 : memref<128xf32, #tpu.memory_space<vmem>>) dst(%dma_wait3A_1047 : memref<10112xf32, #tpu.memory_space<vmem_shared>>)
      %dma_wait3A_1048 = arith.constant 5 : i32
      %dma_wait3A_1049 = arith.constant 0 : i32
      %dma_wait3A_1050 = arith.constant 0 : i32
      %dma_wait3A_1051 = tpu.memref_slice %arg12[%dma_wait3A_1048, %dma_wait3A_1049, %dma_wait3A_1050] : memref<8x128x32xf32, #tpu.memory_space<vmem>> -> memref<1x128x32xf32, #tpu.memory_space<vmem>>
      %dma_wait3A_1052 = tpu.memref_squeeze %dma_wait3A_1051 : memref<1x128x32xf32, #tpu.memory_space<vmem>> -> memref<128x32xf32, #tpu.memory_space<vmem>>
      %dma_wait3A_1053 = arith.constant 0 : i32
      %dma_wait3A_1054 = tpu.memref_slice %arg10[%add3A_909, %dma_wait3A_1053] : memref<80x128xi32, #tpu.memory_space<vmem>> -> memref<1x128xi32, #tpu.memory_space<vmem>>
      %dma_wait3A_1055 = tpu.memref_squeeze %dma_wait3A_1054 : memref<1x128xi32, #tpu.memory_space<vmem>> -> memref<128xi32, #tpu.memory_space<vmem>>
      %dma_wait3A_1056 = arith.constant 0 : i32
      %dma_wait3A_1057 = arith.constant 0 : i32
      %dma_wait3A_1058 = tpu.memref_slice %arg16[%dma_wait3A_1056, %dma_wait3A_1057] : memref<10112x32xf32, #tpu.memory_space<vmem_shared>> -> memref<10112x32xf32, #tpu.memory_space<vmem_shared>>
      tpu.wait_indirect_dma semaphore(%arg21 : memref<!tpu.dma_semaphore, #tpu.memory_space<semaphore_mem>>) src(%dma_wait3A_1052 : memref<128x32xf32, #tpu.memory_space<vmem>>) dst(%dma_wait3A_1058 : memref<10112x32xf32, #tpu.memory_space<vmem_shared>>)
      %dma_wait3A_1059 = arith.constant 0 : i32
      %dma_wait3A_1060 = tpu.memref_slice %arg10[%add3A_922, %dma_wait3A_1059] : memref<80x128xi32, #tpu.memory_space<vmem>> -> memref<1x128xi32, #tpu.memory_space<vmem>>
      %dma_wait3A_1061 = tpu.memref_squeeze %dma_wait3A_1060 : memref<1x128xi32, #tpu.memory_space<vmem>> -> memref<128xi32, #tpu.memory_space<vmem>>
      %dma_wait3A_1062 = arith.constant 0 : i32
      %dma_wait3A_1063 = tpu.memref_slice %arg17[%dma_wait3A_1062] : memref<10112xf32, #tpu.memory_space<vmem_shared>> -> memref<10112xf32, #tpu.memory_space<vmem_shared>>
      tpu.wait_indirect_dma semaphore(%arg21 : memref<!tpu.dma_semaphore, #tpu.memory_space<semaphore_mem>>) src(%arg13 : memref<128xf32, #tpu.memory_space<vmem>>) dst(%dma_wait3A_1063 : memref<10112xf32, #tpu.memory_space<vmem_shared>>)
      %dma_wait3A_1064 = arith.constant 6 : i32
      %dma_wait3A_1065 = arith.constant 0 : i32
      %dma_wait3A_1066 = arith.constant 0 : i32
      %dma_wait3A_1067 = tpu.memref_slice %arg12[%dma_wait3A_1064, %dma_wait3A_1065, %dma_wait3A_1066] : memref<8x128x32xf32, #tpu.memory_space<vmem>> -> memref<1x128x32xf32, #tpu.memory_space<vmem>>
      %dma_wait3A_1068 = tpu.memref_squeeze %dma_wait3A_1067 : memref<1x128x32xf32, #tpu.memory_space<vmem>> -> memref<128x32xf32, #tpu.memory_space<vmem>>
      %dma_wait3A_1069 = arith.constant 0 : i32
      %dma_wait3A_1070 = tpu.memref_slice %arg10[%add3A_929, %dma_wait3A_1069] : memref<80x128xi32, #tpu.memory_space<vmem>> -> memref<1x128xi32, #tpu.memory_space<vmem>>
      %dma_wait3A_1071 = tpu.memref_squeeze %dma_wait3A_1070 : memref<1x128xi32, #tpu.memory_space<vmem>> -> memref<128xi32, #tpu.memory_space<vmem>>
      %dma_wait3A_1072 = arith.constant 0 : i32
      %dma_wait3A_1073 = arith.constant 0 : i32
      %dma_wait3A_1074 = tpu.memref_slice %arg16[%dma_wait3A_1072, %dma_wait3A_1073] : memref<10112x32xf32, #tpu.memory_space<vmem_shared>> -> memref<10112x32xf32, #tpu.memory_space<vmem_shared>>
      tpu.wait_indirect_dma semaphore(%arg21 : memref<!tpu.dma_semaphore, #tpu.memory_space<semaphore_mem>>) src(%dma_wait3A_1068 : memref<128x32xf32, #tpu.memory_space<vmem>>) dst(%dma_wait3A_1074 : memref<10112x32xf32, #tpu.memory_space<vmem_shared>>)
      %dma_wait3A_1075 = arith.constant 0 : i32
      %dma_wait3A_1076 = tpu.memref_slice %arg10[%add3A_942, %dma_wait3A_1075] : memref<80x128xi32, #tpu.memory_space<vmem>> -> memref<1x128xi32, #tpu.memory_space<vmem>>
      %dma_wait3A_1077 = tpu.memref_squeeze %dma_wait3A_1076 : memref<1x128xi32, #tpu.memory_space<vmem>> -> memref<128xi32, #tpu.memory_space<vmem>>
      %dma_wait3A_1078 = arith.constant 0 : i32
      %dma_wait3A_1079 = tpu.memref_slice %arg17[%dma_wait3A_1078] : memref<10112xf32, #tpu.memory_space<vmem_shared>> -> memref<10112xf32, #tpu.memory_space<vmem_shared>>
      tpu.wait_indirect_dma semaphore(%arg21 : memref<!tpu.dma_semaphore, #tpu.memory_space<semaphore_mem>>) src(%arg13 : memref<128xf32, #tpu.memory_space<vmem>>) dst(%dma_wait3A_1079 : memref<10112xf32, #tpu.memory_space<vmem_shared>>)
      %dma_wait3A_1080 = arith.constant 7 : i32
      %dma_wait3A_1081 = arith.constant 0 : i32
      %dma_wait3A_1082 = arith.constant 0 : i32
      %dma_wait3A_1083 = tpu.memref_slice %arg12[%dma_wait3A_1080, %dma_wait3A_1081, %dma_wait3A_1082] : memref<8x128x32xf32, #tpu.memory_space<vmem>> -> memref<1x128x32xf32, #tpu.memory_space<vmem>>
      %dma_wait3A_1084 = tpu.memref_squeeze %dma_wait3A_1083 : memref<1x128x32xf32, #tpu.memory_space<vmem>> -> memref<128x32xf32, #tpu.memory_space<vmem>>
      %dma_wait3A_1085 = arith.constant 0 : i32
      %dma_wait3A_1086 = tpu.memref_slice %arg10[%add3A_949, %dma_wait3A_1085] : memref<80x128xi32, #tpu.memory_space<vmem>> -> memref<1x128xi32, #tpu.memory_space<vmem>>
      %dma_wait3A_1087 = tpu.memref_squeeze %dma_wait3A_1086 : memref<1x128xi32, #tpu.memory_space<vmem>> -> memref<128xi32, #tpu.memory_space<vmem>>
      %dma_wait3A_1088 = arith.constant 0 : i32
      %dma_wait3A_1089 = arith.constant 0 : i32
      %dma_wait3A_1090 = tpu.memref_slice %arg16[%dma_wait3A_1088, %dma_wait3A_1089] : memref<10112x32xf32, #tpu.memory_space<vmem_shared>> -> memref<10112x32xf32, #tpu.memory_space<vmem_shared>>
      tpu.wait_indirect_dma semaphore(%arg21 : memref<!tpu.dma_semaphore, #tpu.memory_space<semaphore_mem>>) src(%dma_wait3A_1084 : memref<128x32xf32, #tpu.memory_space<vmem>>) dst(%dma_wait3A_1090 : memref<10112x32xf32, #tpu.memory_space<vmem_shared>>)
      %dma_wait3A_1091 = arith.constant 0 : i32
      %dma_wait3A_1092 = tpu.memref_slice %arg10[%add3A_962, %dma_wait3A_1091] : memref<80x128xi32, #tpu.memory_space<vmem>> -> memref<1x128xi32, #tpu.memory_space<vmem>>
      %dma_wait3A_1093 = tpu.memref_squeeze %dma_wait3A_1092 : memref<1x128xi32, #tpu.memory_space<vmem>> -> memref<128xi32, #tpu.memory_space<vmem>>
      %dma_wait3A_1094 = arith.constant 0 : i32
      %dma_wait3A_1095 = tpu.memref_slice %arg17[%dma_wait3A_1094] : memref<10112xf32, #tpu.memory_space<vmem_shared>> -> memref<10112xf32, #tpu.memory_space<vmem_shared>>
      tpu.wait_indirect_dma semaphore(%arg21 : memref<!tpu.dma_semaphore, #tpu.memory_space<semaphore_mem>>) src(%arg13 : memref<128xf32, #tpu.memory_space<vmem>>) dst(%dma_wait3A_1095 : memref<10112xf32, #tpu.memory_space<vmem_shared>>)
    }
    %scan3A_158 = arith.constant 5 : i32
    %barrier3A_159 = arith.constant 0 : index
    tpu.barrier barrier_id(%barrier3A_159)
    %mul3A_160 = arith.constant 632 : i32
    %mul3A_161 = arith.muli %arg1, %mul3A_160 : i32
    %mul3A_162 = arith.constant 632 : i32
    %mul3A_163 = arith.muli %arg1, %mul3A_162 : i32
    "tpu.region"() ({
      %run_scoped3A_166 = tpu.sem_alloc : memref<!tpu.dma_semaphore, #tpu.memory_space<semaphore_mem>>
      %dma_start3A_167 = arith.constant 0 : i32
      %dma_start3A_168 = tpu.memref_slice %arg7[%arg0, %mul3A_163, %dma_start3A_167] : memref<2x10112x32xf32, #tpu.memory_space<hbm>> -> memref<1x632x32xf32, #tpu.memory_space<hbm>>
      %dma_start3A_169 = tpu.memref_squeeze %dma_start3A_168 : memref<1x632x32xf32, #tpu.memory_space<hbm>> -> memref<632x32xf32, #tpu.memory_space<hbm>>
      %dma_start3A_170 = arith.constant 0 : i32
      %dma_start3A_171 = tpu.memref_slice %arg16[%mul3A_161, %dma_start3A_170] : memref<10112x32xf32, #tpu.memory_space<vmem_shared>> -> memref<632x32xf32, #tpu.memory_space<vmem_shared>>
      tpu.enqueue_dma source(%dma_start3A_171 : memref<632x32xf32, #tpu.memory_space<vmem_shared>>) target(%dma_start3A_169 : memref<632x32xf32, #tpu.memory_space<hbm>>) target_semaphore(%run_scoped3A_166 : memref<!tpu.dma_semaphore, #tpu.memory_space<semaphore_mem>>)
      %dma_wait3A = arith.constant 0 : i32
      %dma_wait3A_172 = tpu.memref_slice %arg7[%arg0, %mul3A_163, %dma_wait3A] : memref<2x10112x32xf32, #tpu.memory_space<hbm>> -> memref<1x632x32xf32, #tpu.memory_space<hbm>>
      %dma_wait3A_173 = tpu.memref_squeeze %dma_wait3A_172 : memref<1x632x32xf32, #tpu.memory_space<hbm>> -> memref<632x32xf32, #tpu.memory_space<hbm>>
      %dma_wait3A_174 = arith.constant 0 : i32
      %dma_wait3A_175 = tpu.memref_slice %arg16[%mul3A_161, %dma_wait3A_174] : memref<10112x32xf32, #tpu.memory_space<vmem_shared>> -> memref<632x32xf32, #tpu.memory_space<vmem_shared>>
      tpu.wait_dma2 semaphore(%run_scoped3A_166 : memref<!tpu.dma_semaphore, #tpu.memory_space<semaphore_mem>>) src(%dma_wait3A_175 : memref<632x32xf32, #tpu.memory_space<vmem_shared>>) dst(%dma_wait3A_173 : memref<632x32xf32, #tpu.memory_space<hbm>>)
      tpu.yield
    }) : () -> ()
    %mul3A_164 = arith.constant 632 : i32
    %mul3A_165 = arith.muli %arg1, %mul3A_164 : i32
    "tpu.region"() ({
      %run_scoped3A_166 = tpu.sem_alloc : memref<!tpu.dma_semaphore, #tpu.memory_space<semaphore_mem>>
      %dma_start3A_167 = tpu.memref_slice %arg17[%mul3A_165] : memref<10112xf32, #tpu.memory_space<vmem_shared>> -> memref<632xf32, #tpu.memory_space<vmem_shared>>
      %dma_start3A_168 = tpu.memref_slice %arg17[%mul3A_165] : memref<10112xf32, #tpu.memory_space<vmem_shared>> -> memref<632xf32, #tpu.memory_space<vmem_shared>>
      tpu.enqueue_dma source(%dma_start3A_168 : memref<632xf32, #tpu.memory_space<vmem_shared>>) target(%arg14 : memref<632xf32, #tpu.memory_space<vmem>>) target_semaphore(%run_scoped3A_166 : memref<!tpu.dma_semaphore, #tpu.memory_space<semaphore_mem>>)
      %dma_wait3A = tpu.memref_slice %arg17[%mul3A_165] : memref<10112xf32, #tpu.memory_space<vmem_shared>> -> memref<632xf32, #tpu.memory_space<vmem_shared>>
      %dma_wait3A_169 = tpu.memref_slice %arg17[%mul3A_165] : memref<10112xf32, #tpu.memory_space<vmem_shared>> -> memref<632xf32, #tpu.memory_space<vmem_shared>>
      tpu.wait_dma2 semaphore(%run_scoped3A_166 : memref<!tpu.dma_semaphore, #tpu.memory_space<semaphore_mem>>) src(%dma_wait3A_169 : memref<632xf32, #tpu.memory_space<vmem_shared>>) dst(%arg14 : memref<632xf32, #tpu.memory_space<vmem>>)
      tpu.yield
    }) : () -> ()
    %run_scoped3A = arith.constant 0 : i32
    "tpu.region"() ({
      %run_scoped3A_166 = tpu.sem_alloc : memref<!tpu.dma_semaphore, #tpu.memory_space<semaphore_mem>>
      %dma_start3A_167 = arith.constant 0 : i32
      %dma_start3A_168 = tpu.memref_slice %arg8[%arg0, %arg1, %run_scoped3A, %dma_start3A_167] : memref<2x16x1x632xf32, #tpu.memory_space<hbm>> -> memref<1x1x1x632xf32, #tpu.memory_space<hbm>>
      %dma_start3A_169 = tpu.memref_squeeze %dma_start3A_168 : memref<1x1x1x632xf32, #tpu.memory_space<hbm>> -> memref<632xf32, #tpu.memory_space<hbm>>
      %dma_start3A_170 = arith.constant 0 : i32
      %dma_start3A_171 = tpu.memref_slice %arg8[%arg0, %arg1, %run_scoped3A, %dma_start3A_170] : memref<2x16x1x632xf32, #tpu.memory_space<hbm>> -> memref<1x1x1x632xf32, #tpu.memory_space<hbm>>
      %dma_start3A_172 = tpu.memref_squeeze %dma_start3A_171 : memref<1x1x1x632xf32, #tpu.memory_space<hbm>> -> memref<632xf32, #tpu.memory_space<hbm>>
      tpu.enqueue_dma source(%arg14 : memref<632xf32, #tpu.memory_space<vmem>>) target(%dma_start3A_172 : memref<632xf32, #tpu.memory_space<hbm>>) target_semaphore(%run_scoped3A_166 : memref<!tpu.dma_semaphore, #tpu.memory_space<semaphore_mem>>)
      %dma_wait3A = arith.constant 0 : i32
      %dma_wait3A_173 = tpu.memref_slice %arg8[%arg0, %arg1, %run_scoped3A, %dma_wait3A] : memref<2x16x1x632xf32, #tpu.memory_space<hbm>> -> memref<1x1x1x632xf32, #tpu.memory_space<hbm>>
      %dma_wait3A_174 = tpu.memref_squeeze %dma_wait3A_173 : memref<1x1x1x632xf32, #tpu.memory_space<hbm>> -> memref<632xf32, #tpu.memory_space<hbm>>
      %dma_wait3A_175 = arith.constant 0 : i32
      %dma_wait3A_176 = tpu.memref_slice %arg8[%arg0, %arg1, %run_scoped3A, %dma_wait3A_175] : memref<2x16x1x632xf32, #tpu.memory_space<hbm>> -> memref<1x1x1x632xf32, #tpu.memory_space<hbm>>
      %dma_wait3A_177 = tpu.memref_squeeze %dma_wait3A_176 : memref<1x1x1x632xf32, #tpu.memory_space<hbm>> -> memref<632xf32, #tpu.memory_space<hbm>>
      tpu.wait_dma2 semaphore(%run_scoped3A_166 : memref<!tpu.dma_semaphore, #tpu.memory_space<semaphore_mem>>) src(%arg14 : memref<632xf32, #tpu.memory_space<vmem>>) dst(%dma_wait3A_177 : memref<632xf32, #tpu.memory_space<hbm>>)
      tpu.yield
    }) : () -> ()
    return
  }
}

module attributes {stable_mosaic.version = 14 : i64} {
  func.func @_mlp_body(%arg0: memref<10000x128xf32, #tpu.memory_space<vmem>>, %arg1: memref<128x32xf32, #tpu.memory_space<vmem>>, %arg2: memref<1x32xf32, #tpu.memory_space<vmem>>, %arg3: memref<1x1xf32, #tpu.memory_space<smem>>, %arg4: memref<10000x32xf32, #tpu.memory_space<vmem>>) attributes {dimension_semantics = [], scalar_prefetch = 0 : i64, scratch_operands = 0 : i64, tpu.core_type = #tpu.core_type<tc>} {
    %get3A = arith.constant 0 : index
    %get3A_0 = arith.constant 0 : index
    %get3A_1 = vector.load %arg0[%get3A, %get3A_0] : memref<10000x128xf32, #tpu.memory_space<vmem>>, vector<10000x128xf32>
    %get3A_2 = arith.constant 0 : index
    %get3A_3 = arith.constant 0 : index
    %get3A_4 = vector.load %arg1[%get3A_2, %get3A_3] : memref<128x32xf32, #tpu.memory_space<vmem>>, vector<128x32xf32>
    %dot_general3A = arith.constant dense<0.000000e+00> : vector<10000x32xf32>
    %dot_general3A_5 = tpu.matmul %get3A_1, %get3A_4, %dot_general3A {dimension_numbers = #tpu.dot_dimension_numbers<[1], [0], [0], [1], [0, 0, 1, 1], [], []>, transpose_lhs_hint = false} : vector<10000x128xf32>, vector<128x32xf32>, vector<10000x32xf32> -> vector<10000x32xf32>
    %get3A_6 = arith.constant 0 : index
    %get3A_7 = arith.constant 0 : index
    %get3A_8 = vector.load %arg2[%get3A_6, %get3A_7] : memref<1x32xf32, #tpu.memory_space<vmem>>, vector<1x32xf32>
    %add3A = vector.broadcast %get3A_8 : vector<1x32xf32> to vector<10000x32xf32>
    %add3A_9 = arith.addf %dot_general3A_5, %add3A : vector<10000x32xf32>
    %get3A_10 = arith.constant 0 : index
    %get3A_11 = arith.constant 0 : index
    %get3A_12 = memref.load %arg3[%get3A_10, %get3A_11] : memref<1x1xf32, #tpu.memory_space<smem>>
    %ge3A = arith.constant 0.000000e+00 : f32
    %ge3A_13 = vector.broadcast %ge3A : f32 to vector<10000x32xf32>
    %ge3A_14 = arith.cmpf oge, %add3A_9, %ge3A_13 : vector<10000x32xf32>
    %mul3A = vector.broadcast %get3A_12 : f32 to vector<10000x32xf32>
    %mul3A_15 = arith.mulf %mul3A, %add3A_9 : vector<10000x32xf32>
    %select_n3A = arith.select %ge3A_14, %add3A_9, %mul3A_15 : vector<10000x32xi1>, vector<10000x32xf32>
    %mul3A_16 = arith.mulf %select_n3A, %select_n3A : vector<10000x32xf32>
    %reduce_sum3A = arith.constant dense<0.000000e+00> : vector<10000xf32>
    %reduce_sum3A_17 = vector.multi_reduction <add>, %mul3A_16, %reduce_sum3A [1] : vector<10000x32xf32> to vector<10000xf32>
    %broadcast_in_dim3A = vector.shape_cast %reduce_sum3A_17 : vector<10000xf32> to vector<10000x1xf32>
    %sqrt3A = math.sqrt %broadcast_in_dim3A : vector<10000x1xf32>
    %max3A = arith.constant 9.99999996E-13 : f32
    %max3A_18 = vector.broadcast %max3A : f32 to vector<10000x1xf32>
    %max3A_19 = arith.maximumf %sqrt3A, %max3A_18 : vector<10000x1xf32>
    %div3A = vector.broadcast %max3A_19 : vector<10000x1xf32> to vector<10000x32xf32>
    %div3A_20 = arith.divf %select_n3A, %div3A : vector<10000x32xf32>
    %swap3A = arith.constant 0 : index
    %swap3A_21 = arith.constant 0 : index
    %swap3A_22 = vector.load %arg4[%swap3A, %swap3A_21] : memref<10000x32xf32, #tpu.memory_space<vmem>>, vector<10000x32xf32>
    tpu.vector_store %arg4[%swap3A, %swap3A_21], %div3A_20 {strides = array<i32>} : memref<10000x32xf32, #tpu.memory_space<vmem>>, vector<10000x32xf32>,
    return
  }
}

module attributes {stable_mosaic.version = 14 : i64} {
  func.func @_comb_body(%arg0: memref<2x2528x128xf32, #tpu.memory_space<vmem>>, %arg1: memref<2x2528x128xf32, #tpu.memory_space<vmem>>, %arg2: memref<2500x128xf32, #tpu.memory_space<vmem>>) attributes {dimension_semantics = [], scalar_prefetch = 0 : i64, scratch_operands = 0 : i64, tpu.core_type = #tpu.core_type<tc>} {
    %get3A = arith.constant 0 : index
    %get3A_0 = arith.constant 0 : index
    %get3A_1 = arith.constant 0 : index
    %get3A_2 = vector.load %arg0[%get3A, %get3A_0, %get3A_1] : memref<2x2528x128xf32, #tpu.memory_space<vmem>>, vector<1x2500x128xf32>
    %get3A_3 = vector.shape_cast %get3A_2 : vector<1x2500x128xf32> to vector<2500x128xf32>
    %get3A_4 = arith.constant 1 : index
    %get3A_5 = arith.constant 0 : index
    %get3A_6 = arith.constant 0 : index
    %get3A_7 = vector.load %arg0[%get3A_4, %get3A_5, %get3A_6] : memref<2x2528x128xf32, #tpu.memory_space<vmem>>, vector<1x2500x128xf32>
    %get3A_8 = vector.shape_cast %get3A_7 : vector<1x2500x128xf32> to vector<2500x128xf32>
    %add3A = arith.addf %get3A_3, %get3A_8 : vector<2500x128xf32>
    %get3A_9 = arith.constant 0 : index
    %get3A_10 = arith.constant 0 : index
    %get3A_11 = arith.constant 0 : index
    %get3A_12 = vector.load %arg1[%get3A_9, %get3A_10, %get3A_11] : memref<2x2528x128xf32, #tpu.memory_space<vmem>>, vector<1x2500x128xf32>
    %get3A_13 = vector.shape_cast %get3A_12 : vector<1x2500x128xf32> to vector<2500x128xf32>
    %get3A_14 = arith.constant 1 : index
    %get3A_15 = arith.constant 0 : index
    %get3A_16 = arith.constant 0 : index
    %get3A_17 = vector.load %arg1[%get3A_14, %get3A_15, %get3A_16] : memref<2x2528x128xf32, #tpu.memory_space<vmem>>, vector<1x2500x128xf32>
    %get3A_18 = vector.shape_cast %get3A_17 : vector<1x2500x128xf32> to vector<2500x128xf32>
    %add3A_19 = arith.addf %get3A_13, %get3A_18 : vector<2500x128xf32>
    %max3A = arith.constant 1.000000e+00 : f32
    %max3A_20 = vector.broadcast %max3A : f32 to vector<2500x128xf32>
    %max3A_21 = arith.maximumf %add3A_19, %max3A_20 : vector<2500x128xf32>
    %div3A = arith.divf %add3A, %max3A_21 : vector<2500x128xf32>
    %swap3A = arith.constant 0 : index
    %swap3A_22 = arith.constant 0 : index
    %swap3A_23 = vector.load %arg2[%swap3A, %swap3A_22] : memref<2500x128xf32, #tpu.memory_space<vmem>>, vector<2500x128xf32>
    tpu.vector_store %arg2[%swap3A, %swap3A_22], %div3A {strides = array<i32>} : memref<2500x128xf32, #tpu.memory_space<vmem>>, vector<2500x128xf32>,
    return
  }
}

</mosaic_0001>

<sc_bundles>
// kernel: kernel.5.cloned.1.call-start
scs
__scs_entry_jumppad:
0x0: {  	(pc) =	sbr.rel $0x88, $3  }
0x1: {  	(tag) =	ssettag $0x0;
	lr =	simm.s32 $0x1  }
0x2: {  	[smem:$0x3F9C] =	sst lr;
	_ =	strace $0xD0000000  }
0x3: {  	_ = 	snop  }
0x4: {  	_ = 	snop  }
0x5: {  	_ = 	snop  }
0x6: {  	_ = 	snop  }
0x7: {  	_ = 	snop  }
__scs_overlays_trampoline_lowered:
0x8: {  	[smem:$0x3FAB] =	sst s0  }
0x9: {  	[smem:$0x3FAC] =	sst s1  }
0xa: {  	[smem:$0x3FAD] =	sst s2  }
0xb: {  	[smem:$0x3FAE] =	sst s3  }
0xc: {  	[smem:$0x3FAF] =	sst s4  }
0xd: {  	[smem:$0x3FB0] =	sst s5  }
0xe: {  	[smem:$0x3FB1] =	sst s6  }
0xf: {  	[smem:$0x3FB2] =	sst s7  }
0x10: {  	[smem:$0x3FB3] =	sst s8  }
0x11: {  	[smem:$0x3FB4] =	sst s9;
	s0 =	simm.s32 @!p0 $0x0  }
0x12: {  	s1 =	sld [smem:$0x3F9A];
	s0 =	simm.s32 @p0 $0x1  }
0x13: {  	[smem:$0x3FB5] =	sst s0;
	s0 =	simm.s32 @!p1 $0x0  }
0x14: {  	s2 =	sld [smem:$0x3F99];
	s0 =	simm.s32 @p1 $0x1  }
0x15: {  	[smem:$0x3FB6] =	sst s0;
	s0 =	simm.s32 @!p2 $0x0  }
0x16: {  	s3 =	sld [smem:$0x3FDB];
	s0 =	simm.s32 @p2 $0x1  }
0x17: {  	s4 =	simm.s32 $0x1BF5;
	[smem:$0x3FB8] =	sst s0  }
0x18: {  	s0 =	sld [smem:$0x3F9B];
	_ =	swait.ge [sflag:s4], $0x0  }
0x19: {  	s7 =	sld [smem:$0x3F9C]  }
0x1a: {  	s8 =	sadd.s32 $0xFFFFE003, lr  }
0x1b: {  	s9 =	sadd.s32 $0xFFFFFEF7, lr;
	s5 =	simm.s32 $0xFFFFFFFF;
	p2 =	slt.u32 s8, $0xFFFFF086  }
0x1c: {  	p1 =	slt.u32 s9, $0xF7A;
	s5 =	simm.s32 @!p2 $0x0  }
0x1d: {  	s5 =	simm.s32 @p1 $0x1;
	p0 =	seq.s32 s7, s2  }
0x1e: {  	s7 =	smul.u32 @!p0 $0xF7A, s2;
	p2 =	seq.s32 @!p0 s5, $0x0  }
0x1f: {  	s9 =	smul.u32 $0xF7A, s1;
	s8 =	simm.s32 @!p0 $0x1BF5;
	p2 =	por !p2, p0  }
0x20: {  	[sflag:s8] =	ssyncset.s32 @!p0 $0xFFFFF086;
	s6 =	sadd.s32 @!p0 s3, s7;
	s7 =	simm.s32 @!p0 $0x108  }
0x21: {  	s3 =	sadd.s32 s3, s9;
	s6 =	sadd.s32 @!p0 $0x88, s6;
	s7 =	simm.s32 @p2 $0x1082  }
0x22: {  	[simem:s7], [sflag:s8] =	dma.local @!p0 [hbm:s6], $0xF7A  }
0x23: {  	s9 =	sor.u32 $0xD0000000, s2;
	s6 =	simm.s32 $0x108;
	_ =	swait.ge @!p0 [sflag:s8], $0x0  }
0x24: {  	s3 =	sadd.s32 $0x88, s3;
	s6 =	simm.s32 @!p1 $0x1082;
	[sflag:s4] =	ssyncset.s32 $0xFFFFF086  }
0x25: {  	[simem:s6], [sflag:s4] =	dma.local [hbm:s3], $0xF7A  }
0x26: {  	[smem:$0x3F9C] =	sst s1;
	(tag) =	ssettag s2;
	_ =	strace s9  }
0x27: {  	s1 =	sld [smem:$0x3FAC]  }
0x28: {  	s2 =	sld [smem:$0x3FAD]  }
0x29: {  	s4 =	sld [smem:$0x3FAF]  }
0x2a: {  	p0 =	seq.s32 s5, $0x0;
	s5 =	sld [smem:$0x3FB0]  }
0x2b: {  	s6 =	sld [smem:$0x3FB1]  }
0x2c: {  	s7 =	sld [smem:$0x3FB2]  }
0x2d: {  	s3 =	simm.s32 $0x108;
	s8 =	sld [smem:$0x3FB3]  }
0x2e: {  	s3 =	simm.s32 @!p0 $0x1082;
	s9 =	sld [smem:$0x3FB4]  }
0x2f: {  	lr =	sadd.s32 s0, s3;
	s0 =	sld [smem:$0x3FAB]  }
0x30: {  	s3 =	sld [smem:$0x3FAE]  }
0x31: {  	[smem:$0x3FB7] =	sst s10  }
0x32: {  	s10 =	sld [smem:$0x3FB5];
	_ =	sdelay $0x3  }
0x33: {  	p0 =	seq.s32 s10, $0x1;
	s10 =	sld [smem:$0x3FB7];
	_ =	sdelay $0x3  }
0x34: {  	[smem:$0x3FB7] =	sst s10  }
0x35: {  	s10 =	sld [smem:$0x3FB6];
	_ =	sdelay $0x3  }
0x36: {  	p1 =	seq.s32 s10, $0x1;
	s10 =	sld [smem:$0x3FB7];
	_ =	sdelay $0x3  }
0x37: {  	[smem:$0x3FB7] =	sst s10  }
0x38: {  	s10 =	sld [smem:$0x3FB8]  }
0x39: {  	_ = 	snop;
	(pc) =	sbr.ind lr, $3  }
0x3a: {  	_ = 	snop  }
0x3b: {  	_ = 	snop  }
0x3c: {  	p2 =	seq.s32 s10, $0x1;
	s10 =	sld [smem:$0x3FB7]  }
0x3d: {  	_ =	shalt  }
0x3e: {  	_ =	shalt  }
0x3f: {  	_ =	shalt  }
0x40: {  	_ =	shalt  }
0x41: {  	_ =	shalt  }
0x42: {  	_ =	shalt  }
0x43: {  	_ =	shalt  }
0x44: {  	_ =	shalt  }
0x45: {  	_ =	shalt  }
0x46: {  	_ =	shalt  }
0x47: {  	_ =	shalt  }
0x48: {  	_ =	shalt  }
0x49: {  	_ =	shalt  }
0x4a: {  	_ =	shalt  }
0x4b: {  	_ =	shalt  }
0x4c: {  	_ =	shalt  }
0x4d: {  	_ =	shalt  }
0x4e: {  	_ =	shalt  }
0x4f: {  	_ =	shalt  }
0x50: {  	_ =	shalt  }
0x51: {  	_ =	shalt  }
0x52: {  	_ =	shalt  }
0x53: {  	_ =	shalt  }
0x54: {  	_ =	shalt  }
0x55: {  	_ =	shalt  }
0x56: {  	_ =	shalt  }
0x57: {  	_ =	shalt  }
0x58: {  	_ =	shalt  }
0x59: {  	_ =	shalt  }
0x5a: {  	_ =	shalt  }
0x5b: {  	_ =	shalt  }
0x5c: {  	_ =	shalt  }
0x5d: {  	_ =	shalt  }
0x5e: {  	_ =	shalt  }
0x5f: {  	_ =	shalt  }
0x60: {  	_ =	shalt  }
0x61: {  	_ =	shalt  }
0x62: {  	_ =	shalt  }
0x63: {  	_ =	shalt  }
0x64: {  	_ =	shalt  }
0x65: {  	_ =	shalt  }
0x66: {  	_ =	shalt  }
0x67: {  	_ =	shalt  }
0x68: {  	_ =	shalt  }
0x69: {  	_ =	shalt  }
0x6a: {  	_ =	shalt  }
0x6b: {  	_ =	shalt  }
0x6c: {  	_ =	shalt  }
0x6d: {  	_ =	shalt  }
0x6e: {  	_ =	shalt  }
0x6f: {  	_ =	shalt  }
0x70: {  	_ =	shalt  }
0x71: {  	_ =	shalt  }
0x72: {  	_ =	shalt  }
0x73: {  	_ =	shalt  }
0x74: {  	_ =	shalt  }
0x75: {  	_ =	shalt  }
0x76: {  	_ =	shalt  }
0x77: {  	_ =	shalt  }
0x78: {  	_ =	shalt  }
0x79: {  	_ =	shalt  }
0x7a: {  	_ =	shalt  }
0x7b: {  	_ =	shalt  }
0x7c: {  	_ =	shalt  }
0x7d: {  	_ =	shalt  }
0x7e: {  	_ =	shalt  }
0x7f: {  	_ =	shalt  }
0x80: {  	_ =	shalt  }
0x81: {  	_ =	shalt  }
0x82: {  	_ =	shalt  }
0x83: {  	_ =	shalt  }
0x84: {  	_ =	shalt  }
0x85: {  	_ =	shalt  }
0x86: {  	_ =	shalt  }
0x87: {  	_ =	shalt  }
.Lfunc_end0:
.L_simem_size_0:
called_computation_lowered:
.L_overlay_start_0:
0x88: {  	s2 =	sld [smem:$0x3FD9]  }
0x89: {  	s3 =	sld [smem:$0x3FFE];
	_ =	sdelay $0x1  }
0x8a: {  	s1 =	srdreg.scid  }
0x8b: {  	s0 =	sand.u32 $0x1, s1  }
0x8c: {  	s14 =	sshll.u32 s0, $0xA;
	s2 =	sadd.s32 s3, s2  }
0x8d: {  	s2 =	sadd.s32 s2, s14  }
0x8e: {  	[smem:$0x3FC3] =	sst s2  }
0x8f: {  	_ = 	snop  }
0x90: {  	s2 =	sld [smem:$0x3FD0];
	_ =	sdelay $0x2  }
0x91: {  	s15 =	simm.s32 $0xA;
	s4 =	simm.s32 $0x10  }
0x92: {  	[smem:s4], [sflag:s15] =	dma.local [hbm:s2], $0x1  }
0x93: {  	_ =	swait.eq [sflag:s15], $0x1  }
0x94: {  	[sflag:s15] =	ssyncset.done $0x0  }
0x95: {  	[sflag:s15] =	ssyncadd.s32 $0xFFFFFFFF  }
0x96: {  	s16 =	sld [smem:$0x11];
	(tm) =	ssettm $0x1  }
0x97: {  	s17 =	sld [smem:$0x3FFB];
	_ =	sdelay $0x3  }
0x98: {  	_ =	strace s17  }
0x99: {  	s3 =	sld [smem:$0x3FFC];
	_ =	sdelay $0x3  }
0x9a: {  	_ =	strace s3  }
0x9b: {  	s3 =	sld [smem:$0x3FFD];
	_ =	sdelay $0x3  }
0x9c: {  	_ =	strace s3  }
0x9d: {  	_ =	strace $0x8FFFFFFF  }
0x9e: {  	s18 =	sld [smem:$0x3FDB];
	_ =	sdelay $0x1  }
0x9f: {  	s19 =	simm.s32 $_scs_section_size  }
0xa0: {  	s5 =	simm.s32 $_size__tile_overlayer_lowered;
	s6 =	simm.s32 $_tile_overlayer_lowered  }
0xa1: {  	s22 =	simm.s32 $0x1BFF;
	s21 =	sshll.u32 s6, $0x1;
	s3 =	sadd.s32 s19, s18  }
0xa2: {  	s7 =	simm.s32 $0x0;
	s20 =	sshll.u32 s5, $0x1;
	s5 =	sadd.s32 s21, s3  }
0xa3: {  	[timem:s7], [sflag:s22] =	dma.local [hbm:s5], s20  }
0xa4: {  	_ =	swait.ge [sflag:s22], s20  }
0xa5: {  	s4 =	ssub.s32 $0x0, s20;
	[sflag:s22] =	ssyncset.done $0x0  }
0xa6: {  	[sflag:s22] =	ssyncadd.s32 s4;
	_ =	sdelay $0x1  }
0xa7: {  	s23 =	simm.s32 $0x1B8B  }
0xa8: {  	_ =	swait.ge [sflag:s23], $0x1  }
0xa9: {  	[sflag:s23] =	ssyncset.done $0x0  }
0xaa: {  	s25 =	simm.s32 $0x1B8E;
	s24 =	sld [smem:$0x3FFE];
	[sflag:s23] =	ssyncadd.s32 $0xFFFFFFFF  }
0xab: {  	s26 =	simm.s32 $execute0_lowered;
	[smem:$0x3FD2] =	sst s25  }
0xac: {  	s5 =	sshll.u32 s26, $0x1;
	_ =	strace $0x80000046;
	[dreg:$0x1] =	wrdreg $0xFFFFFFFF  }
0xad: {  	s28 =	simm.s32 $_size_execute0_lowered;
	s3 =	sadd.s32 s3, s5;
	[dreg:$0x0] =	wrdreg $0x0  }
0xae: {  	s5 =	sshll.u32 s28, $0x1;
	[dreg:$0x2] =	wrdreg s3  }
0xaf: {  	[dreg:$0x3] =	wrdreg s5  }
0xb0: {  	[dreg:$0x4] =	wrdreg $0xC0  }
0xb1: {  	_ =	task [dreg:s7], $0x5FFFF  }
0xb2: {  	[dreg:$0x1] =	wrdreg $0xFFFFFFFF  }
0xb3: {  	[dreg:$0x0] =	wrdreg $0x60  }
0xb4: {  	[dreg:$0x2] =	wrdreg s24  }
0xb5: {  	[dreg:$0x3] =	wrdreg s16  }
0xb6: {  	[dreg:$0x4] =	wrdreg $0x152F80  }
0xb7: {  	[dreg:$0x5] =	wrdreg $0x1A1180  }
0xb8: {  	[dreg:$0x6] =	wrdreg $0x1F0180  }
0xb9: {  	[dreg:$0x7] =	wrdreg $0x9  }
0xba: {  	_ =	task.clear_ibuf [dreg:s7], $0x8FFFF;
	_ =	strace $0x90000046  }
0xbb: {  	s29 =	simm.s32 $0x9;
	_ =	strace $0x80000048  }
0xbc: {  	_ =	swait.ge [sflag:s29], $0x1  }
0xbd: {  	[sflag:s29] =	ssyncadd.s32 $0xFFFFFFFF  }
0xbe: {  	_ =	strace $0x90000048  }
0xbf: {  	_ =	sfence  }
0xc0: {  	s30 =	sld [smem:$0x0];
	_ =	sdelay $0x2  }
0xc1: {  	s31 =	sshll.u32 s1, $0xD;
	s1 =	sshrl.u32 s1, $0x2  }
0xc2: {  	s3 =	sand.u32 $0x4000, s31;
	s1 =	sadd.s32 s1, s30  }
0xc3: {  	s0 =	sor.u32 s3, s0;
	s1 =	sshll.u32 s1, $0x11  }
0xc4: {  	s0 =	sor.u32 s1, s0  }
0xc5: {  	s0 =	sadd.s32 $0x8F2B, s0  }
0xc6: {  	[sflag:s0] =	ssyncadd.remote.s32 $0x1  }
0xc7: {  	_ =	sfence.sel $0xFFFF  }
0xc8: {  	[dreg:$0x0] =	wrdreg $0xFFFFFFFF;
	(pc) =	sbr.abs _section_cstart, $3  }
0xc9: {  	[dreg:$0x1] =	wrdreg $0xFFFFFFFF  }
0xca: {  	_ =	task.clear_ibuf [dreg:s7], $0x2FFFF;
	_ =	strace $0x9FFFFFFF  }
0xcb: {  	(tm) =	ssettm $0x7FFFFFFF  }
tec
execute0_lowered:
.L_overlay_start_1:
0x0: {  	(tag) =	ssettag $0x1  }
0x1: {  	s1 =	rddreg [dreg:$0x0]  }
0x2: {  	s0 =	srdreg.scid;
	s5 =	rddreg [dreg:$0x1]  }
0x3: {  	s15 =	stileid.u32;
	s2 =	rddreg [dreg:$0x2];
	s17 =	simm.s32 $0x0  }
0x4: {  	s29 =	simm.s32 $0xD000;
	s31 =	simm.s32 $0xE000;
	s7 =	smul.u32 $0x4E20, s15  }
0x5: {  	s16 =	simm.s32 $0x4;
	s30 =	simm.s32 $0x5000;
	s8 =	smul.u32 $0x278, s15  }
0x6: {  	s20 =	simm.s32 $0x7000;
	s0 =	sand.u32 $0x1, s0;
	s9 =	smul.u32 $0x4F00, s15  }
0x7: {  	[smem:$0x7FF] =	sst s17;
	s21 =	sshll.u32 s15, $0x6;
	s10 =	smul.u32 $0x4F000, s0  }
0x8: {  	s3 =	sshll.u32 s0, $0x4;
	s13 =	smul.u32 $0x2780, s0;
	s0 =	ssub.s32 $0x2, s0  }
0x9: {  	s18 =	sor.u32 $0x1C05, s21;
	s21 =	simm.s32 $0x80;
	s4 =	sor.u32 s15, s3  }
0xa: {  	s3 =	rddreg [dreg:$0x3];
	s11 =	sshrl.u32 s7, $0x3;
	s12 =	sshrl.u32 s8, $0x3  }
0xb: {  	s14 =	sshrl.u32 s0, $0x1;
	s7 =	sadd.s32 s7, s2;
	s15 =	simm.s32 $0x3  }
0xc: {  	s6 =	smul.u32 $0x500, s4;
	s4 =	rddreg [dreg:$0x4];
	_ =	strace $0x80000047  }
0xd: {  	s11 =	sadd.s32 s11, s1;
	s12 =	sadd.s32 s12, s1;
	s10 =	sadd.s32 s9, s10  }
0xe: {  	s13 =	sadd.s32 s8, s13;
	s0 =	ssub.s32 s0, s14;
	s22 =	sadd.s32 s9, s3  }
0xf: {  	s9 =	sshrl.u32 s9, $0x3;
	s28 =	sshrl.u32 s7, $0x3;
	s14 =	simm.s32 $0x2  }
0x10: {  	[dreg:$0x7] =	wrdreg s18;
	s10 =	sshrl.u32 s10, $0x3;
	s13 =	sshrl.u32 s13, $0x3  }
0x11: {  	s11 =	sadd.s32 $0x1200, s11;
	s5 =	sadd.s32 s5, s9;
	[dreg:$0x10] =	wrdreg s28  }
0x12: {  	s23 =	sadd.s32 $0x1F000, s12;
	s19 =	sadd.s32 s8, s4;
	[dreg:$0x6] =	wrdreg s11  }
0x13: {  	s0 =	smax.u32 s0, $0x1;
	s22 =	sshrl.u32 s22, $0x3;
	[dreg:$0x8] =	wrdreg s5  }
0x14: {  	s8 =	simm.s32 $0x12000;
	s9 =	simm.s32 $0x13000;
	[dreg:$0x9] =	wrdreg s23  }
0x15: {  	s12 =	simm.s32 $0x1;
	s6 =	sadd.s32 s6, s1;
	[dreg:$0xf] =	wrdreg s0  }
0x16: {  	s10 =	sadd.s32 s10, s1;
	s1 =	sadd.s32 s13, s1;
	[dreg:$0xa] =	wrdreg s19  }
0x17: {  	s23 =	simm.s32 $0x15080;
	[dreg:$0x11] =	wrdreg s22;
	s24 =	sadd.s32 $0x15000, s6  }
0x18: {  	s0 =	simm.s32 $0xF000;
	s25 =	sadd.s32 $0xB000, s6;
	[dreg:$0xb] =	wrdreg s24  }
0x19: {  	s11 =	simm.s32 $0x14000;
	s26 =	sadd.s32 $0x20000, s10;
	[dreg:$0xc] =	wrdreg s25  }
0x1a: {  	s13 =	simm.s32 $0x15000;
	s1 =	sadd.s32 $0x1F600, s1;
	[dreg:$0xd] =	wrdreg s26  }
0x1b: {  	s10 =	simm.s32 $0x5;
	s6 =	simm.s32 $0x11000;
	[dreg:$0xe] =	wrdreg s1  }
0x1c: {  	v0 =	vimm.f32 $1.000000000e+00;
	s24 =	simm.s32 $0x10000;
	s1 =	simm.s32 $0x0;
	s26 =	simm.s32 $0x8000  }
.LBB2_1:
0x1d: {  	[tilespmem:$0x15000] =	vst v0  }
0x1e: {  	[tilespmem:$0x15010] =	vst v0  }
0x1f: {  	[tilespmem:$0x15020] =	vst v0  }
0x20: {  	[tilespmem:$0x15030] =	vst v0  }
0x21: {  	[tilespmem:$0x15040] =	vst v0  }
0x22: {  	[dreg:$0x12] =	wrdreg s1;
	[tilespmem:$0x15050] =	vst v0  }
0x23: {  	[tilespmem:$0x15060] =	vst v0;
	s5 =	rddreg [dreg:$0x6]  }
0x24: {  	[tilespmem:$0x15070] =	vst v0;
	s7 =	rddreg [dreg:$0x10]  }
0x25: {  	[spmem:s7], [sflag:s18] =	dma.local [hbm:s5], $0x9C4  }
0x26: {  	_ =	swait.ge [sflag:s10], $0x9C4  }
0x27: {  	[sflag:s10] =	ssyncset.done $0x0  }
0x28: {  	s7 =	rddreg [dreg:$0x8];
	[sflag:s10] =	ssyncadd.s32 $0xFFFFF63C  }
0x29: {  	[spmem:s22], [sflag:s18] =	dma.local [hbm:s7], $0x9E0  }
0x2a: {  	_ =	swait.ge [sflag:s10], $0x9E0  }
0x2b: {  	[sflag:s10] =	ssyncset.done $0x0  }
0x2c: {  	s22 =	rddreg [dreg:$0x9];
	[sflag:s10] =	ssyncadd.s32 $0xFFFFF620  }
0x2d: {  	[tilespmem:s23], [sflag:$0x5] =	stream.linear.gather [hbm4b:s22+s17], $0x278, $0x38;
	[tilespmem:$0x1F290] =	vst v63  }
0x2e: {  	_ =	swait.ge [sflag:s10], $0x278  }
0x2f: {  	[sflag:s10] =	ssyncset.done $0x0  }
0x30: {  	[sflag:s10] =	ssyncadd.s32 $0xFFFFFD88  }
0x31: {  	[spmem:s19] =	stream.linear.scatter [tilespmem:s23], [sflag:$0x5], $0x278, $0x38;
	[tilespmem:$0x1F290] =	vst v63  }
0x32: {  	_ =	swait.ge [sflag:s10], $0x278  }
0x33: {  	[sflag:s10] =	ssyncset.done $0x0  }
0x34: {  	[sflag:s10] =	ssyncadd.s32 $0xFFFFFD88  }
0x35: {  	[bflag:$0x0] =	sbarrier.arrive $0xFFFF  }
0x36: {  	s25 =	rddreg [dreg:$0xb]  }
0x37: {  	[tilespmem:s17], [sflag:$0x5] =	stream.linear.gather [hbm4b:s25+s17], $0x2800, $0x38;
	[tilespmem:$0x1F290] =	vst v63  }
0x38: {  	_ =	swait.ge [sflag:s10], $0x2800  }
0x39: {  	[sflag:s10] =	ssyncset.done $0x0  }
0x3a: {  	s1 =	simm.s32 $0x2800;
	s28 =	rddreg [dreg:$0xc];
	[sflag:s10] =	ssyncadd.s32 $0xFFFFD800  }
0x3b: {  	[tilespmem:s1], [sflag:$0x5] =	stream.linear.gather [hbm4b:s28+s17], $0x2800, $0x38;
	[tilespmem:$0x1F290] =	vst v63  }
0x3c: {  	_ =	swait.ge [sflag:s10], $0x2800  }
0x3d: {  	[sflag:s10] =	ssyncset.done $0x0  }
0x3e: {  	s7 =	simm.s32 $0x5000;
	[sflag:s10] =	ssyncadd.s32 $0xFFFFD800  }
0x3f: {  	[tilespmem:s7], [sflag:$0x1] =	stream.indirect.gather [spmem:s2], $0x20, s17, s21, $0xb8;
	[tilespmem:$0x1F290] =	vst v63  }
0x40: {  	s10 =	simm.s32 $0x6000  }
0x41: {  	[tilespmem:s10], [sflag:$0x1] =	stream.indirect.gather [spmem:s2], $0x20, s21, s21, $0xb8;
	[tilespmem:$0x1F290] =	vst v63  }
0x42: {  	s18 =	simm.s32 $0x100;
	s17 =	simm.s32 $0x7000  }
0x43: {  	[tilespmem:s17], [sflag:$0x1] =	stream.indirect.gather [spmem:s2], $0x20, s18, s21, $0xb8;
	[tilespmem:$0x1F290] =	vst v63  }
0x44: {  	s19 =	simm.s32 $0x180;
	s18 =	simm.s32 $0x8000  }
0x45: {  	[tilespmem:s18], [sflag:$0x1] =	stream.indirect.gather [spmem:s2], $0x20, s19, s21, $0xb8;
	[tilespmem:$0x1F290] =	vst v63  }
0x46: {  	s22 =	simm.s32 $0x200;
	s19 =	simm.s32 $0x9000  }
0x47: {  	[tilespmem:s19], [sflag:$0x1] =	stream.indirect.gather [spmem:s2], $0x20, s22, s21, $0xb8;
	[tilespmem:$0x1F290] =	vst v63  }
0x48: {  	s23 =	simm.s32 $0x280;
	s22 =	simm.s32 $0xA000  }
0x49: {  	[tilespmem:s22], [sflag:$0x1] =	stream.indirect.gather [spmem:s2], $0x20, s23, s21, $0xb8;
	[tilespmem:$0x1F290] =	vst v63  }
0x4a: {  	s25 =	simm.s32 $0x300;
	s23 =	simm.s32 $0xB000  }
0x4b: {  	[tilespmem:s23], [sflag:$0x1] =	stream.indirect.gather [spmem:s2], $0x20, s25, s21, $0xb8;
	[tilespmem:$0x1F290] =	vst v63  }
0x4c: {  	s28 =	simm.s32 $0x380;
	s25 =	simm.s32 $0xC000  }
0x4d: {  	[tilespmem:s25], [sflag:$0x1] =	stream.indirect.gather [spmem:s2], $0x20, s28, s21, $0xb8;
	[tilespmem:$0x1F290] =	vst v63  }
0x4e: {  	s1 =	simm.s32 $0x400  }
0x4f: {  	[tilespmem:s29], [sflag:$0x2] =	stream.indirect.gather [spmem:s2], $0x20, s1, s21, $0xb8;
	[tilespmem:$0x1F290] =	vst v63  }
0x50: {  	s28 =	simm.s32 $0x480  }
0x51: {  	[tilespmem:s31], [sflag:$0x2] =	stream.indirect.gather [spmem:s2], $0x20, s28, s21, $0xb8;
	[tilespmem:$0x1F290] =	vst v63  }
0x52: {  	s1 =	simm.s32 $0x500  }
0x53: {  	[tilespmem:s0], [sflag:$0x2] =	stream.indirect.gather [spmem:s2], $0x20, s1, s21, $0xb8;
	[tilespmem:$0x1F290] =	vst v63  }
0x54: {  	s28 =	simm.s32 $0x580  }
0x55: {  	[tilespmem:s24], [sflag:$0x2] =	stream.indirect.gather [spmem:s2], $0x20, s28, s21, $0xb8;
	[tilespmem:$0x1F290] =	vst v63  }
0x56: {  	s1 =	simm.s32 $0x600  }
0x57: {  	[tilespmem:s6], [sflag:$0x2] =	stream.indirect.gather [spmem:s2], $0x20, s1, s21, $0xb8;
	[tilespmem:$0x1F290] =	vst v63  }
0x58: {  	s28 =	simm.s32 $0x680  }
0x59: {  	[tilespmem:s8], [sflag:$0x2] =	stream.indirect.gather [spmem:s2], $0x20, s28, s21, $0xb8;
	[tilespmem:$0x1F290] =	vst v63  }
0x5a: {  	s1 =	simm.s32 $0x700  }
0x5b: {  	[tilespmem:s9], [sflag:$0x2] =	stream.indirect.gather [spmem:s2], $0x20, s1, s21, $0xb8;
	[tilespmem:$0x1F290] =	vst v63  }
0x5c: {  	s28 =	simm.s32 $0x780  }
0x5d: {  	[tilespmem:s11], [sflag:$0x2] =	stream.indirect.gather [spmem:s2], $0x20, s28, s21, $0xb8;
	[tilespmem:$0x1F290] =	vst v63  }
0x5e: {  	_ =	swait.ge [sflag:s12], $0x1000  }
0x5f: {  	[sflag:s12] =	ssyncset.done $0x0  }
0x60: {  	[sflag:s12] =	ssyncadd.s32 $0xFFFFF000  }
0x61: {  	_ =	swait.ge [sflag:s12], $0x1000  }
0x62: {  	[sflag:s12] =	ssyncset.done $0x0  }
0x63: {  	[sflag:s12] =	ssyncadd.s32 $0xFFFFF000  }
0x64: {  	_ =	swait.ge [sflag:s12], $0x1000  }
0x65: {  	[sflag:s12] =	ssyncset.done $0x0  }
0x66: {  	[sflag:s12] =	ssyncadd.s32 $0xFFFFF000  }
0x67: {  	_ =	swait.ge [sflag:s12], $0x1000  }
0x68: {  	[sflag:s12] =	ssyncset.done $0x0  }
0x69: {  	[sflag:s12] =	ssyncadd.s32 $0xFFFFF000  }
0x6a: {  	_ =	swait.ge [sflag:s12], $0x1000  }
0x6b: {  	[sflag:s12] =	ssyncset.done $0x0  }
0x6c: {  	[sflag:s12] =	ssyncadd.s32 $0xFFFFF000  }
0x6d: {  	_ =	swait.ge [sflag:s12], $0x1000  }
0x6e: {  	[sflag:s12] =	ssyncset.done $0x0  }
0x6f: {  	[sflag:s12] =	ssyncadd.s32 $0xFFFFF000  }
0x70: {  	_ =	swait.ge [sflag:s12], $0x1000  }
0x71: {  	[sflag:s12] =	ssyncset.done $0x0  }
0x72: {  	[sflag:s12] =	ssyncadd.s32 $0xFFFFF000  }
0x73: {  	_ =	swait.ge [sflag:s12], $0x1000  }
0x74: {  	[sflag:s12] =	ssyncset.done $0x0  }
0x75: {  	s1 =	simm.s32 $0x2800;
	[sflag:s12] =	ssyncadd.s32 $0xFFFFF000  }
0x76: {  	[spmem:s3] =	stream.indirect.scatter.add.f32 [tilespmem:s7], [sflag:$0x3], $0x20, s1, s21, $0xb8;
	[tilespmem:$0x1F290] =	vst v63  }
0x77: {  	_ = 	snop  }
0x78: {  	[spmem:s4] =	stream.indirect.scatter.add.f32 [tilespmem:s13], [sflag:$0x3], $0x1, s1, s21, $0xb8;
	[tilespmem:$0x1F290] =	vst v63  }
0x79: {  	s7 =	simm.s32 $0x2880  }
0x7a: {  	[spmem:s3] =	stream.indirect.scatter.add.f32 [tilespmem:s10], [sflag:$0x3], $0x20, s7, s21, $0xb8;
	[tilespmem:$0x1F290] =	vst v63  }
0x7b: {  	_ = 	snop  }
0x7c: {  	[spmem:s4] =	stream.indirect.scatter.add.f32 [tilespmem:s13], [sflag:$0x3], $0x1, s7, s21, $0xb8;
	[tilespmem:$0x1F290] =	vst v63  }
0x7d: {  	s10 =	simm.s32 $0x2900  }
0x7e: {  	[spmem:s3] =	stream.indirect.scatter.add.f32 [tilespmem:s17], [sflag:$0x3], $0x20, s10, s21, $0xb8;
	[tilespmem:$0x1F290] =	vst v63  }
0x7f: {  	_ = 	snop  }
0x80: {  	[spmem:s4] =	stream.indirect.scatter.add.f32 [tilespmem:s13], [sflag:$0x3], $0x1, s10, s21, $0xb8;
	[tilespmem:$0x1F290] =	vst v63  }
0x81: {  	s17 =	simm.s32 $0x2980  }
0x82: {  	[spmem:s3] =	stream.indirect.scatter.add.f32 [tilespmem:s18], [sflag:$0x3], $0x20, s17, s21, $0xb8;
	[tilespmem:$0x1F290] =	vst v63  }
0x83: {  	_ = 	snop  }
0x84: {  	[spmem:s4] =	stream.indirect.scatter.add.f32 [tilespmem:s13], [sflag:$0x3], $0x1, s17, s21, $0xb8;
	[tilespmem:$0x1F290] =	vst v63  }
0x85: {  	s18 =	simm.s32 $0x2A00  }
0x86: {  	[spmem:s3] =	stream.indirect.scatter.add.f32 [tilespmem:s19], [sflag:$0x3], $0x20, s18, s21, $0xb8;
	[tilespmem:$0x1F290] =	vst v63  }
0x87: {  	_ = 	snop  }
0x88: {  	[spmem:s4] =	stream.indirect.scatter.add.f32 [tilespmem:s13], [sflag:$0x3], $0x1, s18, s21, $0xb8;
	[tilespmem:$0x1F290] =	vst v63  }
0x89: {  	s19 =	simm.s32 $0x2A80  }
0x8a: {  	[spmem:s3] =	stream.indirect.scatter.add.f32 [tilespmem:s22], [sflag:$0x3], $0x20, s19, s21, $0xb8;
	[tilespmem:$0x1F290] =	vst v63  }
0x8b: {  	_ = 	snop  }
0x8c: {  	[spmem:s4] =	stream.indirect.scatter.add.f32 [tilespmem:s13], [sflag:$0x3], $0x1, s19, s21, $0xb8;
	[tilespmem:$0x1F290] =	vst v63  }
0x8d: {  	s28 =	simm.s32 $0x2B00  }
0x8e: {  	[spmem:s3] =	stream.indirect.scatter.add.f32 [tilespmem:s23], [sflag:$0x3], $0x20, s28, s21, $0xb8;
	[tilespmem:$0x1F290] =	vst v63  }
0x8f: {  	_ = 	snop  }
0x90: {  	[spmem:s4] =	stream.indirect.scatter.add.f32 [tilespmem:s13], [sflag:$0x3], $0x1, s28, s21, $0xb8;
	[tilespmem:$0x1F290] =	vst v63  }
0x91: {  	s7 =	simm.s32 $0x2B80  }
0x92: {  	[spmem:s3] =	stream.indirect.scatter.add.f32 [tilespmem:s25], [sflag:$0x3], $0x20, s7, s21, $0xb8;
	[tilespmem:$0x1F290] =	vst v63  }
0x93: {  	_ = 	snop  }
0x94: {  	[spmem:s4] =	stream.indirect.scatter.add.f32 [tilespmem:s13], [sflag:$0x3], $0x1, s7, s21, $0xb8;
	[tilespmem:$0x1F290] =	vst v63  }
0x95: {  	_ =	swait.ge [sflag:s14], $0x1000  }
0x96: {  	[sflag:s14] =	ssyncset.done $0x0  }
0x97: {  	[sflag:s14] =	ssyncadd.s32 $0xFFFFF000  }
0x98: {  	_ =	swait.ge [sflag:s14], $0x1000  }
0x99: {  	[sflag:s14] =	ssyncset.done $0x0  }
0x9a: {  	[sflag:s14] =	ssyncadd.s32 $0xFFFFF000  }
0x9b: {  	_ =	swait.ge [sflag:s14], $0x1000  }
0x9c: {  	[sflag:s14] =	ssyncset.done $0x0  }
0x9d: {  	[sflag:s14] =	ssyncadd.s32 $0xFFFFF000  }
0x9e: {  	_ =	swait.ge [sflag:s14], $0x1000  }
0x9f: {  	[sflag:s14] =	ssyncset.done $0x0  }
0xa0: {  	[sflag:s14] =	ssyncadd.s32 $0xFFFFF000  }
0xa1: {  	_ =	swait.ge [sflag:s14], $0x1000  }
0xa2: {  	[sflag:s14] =	ssyncset.done $0x0  }
0xa3: {  	[sflag:s14] =	ssyncadd.s32 $0xFFFFF000  }
0xa4: {  	_ =	swait.ge [sflag:s14], $0x1000  }
0xa5: {  	[sflag:s14] =	ssyncset.done $0x0  }
0xa6: {  	[sflag:s14] =	ssyncadd.s32 $0xFFFFF000  }
0xa7: {  	_ =	swait.ge [sflag:s14], $0x1000  }
0xa8: {  	[sflag:s14] =	ssyncset.done $0x0  }
0xa9: {  	[sflag:s14] =	ssyncadd.s32 $0xFFFFF000  }
0xaa: {  	_ =	swait.ge [sflag:s14], $0x1000  }
0xab: {  	[sflag:s14] =	ssyncset.done $0x0  }
0xac: {  	[sflag:s14] =	ssyncadd.s32 $0xFFFFF000  }
0xad: {  	_ =	swait.ge [sflag:s15], $0x1000  }
0xae: {  	[sflag:s15] =	ssyncset.done $0x0  }
0xaf: {  	[sflag:s15] =	ssyncadd.s32 $0xFFFFF000  }
0xb0: {  	_ =	swait.ge [sflag:s15], $0x80  }
0xb1: {  	[sflag:s15] =	ssyncset.done $0x0  }
0xb2: {  	[sflag:s15] =	ssyncadd.s32 $0xFFFFFF80  }
0xb3: {  	_ =	swait.ge [sflag:s15], $0x1000  }
0xb4: {  	[sflag:s15] =	ssyncset.done $0x0  }
0xb5: {  	[sflag:s15] =	ssyncadd.s32 $0xFFFFF000  }
0xb6: {  	_ =	swait.ge [sflag:s15], $0x80  }
0xb7: {  	[sflag:s15] =	ssyncset.done $0x0  }
0xb8: {  	[sflag:s15] =	ssyncadd.s32 $0xFFFFFF80  }
0xb9: {  	_ =	swait.ge [sflag:s15], $0x1000  }
0xba: {  	[sflag:s15] =	ssyncset.done $0x0  }
0xbb: {  	[sflag:s15] =	ssyncadd.s32 $0xFFFFF000  }
0xbc: {  	_ =	swait.ge [sflag:s15], $0x80  }
0xbd: {  	[sflag:s15] =	ssyncset.done $0x0  }
0xbe: {  	[sflag:s15] =	ssyncadd.s32 $0xFFFFFF80  }
0xbf: {  	_ =	swait.ge [sflag:s15], $0x1000  }
0xc0: {  	[sflag:s15] =	ssyncset.done $0x0  }
0xc1: {  	[sflag:s15] =	ssyncadd.s32 $0xFFFFF000  }
0xc2: {  	_ =	swait.ge [sflag:s15], $0x80  }
0xc3: {  	[sflag:s15] =	ssyncset.done $0x0  }
0xc4: {  	[sflag:s15] =	ssyncadd.s32 $0xFFFFFF80  }
0xc5: {  	_ =	swait.ge [sflag:s15], $0x1000  }
0xc6: {  	[sflag:s15] =	ssyncset.done $0x0  }
0xc7: {  	[sflag:s15] =	ssyncadd.s32 $0xFFFFF000  }
0xc8: {  	_ =	swait.ge [sflag:s15], $0x80  }
0xc9: {  	[sflag:s15] =	ssyncset.done $0x0  }
0xca: {  	[sflag:s15] =	ssyncadd.s32 $0xFFFFFF80  }
0xcb: {  	_ =	swait.ge [sflag:s15], $0x1000  }
0xcc: {  	[sflag:s15] =	ssyncset.done $0x0  }
0xcd: {  	[sflag:s15] =	ssyncadd.s32 $0xFFFFF000  }
0xce: {  	_ =	swait.ge [sflag:s15], $0x80  }
0xcf: {  	[sflag:s15] =	ssyncset.done $0x0  }
0xd0: {  	[sflag:s15] =	ssyncadd.s32 $0xFFFFFF80  }
0xd1: {  	_ =	swait.ge [sflag:s15], $0x1000  }
0xd2: {  	[sflag:s15] =	ssyncset.done $0x0  }
0xd3: {  	[sflag:s15] =	ssyncadd.s32 $0xFFFFF000  }
0xd4: {  	_ =	swait.ge [sflag:s15], $0x80  }
0xd5: {  	[sflag:s15] =	ssyncset.done $0x0  }
0xd6: {  	[sflag:s15] =	ssyncadd.s32 $0xFFFFFF80  }
0xd7: {  	_ =	swait.ge [sflag:s15], $0x1000  }
0xd8: {  	[sflag:s15] =	ssyncset.done $0x0  }
0xd9: {  	[sflag:s15] =	ssyncadd.s32 $0xFFFFF000  }
0xda: {  	p0 =	por $0x0, $0x0;
	_ =	swait.ge [sflag:s15], $0x80  }
0xdb: {  	s5 =	simm.s32 @!p0 $0x5000;
	[sflag:s15] =	ssyncset.done $0x0  }
0xdc: {  	s18 =	simm.s32 @!p0 $0x80;
	s7 =	simm.s32 @!p0 $0x800;
	[sflag:s15] =	ssyncadd.s32 $0xFFFFFF80  }
0xdd: {  	[tilespmem:s5], [sflag:$0x1] =	stream.indirect.gather @!p0 [spmem:s2], $0x20, s7, s18, $0xb8;
	[tilespmem:$0x1F290] =	vst v63  }
0xde: {  	s5 =	simm.s32 @!p0 $0x880;
	s7 =	simm.s32 @!p0 $0x6000  }
0xdf: {  	[tilespmem:s7], [sflag:$0x1] =	stream.indirect.gather @!p0 [spmem:s2], $0x20, s5, s18, $0xb8;
	[tilespmem:$0x1F290] =	vst v63  }
0xe0: {  	s5 =	simm.s32 @!p0 $0x900;
	s7 =	simm.s32 @!p0 $0x7000  }
0xe1: {  	[tilespmem:s7], [sflag:$0x1] =	stream.indirect.gather @!p0 [spmem:s2], $0x20, s5, s18, $0xb8;
	[tilespmem:$0x1F290] =	vst v63  }
0xe2: {  	s5 =	simm.s32 @!p0 $0x980;
	s7 =	simm.s32 @!p0 $0x8000  }
0xe3: {  	[tilespmem:s7], [sflag:$0x1] =	stream.indirect.gather @!p0 [spmem:s2], $0x20, s5, s18, $0xb8;
	[tilespmem:$0x1F290] =	vst v63  }
0xe4: {  	s5 =	simm.s32 @!p0 $0xA00;
	s7 =	simm.s32 @!p0 $0x9000  }
0xe5: {  	[tilespmem:s7], [sflag:$0x1] =	stream.indirect.gather @!p0 [spmem:s2], $0x20, s5, s18, $0xb8;
	[tilespmem:$0x1F290] =	vst v63  }
0xe6: {  	s5 =	simm.s32 @!p0 $0xA80;
	s7 =	simm.s32 @!p0 $0xA000  }
0xe7: {  	[tilespmem:s7], [sflag:$0x1] =	stream.indirect.gather @!p0 [spmem:s2], $0x20, s5, s18, $0xb8;
	[tilespmem:$0x1F290] =	vst v63  }
0xe8: {  	s5 =	simm.s32 @!p0 $0xB00;
	s7 =	simm.s32 @!p0 $0xB000  }
0xe9: {  	[tilespmem:s7], [sflag:$0x1] =	stream.indirect.gather @!p0 [spmem:s2], $0x20, s5, s18, $0xb8;
	[tilespmem:$0x1F290] =	vst v63  }
0xea: {  	s5 =	simm.s32 @!p0 $0xB80;
	s7 =	simm.s32 @!p0 $0xC000  }
0xeb: {  	[tilespmem:s7], [sflag:$0x1] =	stream.indirect.gather @!p0 [spmem:s2], $0x20, s5, s18, $0xb8;
	[tilespmem:$0x1F290] =	vst v63  }
0xec: {  	s10 =	simm.s32 $0x2C00  }
0xed: {  	[spmem:s3] =	stream.indirect.scatter.add.f32 [tilespmem:s29], [sflag:$0x4], $0x20, s10, s21, $0xb8;
	[tilespmem:$0x1F290] =	vst v63  }
0xee: {  	_ = 	snop  }
0xef: {  	[spmem:s4] =	stream.indirect.scatter.add.f32 [tilespmem:s13], [sflag:$0x4], $0x1, s10, s21, $0xb8;
	[tilespmem:$0x1F290] =	vst v63  }
0xf0: {  	s17 =	simm.s32 $0x2C80  }
0xf1: {  	[spmem:s3] =	stream.indirect.scatter.add.f32 [tilespmem:s31], [sflag:$0x4], $0x20, s17, s21, $0xb8;
	[tilespmem:$0x1F290] =	vst v63  }
0xf2: {  	_ = 	snop  }
0xf3: {  	[spmem:s4] =	stream.indirect.scatter.add.f32 [tilespmem:s13], [sflag:$0x4], $0x1, s17, s21, $0xb8;
	[tilespmem:$0x1F290] =	vst v63  }
0xf4: {  	s18 =	simm.s32 $0x2D00  }
0xf5: {  	[spmem:s3] =	stream.indirect.scatter.add.f32 [tilespmem:s0], [sflag:$0x4], $0x20, s18, s21, $0xb8;
	[tilespmem:$0x1F290] =	vst v63  }
0xf6: {  	_ = 	snop  }
0xf7: {  	[spmem:s4] =	stream.indirect.scatter.add.f32 [tilespmem:s13], [sflag:$0x4], $0x1, s18, s21, $0xb8;
	[tilespmem:$0x1F290] =	vst v63  }
0xf8: {  	s19 =	simm.s32 $0x2D80  }
0xf9: {  	[spmem:s3] =	stream.indirect.scatter.add.f32 [tilespmem:s24], [sflag:$0x4], $0x20, s19, s21, $0xb8;
	[tilespmem:$0x1F290] =	vst v63  }
0xfa: {  	_ = 	snop  }
0xfb: {  	[spmem:s4] =	stream.indirect.scatter.add.f32 [tilespmem:s13], [sflag:$0x4], $0x1, s19, s21, $0xb8;
	[tilespmem:$0x1F290] =	vst v63  }
0xfc: {  	s22 =	simm.s32 $0x2E00  }
0xfd: {  	[spmem:s3] =	stream.indirect.scatter.add.f32 [tilespmem:s6], [sflag:$0x4], $0x20, s22, s21, $0xb8;
	[tilespmem:$0x1F290] =	vst v63  }
0xfe: {  	_ = 	snop  }
0xff: {  	[spmem:s4] =	stream.indirect.scatter.add.f32 [tilespmem:s13], [sflag:$0x4], $0x1, s22, s21, $0xb8;
	[tilespmem:$0x1F290] =	vst v63  }
0x100: {  	s23 =	simm.s32 $0x2E80  }
0x101: {  	[spmem:s3] =	stream.indirect.scatter.add.f32 [tilespmem:s8], [sflag:$0x4], $0x20, s23, s21, $0xb8;
	[tilespmem:$0x1F290] =	vst v63  }
0x102: {  	_ = 	snop  }
0x103: {  	[spmem:s4] =	stream.indirect.scatter.add.f32 [tilespmem:s13], [sflag:$0x4], $0x1, s23, s21, $0xb8;
	[tilespmem:$0x1F290] =	vst v63  }
0x104: {  	s25 =	simm.s32 $0x2F00  }
0x105: {  	[spmem:s3] =	stream.indirect.scatter.add.f32 [tilespmem:s9], [sflag:$0x4], $0x20, s25, s21, $0xb8;
	[tilespmem:$0x1F290] =	vst v63  }
0x106: {  	_ = 	snop  }
0x107: {  	[spmem:s4] =	stream.indirect.scatter.add.f32 [tilespmem:s13], [sflag:$0x4], $0x1, s25, s21, $0xb8;
	[tilespmem:$0x1F290] =	vst v63  }
0x108: {  	s28 =	simm.s32 $0x2F80  }
0x109: {  	[spmem:s3] =	stream.indirect.scatter.add.f32 [tilespmem:s11], [sflag:$0x4], $0x20, s28, s21, $0xb8;
	[tilespmem:$0x1F290] =	vst v63  }
0x10a: {  	_ = 	snop  }
0x10b: {  	[spmem:s4] =	stream.indirect.scatter.add.f32 [tilespmem:s13], [sflag:$0x4], $0x1, s28, s21, $0xb8;
	[tilespmem:$0x1F290] =	vst v63  }
0x10c: {  	_ =	swait.ge [sflag:s16], $0x1000  }
0x10d: {  	[sflag:s16] =	ssyncset.done $0x0  }
0x10e: {  	[sflag:s16] =	ssyncadd.s32 $0xFFFFF000  }
0x10f: {  	_ =	swait.ge [sflag:s16], $0x80  }
0x110: {  	[sflag:s16] =	ssyncset.done $0x0  }
0x111: {  	[sflag:s16] =	ssyncadd.s32 $0xFFFFFF80  }
0x112: {  	_ =	swait.ge [sflag:s16], $0x1000  }
0x113: {  	[sflag:s16] =	ssyncset.done $0x0  }
0x114: {  	[sflag:s16] =	ssyncadd.s32 $0xFFFFF000  }
0x115: {  	_ =	swait.ge [sflag:s16], $0x80  }
0x116: {  	[sflag:s16] =	ssyncset.done $0x0  }
0x117: {  	[sflag:s16] =	ssyncadd.s32 $0xFFFFFF80  }
0x118: {  	_ =	swait.ge [sflag:s16], $0x1000  }
0x119: {  	[sflag:s16] =	ssyncset.done $0x0  }
0x11a: {  	[sflag:s16] =	ssyncadd.s32 $0xFFFFF000  }
0x11b: {  	_ =	swait.ge [sflag:s16], $0x80  }
0x11c: {  	[sflag:s16] =	ssyncset.done $0x0  }
0x11d: {  	[sflag:s16] =	ssyncadd.s32 $0xFFFFFF80  }
0x11e: {  	_ =	swait.ge [sflag:s16], $0x1000  }
0x11f: {  	[sflag:s16] =	ssyncset.done $0x0  }
0x120: {  	[sflag:s16] =	ssyncadd.s32 $0xFFFFF000  }
0x121: {  	_ =	swait.ge [sflag:s16], $0x80  }
0x122: {  	[sflag:s16] =	ssyncset.done $0x0  }
0x123: {  	[sflag:s16] =	ssyncadd.s32 $0xFFFFFF80  }
0x124: {  	_ =	swait.ge [sflag:s16], $0x1000  }
0x125: {  	[sflag:s16] =	ssyncset.done $0x0  }
0x126: {  	[sflag:s16] =	ssyncadd.s32 $0xFFFFF000  }
0x127: {  	_ =	swait.ge [sflag:s16], $0x80  }
0x128: {  	[sflag:s16] =	ssyncset.done $0x0  }
0x129: {  	[sflag:s16] =	ssyncadd.s32 $0xFFFFFF80  }
0x12a: {  	_ =	swait.ge [sflag:s16], $0x1000  }
0x12b: {  	[sflag:s16] =	ssyncset.done $0x0  }
0x12c: {  	[sflag:s16] =	ssyncadd.s32 $0xFFFFF000  }
0x12d: {  	_ =	swait.ge [sflag:s16], $0x80  }
0x12e: {  	[sflag:s16] =	ssyncset.done $0x0  }
0x12f: {  	[sflag:s16] =	ssyncadd.s32 $0xFFFFFF80  }
0x130: {  	_ =	swait.ge [sflag:s16], $0x1000  }
0x131: {  	[sflag:s16] =	ssyncset.done $0x0  }
0x132: {  	[sflag:s16] =	ssyncadd.s32 $0xFFFFF000  }
0x133: {  	_ =	swait.ge [sflag:s16], $0x80  }
0x134: {  	[sflag:s16] =	ssyncset.done $0x0  }
0x135: {  	[sflag:s16] =	ssyncadd.s32 $0xFFFFFF80  }
0x136: {  	_ =	swait.ge [sflag:s16], $0x1000  }
0x137: {  	[sflag:s16] =	ssyncset.done $0x0  }
0x138: {  	[sflag:s16] =	ssyncadd.s32 $0xFFFFF000  }
0x139: {  	s1 =	simm.s32 $0x6000;
	s5 =	simm.s32 $0x4000;
	_ =	swait.ge [sflag:s16], $0x80  }
0x13a: {  	s18 =	simm.s32 $0x800;
	s19 =	simm.s32 $0x2000;
	[sflag:s16] =	ssyncset.done $0x0  }
.LBB2_2:
0x13b: {  	s10 =	sadd.s32 $0x400, s18  }
0x13c: {  	[sflag:s16] =	ssyncadd.s32 $0xFFFFFF80;
	s7 =	smov.u32 s5;
	s5 =	sadd.s32 $0x2000, s5  }
0x13d: {  	[tilespmem:s29], [sflag:$0x2] =	stream.indirect.gather [spmem:s2], $0x20, s10, s21, $0xb8;
	[tilespmem:$0x1F290] =	vst v63  }
0x13e: {  	p0 =	sne.s32 s5, $0xA000;
	s10 =	sadd.s32 $0x480, s18  }
0x13f: {  	[tilespmem:s31], [sflag:$0x2] =	stream.indirect.gather [spmem:s2], $0x20, s10, s21, $0xb8;
	[tilespmem:$0x1F290] =	vst v63  }
0x140: {  	s10 =	sadd.s32 $0x500, s18  }
0x141: {  	[tilespmem:s0], [sflag:$0x2] =	stream.indirect.gather [spmem:s2], $0x20, s10, s21, $0xb8;
	[tilespmem:$0x1F290] =	vst v63  }
0x142: {  	s10 =	sadd.s32 $0x580, s18  }
0x143: {  	[tilespmem:s24], [sflag:$0x2] =	stream.indirect.gather [spmem:s2], $0x20, s10, s21, $0xb8;
	[tilespmem:$0x1F290] =	vst v63  }
0x144: {  	s10 =	sadd.s32 $0x600, s18  }
0x145: {  	[tilespmem:s6], [sflag:$0x2] =	stream.indirect.gather [spmem:s2], $0x20, s10, s21, $0xb8;
	[tilespmem:$0x1F290] =	vst v63  }
0x146: {  	s10 =	sadd.s32 $0x680, s18  }
0x147: {  	[tilespmem:s8], [sflag:$0x2] =	stream.indirect.gather [spmem:s2], $0x20, s10, s21, $0xb8;
	[tilespmem:$0x1F290] =	vst v63  }
0x148: {  	s10 =	sadd.s32 $0x700, s18  }
0x149: {  	[tilespmem:s9], [sflag:$0x2] =	stream.indirect.gather [spmem:s2], $0x20, s10, s21, $0xb8;
	[tilespmem:$0x1F290] =	vst v63  }
0x14a: {  	s10 =	sadd.s32 $0x780, s18  }
0x14b: {  	[tilespmem:s11], [sflag:$0x2] =	stream.indirect.gather [spmem:s2], $0x20, s10, s21, $0xb8;
	[tilespmem:$0x1F290] =	vst v63  }
0x14c: {  	_ =	swait.ge [sflag:s12], $0x1000  }
0x14d: {  	[sflag:s12] =	ssyncset.done $0x0  }
0x14e: {  	[sflag:s12] =	ssyncadd.s32 $0xFFFFF000  }
0x14f: {  	_ =	swait.ge [sflag:s12], $0x1000  }
0x150: {  	[sflag:s12] =	ssyncset.done $0x0  }
0x151: {  	[sflag:s12] =	ssyncadd.s32 $0xFFFFF000  }
0x152: {  	_ =	swait.ge [sflag:s12], $0x1000  }
0x153: {  	[sflag:s12] =	ssyncset.done $0x0  }
0x154: {  	[sflag:s12] =	ssyncadd.s32 $0xFFFFF000  }
0x155: {  	_ =	swait.ge [sflag:s12], $0x1000  }
0x156: {  	[sflag:s12] =	ssyncset.done $0x0  }
0x157: {  	[sflag:s12] =	ssyncadd.s32 $0xFFFFF000  }
0x158: {  	_ =	swait.ge [sflag:s12], $0x1000  }
0x159: {  	[sflag:s12] =	ssyncset.done $0x0  }
0x15a: {  	[sflag:s12] =	ssyncadd.s32 $0xFFFFF000  }
0x15b: {  	_ =	swait.ge [sflag:s12], $0x1000  }
0x15c: {  	[sflag:s12] =	ssyncset.done $0x0  }
0x15d: {  	[sflag:s12] =	ssyncadd.s32 $0xFFFFF000  }
0x15e: {  	_ =	swait.ge [sflag:s12], $0x1000  }
0x15f: {  	[sflag:s12] =	ssyncset.done $0x0  }
0x160: {  	[sflag:s12] =	ssyncadd.s32 $0xFFFFF000  }
0x161: {  	_ =	swait.ge [sflag:s12], $0x1000  }
0x162: {  	[sflag:s12] =	ssyncset.done $0x0  }
0x163: {  	s10 =	sadd.s32 $0x2800, s18;
	[sflag:s12] =	ssyncadd.s32 $0xFFFFF000  }
0x164: {  	[spmem:s3] =	stream.indirect.scatter.add.f32 [tilespmem:s30], [sflag:$0x3], $0x20, s10, s21, $0xb8;
	[tilespmem:$0x1F290] =	vst v63  }
0x165: {  	_ = 	snop  }
0x166: {  	[spmem:s4] =	stream.indirect.scatter.add.f32 [tilespmem:s13], [sflag:$0x3], $0x1, s10, s21, $0xb8;
	[tilespmem:$0x1F290] =	vst v63  }
0x167: {  	s10 =	sadd.s32 $0x2880, s18  }
0x168: {  	[spmem:s3] =	stream.indirect.scatter.add.f32 [tilespmem:s1], [sflag:$0x3], $0x20, s10, s21, $0xb8;
	[tilespmem:$0x1F290] =	vst v63  }
0x169: {  	_ = 	snop  }
0x16a: {  	[spmem:s4] =	stream.indirect.scatter.add.f32 [tilespmem:s13], [sflag:$0x3], $0x1, s10, s21, $0xb8;
	[tilespmem:$0x1F290] =	vst v63  }
0x16b: {  	s10 =	sadd.s32 $0x2900, s18  }
0x16c: {  	[spmem:s3] =	stream.indirect.scatter.add.f32 [tilespmem:s20], [sflag:$0x3], $0x20, s10, s21, $0xb8;
	[tilespmem:$0x1F290] =	vst v63  }
0x16d: {  	_ = 	snop  }
0x16e: {  	[spmem:s4] =	stream.indirect.scatter.add.f32 [tilespmem:s13], [sflag:$0x3], $0x1, s10, s21, $0xb8;
	[tilespmem:$0x1F290] =	vst v63  }
0x16f: {  	s10 =	sadd.s32 $0x2980, s18  }
0x170: {  	[spmem:s3] =	stream.indirect.scatter.add.f32 [tilespmem:s26], [sflag:$0x3], $0x20, s10, s21, $0xb8;
	[tilespmem:$0x1F290] =	vst v63  }
0x171: {  	_ = 	snop  }
0x172: {  	[spmem:s4] =	stream.indirect.scatter.add.f32 [tilespmem:s13], [sflag:$0x3], $0x1, s10, s21, $0xb8;
	[tilespmem:$0x1F290] =	vst v63  }
0x173: {  	s17 =	simm.s32 $0x9000;
	s10 =	sadd.s32 $0x2A00, s18  }
0x174: {  	[spmem:s3] =	stream.indirect.scatter.add.f32 [tilespmem:s17], [sflag:$0x3], $0x20, s10, s21, $0xb8;
	[tilespmem:$0x1F290] =	vst v63  }
0x175: {  	_ = 	snop  }
0x176: {  	[spmem:s4] =	stream.indirect.scatter.add.f32 [tilespmem:s13], [sflag:$0x3], $0x1, s10, s21, $0xb8;
	[tilespmem:$0x1F290] =	vst v63  }
0x177: {  	s17 =	simm.s32 $0xA000;
	s10 =	sadd.s32 $0x2A80, s18  }
0x178: {  	[spmem:s3] =	stream.indirect.scatter.add.f32 [tilespmem:s17], [sflag:$0x3], $0x20, s10, s21, $0xb8;
	[tilespmem:$0x1F290] =	vst v63  }
0x179: {  	_ = 	snop  }
0x17a: {  	[spmem:s4] =	stream.indirect.scatter.add.f32 [tilespmem:s13], [sflag:$0x3], $0x1, s10, s21, $0xb8;
	[tilespmem:$0x1F290] =	vst v63  }
0x17b: {  	s17 =	simm.s32 $0xB000;
	s10 =	sadd.s32 $0x2B00, s18  }
0x17c: {  	[spmem:s3] =	stream.indirect.scatter.add.f32 [tilespmem:s17], [sflag:$0x3], $0x20, s10, s21, $0xb8;
	[tilespmem:$0x1F290] =	vst v63  }
0x17d: {  	_ = 	snop  }
0x17e: {  	[spmem:s4] =	stream.indirect.scatter.add.f32 [tilespmem:s13], [sflag:$0x3], $0x1, s10, s21, $0xb8;
	[tilespmem:$0x1F290] =	vst v63  }
0x17f: {  	s17 =	simm.s32 $0xC000;
	s10 =	sadd.s32 $0x2B80, s18  }
0x180: {  	[spmem:s3] =	stream.indirect.scatter.add.f32 [tilespmem:s17], [sflag:$0x3], $0x20, s10, s21, $0xb8;
	[tilespmem:$0x1F290] =	vst v63  }
0x181: {  	_ = 	snop  }
0x182: {  	[spmem:s4] =	stream.indirect.scatter.add.f32 [tilespmem:s13], [sflag:$0x3], $0x1, s10, s21, $0xb8;
	[tilespmem:$0x1F290] =	vst v63  }
0x183: {  	_ =	swait.ge [sflag:s14], $0x1000  }
0x184: {  	[sflag:s14] =	ssyncset.done $0x0  }
0x185: {  	[sflag:s14] =	ssyncadd.s32 $0xFFFFF000  }
0x186: {  	_ =	swait.ge [sflag:s14], $0x1000  }
0x187: {  	[sflag:s14] =	ssyncset.done $0x0  }
0x188: {  	[sflag:s14] =	ssyncadd.s32 $0xFFFFF000  }
0x189: {  	_ =	swait.ge [sflag:s14], $0x1000  }
0x18a: {  	[sflag:s14] =	ssyncset.done $0x0  }
0x18b: {  	[sflag:s14] =	ssyncadd.s32 $0xFFFFF000  }
0x18c: {  	_ =	swait.ge [sflag:s14], $0x1000  }
0x18d: {  	[sflag:s14] =	ssyncset.done $0x0  }
0x18e: {  	[sflag:s14] =	ssyncadd.s32 $0xFFFFF000  }
0x18f: {  	_ =	swait.ge [sflag:s14], $0x1000  }
0x190: {  	[sflag:s14] =	ssyncset.done $0x0  }
0x191: {  	[sflag:s14] =	ssyncadd.s32 $0xFFFFF000  }
0x192: {  	_ =	swait.ge [sflag:s14], $0x1000  }
0x193: {  	[sflag:s14] =	ssyncset.done $0x0  }
0x194: {  	[sflag:s14] =	ssyncadd.s32 $0xFFFFF000  }
0x195: {  	_ =	swait.ge [sflag:s14], $0x1000  }
0x196: {  	[sflag:s14] =	ssyncset.done $0x0  }
0x197: {  	[sflag:s14] =	ssyncadd.s32 $0xFFFFF000  }
0x198: {  	_ =	swait.ge [sflag:s14], $0x1000  }
0x199: {  	[sflag:s14] =	ssyncset.done $0x0  }
0x19a: {  	[sflag:s14] =	ssyncadd.s32 $0xFFFFF000  }
0x19b: {  	_ =	swait.ge [sflag:s15], $0x1000  }
0x19c: {  	[sflag:s15] =	ssyncset.done $0x0  }
0x19d: {  	[sflag:s15] =	ssyncadd.s32 $0xFFFFF000  }
0x19e: {  	_ =	swait.ge [sflag:s15], $0x80  }
0x19f: {  	[sflag:s15] =	ssyncset.done $0x0  }
0x1a0: {  	[sflag:s15] =	ssyncadd.s32 $0xFFFFFF80  }
0x1a1: {  	_ =	swait.ge [sflag:s15], $0x1000  }
0x1a2: {  	[sflag:s15] =	ssyncset.done $0x0  }
0x1a3: {  	[sflag:s15] =	ssyncadd.s32 $0xFFFFF000  }
0x1a4: {  	_ =	swait.ge [sflag:s15], $0x80  }
0x1a5: {  	[sflag:s15] =	ssyncset.done $0x0  }
0x1a6: {  	[sflag:s15] =	ssyncadd.s32 $0xFFFFFF80  }
0x1a7: {  	_ =	swait.ge [sflag:s15], $0x1000  }
0x1a8: {  	[sflag:s15] =	ssyncset.done $0x0  }
0x1a9: {  	[sflag:s15] =	ssyncadd.s32 $0xFFFFF000  }
0x1aa: {  	_ =	swait.ge [sflag:s15], $0x80  }
0x1ab: {  	[sflag:s15] =	ssyncset.done $0x0  }
0x1ac: {  	[sflag:s15] =	ssyncadd.s32 $0xFFFFFF80  }
0x1ad: {  	_ =	swait.ge [sflag:s15], $0x1000  }
0x1ae: {  	[sflag:s15] =	ssyncset.done $0x0  }
0x1af: {  	[sflag:s15] =	ssyncadd.s32 $0xFFFFF000  }
0x1b0: {  	_ =	swait.ge [sflag:s15], $0x80  }
0x1b1: {  	[sflag:s15] =	ssyncset.done $0x0  }
0x1b2: {  	[sflag:s15] =	ssyncadd.s32 $0xFFFFFF80  }
0x1b3: {  	_ =	swait.ge [sflag:s15], $0x1000  }
0x1b4: {  	[sflag:s15] =	ssyncset.done $0x0  }
0x1b5: {  	[sflag:s15] =	ssyncadd.s32 $0xFFFFF000  }
0x1b6: {  	_ =	swait.ge [sflag:s15], $0x80  }
0x1b7: {  	[sflag:s15] =	ssyncset.done $0x0  }
0x1b8: {  	[sflag:s15] =	ssyncadd.s32 $0xFFFFFF80  }
0x1b9: {  	_ =	swait.ge [sflag:s15], $0x1000  }
0x1ba: {  	[sflag:s15] =	ssyncset.done $0x0  }
0x1bb: {  	[sflag:s15] =	ssyncadd.s32 $0xFFFFF000  }
0x1bc: {  	_ =	swait.ge [sflag:s15], $0x80  }
0x1bd: {  	[sflag:s15] =	ssyncset.done $0x0  }
0x1be: {  	[sflag:s15] =	ssyncadd.s32 $0xFFFFFF80  }
0x1bf: {  	_ =	swait.ge [sflag:s15], $0x1000  }
0x1c0: {  	[sflag:s15] =	ssyncset.done $0x0  }
0x1c1: {  	[sflag:s15] =	ssyncadd.s32 $0xFFFFF000  }
0x1c2: {  	_ =	swait.ge [sflag:s15], $0x80  }
0x1c3: {  	[sflag:s15] =	ssyncset.done $0x0  }
0x1c4: {  	[sflag:s15] =	ssyncadd.s32 $0xFFFFFF80  }
0x1c5: {  	_ =	swait.ge [sflag:s15], $0x1000  }
0x1c6: {  	[sflag:s15] =	ssyncset.done $0x0  }
0x1c7: {  	[sflag:s15] =	ssyncadd.s32 $0xFFFFF000  }
0x1c8: {  	p1 =	seq.s32 s19, $0x8000;
	_ =	swait.ge [sflag:s15], $0x80  }
0x1c9: {  	s10 =	sshra.s32 @!p1 s19, $0x2;
	s19 =	simm.s32 @!p1 $0x5000;
	[sflag:s15] =	ssyncset.done $0x0  }
0x1ca: {  	s22 =	simm.s32 @!p1 $0x80;
	s17 =	sadd.s32 @!p1 $0x800, s10;
	[sflag:s15] =	ssyncadd.s32 $0xFFFFFF80  }
0x1cb: {  	[tilespmem:s19], [sflag:$0x1] =	stream.indirect.gather @!p1 [spmem:s2], $0x20, s17, s22, $0xb8;
	[tilespmem:$0x1F290] =	vst v63  }
0x1cc: {  	s23 =	sadd.s32 @!p1 $0x900, s10;
	s17 =	sadd.s32 @!p1 $0x880, s10;
	s19 =	simm.s32 @!p1 $0x6000  }
0x1cd: {  	[tilespmem:s19], [sflag:$0x1] =	stream.indirect.gather @!p1 [spmem:s2], $0x20, s17, s22, $0xb8;
	[tilespmem:$0x1F290] =	vst v63  }
0x1ce: {  	s25 =	sadd.s32 @!p1 $0xA00, s10;
	s17 =	simm.s32 @!p1 $0x7000;
	s19 =	sadd.s32 @!p1 $0x980, s10  }
0x1cf: {  	[tilespmem:s17], [sflag:$0x1] =	stream.indirect.gather @!p1 [spmem:s2], $0x20, s23, s22, $0xb8;
	[tilespmem:$0x1F290] =	vst v63  }
0x1d0: {  	s28 =	sadd.s32 @!p1 $0xB00, s10;
	s17 =	simm.s32 @!p1 $0x8000;
	s23 =	sadd.s32 @!p1 $0xA80, s10  }
0x1d1: {  	[tilespmem:s17], [sflag:$0x1] =	stream.indirect.gather @!p1 [spmem:s2], $0x20, s19, s22, $0xb8;
	[tilespmem:$0x1F290] =	vst v63  }
0x1d2: {  	s10 =	sadd.s32 @!p1 $0xB80, s10;
	s17 =	simm.s32 @!p1 $0x9000;
	s19 =	smov.u32 s7  }
0x1d3: {  	[tilespmem:s17], [sflag:$0x1] =	stream.indirect.gather @!p1 [spmem:s2], $0x20, s25, s22, $0xb8;
	[tilespmem:$0x1F290] =	vst v63  }
0x1d4: {  	s7 =	simm.s32 @!p1 $0xA000  }
0x1d5: {  	[tilespmem:s7], [sflag:$0x1] =	stream.indirect.gather @!p1 [spmem:s2], $0x20, s23, s22, $0xb8;
	[tilespmem:$0x1F290] =	vst v63  }
0x1d6: {  	s7 =	simm.s32 @!p1 $0xB000  }
0x1d7: {  	[tilespmem:s7], [sflag:$0x1] =	stream.indirect.gather @!p1 [spmem:s2], $0x20, s28, s22, $0xb8;
	[tilespmem:$0x1F290] =	vst v63  }
0x1d8: {  	s7 =	simm.s32 @!p1 $0xC000  }
0x1d9: {  	[tilespmem:s7], [sflag:$0x1] =	stream.indirect.gather @!p1 [spmem:s2], $0x20, s10, s22, $0xb8;
	[tilespmem:$0x1F290] =	vst v63  }
0x1da: {  	s7 =	sadd.s32 $0x2C00, s18  }
0x1db: {  	[spmem:s3] =	stream.indirect.scatter.add.f32 [tilespmem:s29], [sflag:$0x4], $0x20, s7, s21, $0xb8;
	[tilespmem:$0x1F290] =	vst v63  }
0x1dc: {  	_ = 	snop  }
0x1dd: {  	[spmem:s4] =	stream.indirect.scatter.add.f32 [tilespmem:s13], [sflag:$0x4], $0x1, s7, s21, $0xb8;
	[tilespmem:$0x1F290] =	vst v63  }
0x1de: {  	s7 =	sadd.s32 $0x2C80, s18  }
0x1df: {  	[spmem:s3] =	stream.indirect.scatter.add.f32 [tilespmem:s31], [sflag:$0x4], $0x20, s7, s21, $0xb8;
	[tilespmem:$0x1F290] =	vst v63  }
0x1e0: {  	_ = 	snop  }
0x1e1: {  	[spmem:s4] =	stream.indirect.scatter.add.f32 [tilespmem:s13], [sflag:$0x4], $0x1, s7, s21, $0xb8;
	[tilespmem:$0x1F290] =	vst v63  }
0x1e2: {  	s7 =	sadd.s32 $0x2D00, s18  }
0x1e3: {  	[spmem:s3] =	stream.indirect.scatter.add.f32 [tilespmem:s0], [sflag:$0x4], $0x20, s7, s21, $0xb8;
	[tilespmem:$0x1F290] =	vst v63  }
0x1e4: {  	_ = 	snop  }
0x1e5: {  	[spmem:s4] =	stream.indirect.scatter.add.f32 [tilespmem:s13], [sflag:$0x4], $0x1, s7, s21, $0xb8;
	[tilespmem:$0x1F290] =	vst v63  }
0x1e6: {  	s7 =	sadd.s32 $0x2D80, s18  }
0x1e7: {  	[spmem:s3] =	stream.indirect.scatter.add.f32 [tilespmem:s24], [sflag:$0x4], $0x20, s7, s21, $0xb8;
	[tilespmem:$0x1F290] =	vst v63  }
0x1e8: {  	_ = 	snop  }
0x1e9: {  	[spmem:s4] =	stream.indirect.scatter.add.f32 [tilespmem:s13], [sflag:$0x4], $0x1, s7, s21, $0xb8;
	[tilespmem:$0x1F290] =	vst v63  }
0x1ea: {  	s7 =	sadd.s32 $0x2E00, s18  }
0x1eb: {  	[spmem:s3] =	stream.indirect.scatter.add.f32 [tilespmem:s6], [sflag:$0x4], $0x20, s7, s21, $0xb8;
	[tilespmem:$0x1F290] =	vst v63  }
0x1ec: {  	_ = 	snop  }
0x1ed: {  	[spmem:s4] =	stream.indirect.scatter.add.f32 [tilespmem:s13], [sflag:$0x4], $0x1, s7, s21, $0xb8;
	[tilespmem:$0x1F290] =	vst v63  }
0x1ee: {  	s7 =	sadd.s32 $0x2E80, s18  }
0x1ef: {  	[spmem:s3] =	stream.indirect.scatter.add.f32 [tilespmem:s8], [sflag:$0x4], $0x20, s7, s21, $0xb8;
	[tilespmem:$0x1F290] =	vst v63  }
0x1f0: {  	_ = 	snop  }
0x1f1: {  	[spmem:s4] =	stream.indirect.scatter.add.f32 [tilespmem:s13], [sflag:$0x4], $0x1, s7, s21, $0xb8;
	[tilespmem:$0x1F290] =	vst v63  }
0x1f2: {  	s7 =	sadd.s32 $0x2F00, s18  }
0x1f3: {  	[spmem:s3] =	stream.indirect.scatter.add.f32 [tilespmem:s9], [sflag:$0x4], $0x20, s7, s21, $0xb8;
	[tilespmem:$0x1F290] =	vst v63  }
0x1f4: {  	_ = 	snop  }
0x1f5: {  	[spmem:s4] =	stream.indirect.scatter.add.f32 [tilespmem:s13], [sflag:$0x4], $0x1, s7, s21, $0xb8;
	[tilespmem:$0x1F290] =	vst v63  }
0x1f6: {  	s7 =	sadd.s32 $0x2F80, s18  }
0x1f7: {  	[spmem:s3] =	stream.indirect.scatter.add.f32 [tilespmem:s11], [sflag:$0x4], $0x20, s7, s21, $0xb8;
	[tilespmem:$0x1F290] =	vst v63  }
0x1f8: {  	_ = 	snop  }
0x1f9: {  	[spmem:s4] =	stream.indirect.scatter.add.f32 [tilespmem:s13], [sflag:$0x4], $0x1, s7, s21, $0xb8;
	[tilespmem:$0x1F290] =	vst v63  }
0x1fa: {  	_ =	swait.ge [sflag:s16], $0x1000  }
0x1fb: {  	[sflag:s16] =	ssyncset.done $0x0  }
0x1fc: {  	[sflag:s16] =	ssyncadd.s32 $0xFFFFF000  }
0x1fd: {  	_ =	swait.ge [sflag:s16], $0x80  }
0x1fe: {  	[sflag:s16] =	ssyncset.done $0x0  }
0x1ff: {  	[sflag:s16] =	ssyncadd.s32 $0xFFFFFF80  }
0x200: {  	_ =	swait.ge [sflag:s16], $0x1000  }
0x201: {  	[sflag:s16] =	ssyncset.done $0x0  }
0x202: {  	[sflag:s16] =	ssyncadd.s32 $0xFFFFF000  }
0x203: {  	_ =	swait.ge [sflag:s16], $0x80  }
0x204: {  	[sflag:s16] =	ssyncset.done $0x0  }
0x205: {  	[sflag:s16] =	ssyncadd.s32 $0xFFFFFF80  }
0x206: {  	_ =	swait.ge [sflag:s16], $0x1000  }
0x207: {  	[sflag:s16] =	ssyncset.done $0x0  }
0x208: {  	[sflag:s16] =	ssyncadd.s32 $0xFFFFF000  }
0x209: {  	_ =	swait.ge [sflag:s16], $0x80  }
0x20a: {  	[sflag:s16] =	ssyncset.done $0x0  }
0x20b: {  	[sflag:s16] =	ssyncadd.s32 $0xFFFFFF80  }
0x20c: {  	_ =	swait.ge [sflag:s16], $0x1000  }
0x20d: {  	[sflag:s16] =	ssyncset.done $0x0  }
0x20e: {  	[sflag:s16] =	ssyncadd.s32 $0xFFFFF000  }
0x20f: {  	_ =	swait.ge [sflag:s16], $0x80  }
0x210: {  	[sflag:s16] =	ssyncset.done $0x0  }
0x211: {  	[sflag:s16] =	ssyncadd.s32 $0xFFFFFF80  }
0x212: {  	_ =	swait.ge [sflag:s16], $0x1000  }
0x213: {  	[sflag:s16] =	ssyncset.done $0x0  }
0x214: {  	[sflag:s16] =	ssyncadd.s32 $0xFFFFF000  }
0x215: {  	_ =	swait.ge [sflag:s16], $0x80  }
0x216: {  	[sflag:s16] =	ssyncset.done $0x0  }
0x217: {  	[sflag:s16] =	ssyncadd.s32 $0xFFFFFF80  }
0x218: {  	_ =	swait.ge [sflag:s16], $0x1000  }
0x219: {  	[sflag:s16] =	ssyncset.done $0x0  }
0x21a: {  	[sflag:s16] =	ssyncadd.s32 $0xFFFFF000  }
0x21b: {  	_ =	swait.ge [sflag:s16], $0x80  }
0x21c: {  	[sflag:s16] =	ssyncset.done $0x0  }
0x21d: {  	[sflag:s16] =	ssyncadd.s32 $0xFFFFFF80  }
0x21e: {  	_ =	swait.ge [sflag:s16], $0x1000  }
0x21f: {  	[sflag:s16] =	ssyncset.done $0x0  }
0x220: {  	[sflag:s16] =	ssyncadd.s32 $0xFFFFF000  }
0x221: {  	_ =	swait.ge [sflag:s16], $0x80  }
0x222: {  	[sflag:s16] =	ssyncset.done $0x0  }
0x223: {  	[sflag:s16] =	ssyncadd.s32 $0xFFFFFF80  }
.Ltmp0:
0x224: {  	_ =	swait.ge [sflag:s16], $0x1000;
	(pc) =	sbr.rel @p0 .LBB2_2-.Ltmp0, $4  }
0x225: {  	[sflag:s16] =	ssyncset.done $0x0  }
0x226: {  	[sflag:s16] =	ssyncadd.s32 $0xFFFFF000  }
0x227: {  	_ =	swait.ge [sflag:s16], $0x80  }
0x228: {  	s18 =	sshra.s32 s19, $0x2;
	[sflag:s16] =	ssyncset.done $0x0  }
0x229: {  	s5 =	sadd.s32 $0x400, s18;
	[sflag:s16] =	ssyncadd.s32 $0xFFFFFF80  }
0x22a: {  	[tilespmem:s29], [sflag:$0x2] =	stream.indirect.gather [spmem:s2], $0x20, s5, s21, $0xb8;
	[tilespmem:$0x1F290] =	vst v63  }
0x22b: {  	s17 =	sadd.s32 $0x480, s18  }
0x22c: {  	[tilespmem:s31], [sflag:$0x2] =	stream.indirect.gather [spmem:s2], $0x20, s17, s21, $0xb8;
	[tilespmem:$0x1F290] =	vst v63  }
0x22d: {  	s22 =	sadd.s32 $0x500, s18  }
0x22e: {  	[tilespmem:s0], [sflag:$0x2] =	stream.indirect.gather [spmem:s2], $0x20, s22, s21, $0xb8;
	[tilespmem:$0x1F290] =	vst v63  }
0x22f: {  	s23 =	sadd.s32 $0x580, s18  }
0x230: {  	[tilespmem:s24], [sflag:$0x2] =	stream.indirect.gather [spmem:s2], $0x20, s23, s21, $0xb8;
	[tilespmem:$0x1F290] =	vst v63  }
0x231: {  	s25 =	sadd.s32 $0x600, s18  }
0x232: {  	[tilespmem:s6], [sflag:$0x2] =	stream.indirect.gather [spmem:s2], $0x20, s25, s21, $0xb8;
	[tilespmem:$0x1F290] =	vst v63  }
0x233: {  	s28 =	sadd.s32 $0x680, s18  }
0x234: {  	[tilespmem:s8], [sflag:$0x2] =	stream.indirect.gather [spmem:s2], $0x20, s28, s21, $0xb8;
	[tilespmem:$0x1F290] =	vst v63  }
0x235: {  	s7 =	sadd.s32 $0x700, s18  }
0x236: {  	[tilespmem:s9], [sflag:$0x2] =	stream.indirect.gather [spmem:s2], $0x20, s7, s21, $0xb8;
	[tilespmem:$0x1F290] =	vst v63  }
0x237: {  	s10 =	sadd.s32 $0x780, s18  }
0x238: {  	[tilespmem:s11], [sflag:$0x2] =	stream.indirect.gather [spmem:s2], $0x20, s10, s21, $0xb8;
	[tilespmem:$0x1F290] =	vst v63  }
0x239: {  	_ =	swait.ge [sflag:s12], $0x1000  }
0x23a: {  	[sflag:s12] =	ssyncset.done $0x0  }
0x23b: {  	[sflag:s12] =	ssyncadd.s32 $0xFFFFF000  }
0x23c: {  	_ =	swait.ge [sflag:s12], $0x1000  }
0x23d: {  	[sflag:s12] =	ssyncset.done $0x0  }
0x23e: {  	[sflag:s12] =	ssyncadd.s32 $0xFFFFF000  }
0x23f: {  	_ =	swait.ge [sflag:s12], $0x1000  }
0x240: {  	[sflag:s12] =	ssyncset.done $0x0  }
0x241: {  	[sflag:s12] =	ssyncadd.s32 $0xFFFFF000  }
0x242: {  	_ =	swait.ge [sflag:s12], $0x1000  }
0x243: {  	[sflag:s12] =	ssyncset.done $0x0  }
0x244: {  	[sflag:s12] =	ssyncadd.s32 $0xFFFFF000  }
0x245: {  	_ =	swait.ge [sflag:s12], $0x1000  }
0x246: {  	[sflag:s12] =	ssyncset.done $0x0  }
0x247: {  	[sflag:s12] =	ssyncadd.s32 $0xFFFFF000  }
0x248: {  	_ =	swait.ge [sflag:s12], $0x1000  }
0x249: {  	[sflag:s12] =	ssyncset.done $0x0  }
0x24a: {  	[sflag:s12] =	ssyncadd.s32 $0xFFFFF000  }
0x24b: {  	_ =	swait.ge [sflag:s12], $0x1000  }
0x24c: {  	[sflag:s12] =	ssyncset.done $0x0  }
0x24d: {  	[sflag:s12] =	ssyncadd.s32 $0xFFFFF000  }
0x24e: {  	_ =	swait.ge [sflag:s12], $0x1000  }
0x24f: {  	[sflag:s12] =	ssyncset.done $0x0  }
0x250: {  	s17 =	sadd.s32 $0x2800, s18;
	[sflag:s12] =	ssyncadd.s32 $0xFFFFF000  }
0x251: {  	[spmem:s3] =	stream.indirect.scatter.add.f32 [tilespmem:s30], [sflag:$0x3], $0x20, s17, s21, $0xb8;
	[tilespmem:$0x1F290] =	vst v63  }
0x252: {  	_ = 	snop  }
0x253: {  	[spmem:s4] =	stream.indirect.scatter.add.f32 [tilespmem:s13], [sflag:$0x3], $0x1, s17, s21, $0xb8;
	[tilespmem:$0x1F290] =	vst v63  }
0x254: {  	s22 =	sadd.s32 $0x2880, s18  }
0x255: {  	[spmem:s3] =	stream.indirect.scatter.add.f32 [tilespmem:s1], [sflag:$0x3], $0x20, s22, s21, $0xb8;
	[tilespmem:$0x1F290] =	vst v63  }
0x256: {  	_ = 	snop  }
0x257: {  	[spmem:s4] =	stream.indirect.scatter.add.f32 [tilespmem:s13], [sflag:$0x3], $0x1, s22, s21, $0xb8;
	[tilespmem:$0x1F290] =	vst v63  }
0x258: {  	s23 =	sadd.s32 $0x2900, s18  }
0x259: {  	[spmem:s3] =	stream.indirect.scatter.add.f32 [tilespmem:s20], [sflag:$0x3], $0x20, s23, s21, $0xb8;
	[tilespmem:$0x1F290] =	vst v63  }
0x25a: {  	_ = 	snop  }
0x25b: {  	[spmem:s4] =	stream.indirect.scatter.add.f32 [tilespmem:s13], [sflag:$0x3], $0x1, s23, s21, $0xb8;
	[tilespmem:$0x1F290] =	vst v63  }
0x25c: {  	s25 =	sadd.s32 $0x2980, s18  }
0x25d: {  	[spmem:s3] =	stream.indirect.scatter.add.f32 [tilespmem:s26], [sflag:$0x3], $0x20, s25, s21, $0xb8;
	[tilespmem:$0x1F290] =	vst v63  }
0x25e: {  	_ = 	snop  }
0x25f: {  	[spmem:s4] =	stream.indirect.scatter.add.f32 [tilespmem:s13], [sflag:$0x3], $0x1, s25, s21, $0xb8;
	[tilespmem:$0x1F290] =	vst v63  }
0x260: {  	s28 =	sadd.s32 $0x2A00, s18;
	s7 =	simm.s32 $0x9000  }
0x261: {  	[spmem:s3] =	stream.indirect.scatter.add.f32 [tilespmem:s7], [sflag:$0x3], $0x20, s28, s21, $0xb8;
	[tilespmem:$0x1F290] =	vst v63  }
0x262: {  	_ = 	snop  }
0x263: {  	[spmem:s4] =	stream.indirect.scatter.add.f32 [tilespmem:s13], [sflag:$0x3], $0x1, s28, s21, $0xb8;
	[tilespmem:$0x1F290] =	vst v63  }
0x264: {  	s10 =	sadd.s32 $0x2A80, s18;
	s17 =	simm.s32 $0xA000  }
0x265: {  	[spmem:s3] =	stream.indirect.scatter.add.f32 [tilespmem:s17], [sflag:$0x3], $0x20, s10, s21, $0xb8;
	[tilespmem:$0x1F290] =	vst v63  }
0x266: {  	_ = 	snop  }
0x267: {  	[spmem:s4] =	stream.indirect.scatter.add.f32 [tilespmem:s13], [sflag:$0x3], $0x1, s10, s21, $0xb8;
	[tilespmem:$0x1F290] =	vst v63  }
0x268: {  	s22 =	sadd.s32 $0x2B00, s18;
	s23 =	simm.s32 $0xB000  }
0x269: {  	[spmem:s3] =	stream.indirect.scatter.add.f32 [tilespmem:s23], [sflag:$0x3], $0x20, s22, s21, $0xb8;
	[tilespmem:$0x1F290] =	vst v63  }
0x26a: {  	_ = 	snop  }
0x26b: {  	[spmem:s4] =	stream.indirect.scatter.add.f32 [tilespmem:s13], [sflag:$0x3], $0x1, s22, s21, $0xb8;
	[tilespmem:$0x1F290] =	vst v63  }
0x26c: {  	s25 =	sadd.s32 $0x2B80, s18;
	s28 =	simm.s32 $0xC000  }
0x26d: {  	[spmem:s3] =	stream.indirect.scatter.add.f32 [tilespmem:s28], [sflag:$0x3], $0x20, s25, s21, $0xb8;
	[tilespmem:$0x1F290] =	vst v63  }
0x26e: {  	_ = 	snop  }
0x26f: {  	[spmem:s4] =	stream.indirect.scatter.add.f32 [tilespmem:s13], [sflag:$0x3], $0x1, s25, s21, $0xb8;
	[tilespmem:$0x1F290] =	vst v63  }
0x270: {  	_ =	swait.ge [sflag:s14], $0x1000  }
0x271: {  	[sflag:s14] =	ssyncset.done $0x0  }
0x272: {  	[sflag:s14] =	ssyncadd.s32 $0xFFFFF000  }
0x273: {  	_ =	swait.ge [sflag:s14], $0x1000  }
0x274: {  	[sflag:s14] =	ssyncset.done $0x0  }
0x275: {  	[sflag:s14] =	ssyncadd.s32 $0xFFFFF000  }
0x276: {  	_ =	swait.ge [sflag:s14], $0x1000  }
0x277: {  	[sflag:s14] =	ssyncset.done $0x0  }
0x278: {  	[sflag:s14] =	ssyncadd.s32 $0xFFFFF000  }
0x279: {  	_ =	swait.ge [sflag:s14], $0x1000  }
0x27a: {  	[sflag:s14] =	ssyncset.done $0x0  }
0x27b: {  	[sflag:s14] =	ssyncadd.s32 $0xFFFFF000  }
0x27c: {  	_ =	swait.ge [sflag:s14], $0x1000  }
0x27d: {  	[sflag:s14] =	ssyncset.done $0x0  }
0x27e: {  	[sflag:s14] =	ssyncadd.s32 $0xFFFFF000  }
0x27f: {  	_ =	swait.ge [sflag:s14], $0x1000  }
0x280: {  	[sflag:s14] =	ssyncset.done $0x0  }
0x281: {  	[sflag:s14] =	ssyncadd.s32 $0xFFFFF000  }
0x282: {  	_ =	swait.ge [sflag:s14], $0x1000  }
0x283: {  	[sflag:s14] =	ssyncset.done $0x0  }
0x284: {  	[sflag:s14] =	ssyncadd.s32 $0xFFFFF000  }
0x285: {  	_ =	swait.ge [sflag:s14], $0x1000  }
0x286: {  	[sflag:s14] =	ssyncset.done $0x0  }
0x287: {  	[sflag:s14] =	ssyncadd.s32 $0xFFFFF000  }
0x288: {  	_ =	swait.ge [sflag:s15], $0x1000  }
0x289: {  	[sflag:s15] =	ssyncset.done $0x0  }
0x28a: {  	[sflag:s15] =	ssyncadd.s32 $0xFFFFF000  }
0x28b: {  	_ =	swait.ge [sflag:s15], $0x80  }
0x28c: {  	[sflag:s15] =	ssyncset.done $0x0  }
0x28d: {  	[sflag:s15] =	ssyncadd.s32 $0xFFFFFF80  }
0x28e: {  	_ =	swait.ge [sflag:s15], $0x1000  }
0x28f: {  	[sflag:s15] =	ssyncset.done $0x0  }
0x290: {  	[sflag:s15] =	ssyncadd.s32 $0xFFFFF000  }
0x291: {  	_ =	swait.ge [sflag:s15], $0x80  }
0x292: {  	[sflag:s15] =	ssyncset.done $0x0  }
0x293: {  	[sflag:s15] =	ssyncadd.s32 $0xFFFFFF80  }
0x294: {  	_ =	swait.ge [sflag:s15], $0x1000  }
0x295: {  	[sflag:s15] =	ssyncset.done $0x0  }
0x296: {  	[sflag:s15] =	ssyncadd.s32 $0xFFFFF000  }
0x297: {  	_ =	swait.ge [sflag:s15], $0x80  }
0x298: {  	[sflag:s15] =	ssyncset.done $0x0  }
0x299: {  	[sflag:s15] =	ssyncadd.s32 $0xFFFFFF80  }
0x29a: {  	_ =	swait.ge [sflag:s15], $0x1000  }
0x29b: {  	[sflag:s15] =	ssyncset.done $0x0  }
0x29c: {  	[sflag:s15] =	ssyncadd.s32 $0xFFFFF000  }
0x29d: {  	_ =	swait.ge [sflag:s15], $0x80  }
0x29e: {  	[sflag:s15] =	ssyncset.done $0x0  }
0x29f: {  	[sflag:s15] =	ssyncadd.s32 $0xFFFFFF80  }
0x2a0: {  	_ =	swait.ge [sflag:s15], $0x1000  }
0x2a1: {  	[sflag:s15] =	ssyncset.done $0x0  }
0x2a2: {  	[sflag:s15] =	ssyncadd.s32 $0xFFFFF000  }
0x2a3: {  	_ =	swait.ge [sflag:s15], $0x80  }
0x2a4: {  	[sflag:s15] =	ssyncset.done $0x0  }
0x2a5: {  	[sflag:s15] =	ssyncadd.s32 $0xFFFFFF80  }
0x2a6: {  	_ =	swait.ge [sflag:s15], $0x1000  }
0x2a7: {  	[sflag:s15] =	ssyncset.done $0x0  }
0x2a8: {  	[sflag:s15] =	ssyncadd.s32 $0xFFFFF000  }
0x2a9: {  	_ =	swait.ge [sflag:s15], $0x80  }
0x2aa: {  	[sflag:s15] =	ssyncset.done $0x0  }
0x2ab: {  	[sflag:s15] =	ssyncadd.s32 $0xFFFFFF80  }
0x2ac: {  	_ =	swait.ge [sflag:s15], $0x1000  }
0x2ad: {  	[sflag:s15] =	ssyncset.done $0x0  }
0x2ae: {  	[sflag:s15] =	ssyncadd.s32 $0xFFFFF000  }
0x2af: {  	_ =	swait.ge [sflag:s15], $0x80  }
0x2b0: {  	[sflag:s15] =	ssyncset.done $0x0  }
0x2b1: {  	[sflag:s15] =	ssyncadd.s32 $0xFFFFFF80  }
0x2b2: {  	_ =	swait.ge [sflag:s15], $0x1000  }
0x2b3: {  	[sflag:s15] =	ssyncset.done $0x0  }
0x2b4: {  	[sflag:s15] =	ssyncadd.s32 $0xFFFFF000  }
0x2b5: {  	p0 =	seq.s32 s19, $0x8000;
	_ =	swait.ge [sflag:s15], $0x80  }
0x2b6: {  	s5 =	sshra.s32 @!p0 s19, $0x2;
	s7 =	simm.s32 @!p0 $0x5000;
	[sflag:s15] =	ssyncset.done $0x0  }
0x2b7: {  	s17 =	simm.s32 @!p0 $0x80;
	s10 =	sadd.s32 @!p0 $0x800, s5;
	[sflag:s15] =	ssyncadd.s32 $0xFFFFFF80  }
0x2b8: {  	[tilespmem:s7], [sflag:$0x1] =	stream.indirect.gather @!p0 [spmem:s2], $0x20, s10, s17, $0xb8;
	[tilespmem:$0x1F290] =	vst v63  }
0x2b9: {  	s7 =	sadd.s32 @!p0 $0x880, s5;
	s10 =	simm.s32 @!p0 $0x6000  }
0x2ba: {  	[tilespmem:s10], [sflag:$0x1] =	stream.indirect.gather @!p0 [spmem:s2], $0x20, s7, s17, $0xb8;
	[tilespmem:$0x1F290] =	vst v63  }
0x2bb: {  	s7 =	sadd.s32 @!p0 $0x900, s5;
	s10 =	simm.s32 @!p0 $0x7000  }
0x2bc: {  	[tilespmem:s10], [sflag:$0x1] =	stream.indirect.gather @!p0 [spmem:s2], $0x20, s7, s17, $0xb8;
	[tilespmem:$0x1F290] =	vst v63  }
0x2bd: {  	s7 =	sadd.s32 @!p0 $0x980, s5;
	s10 =	simm.s32 @!p0 $0x8000  }
0x2be: {  	[tilespmem:s10], [sflag:$0x1] =	stream.indirect.gather @!p0 [spmem:s2], $0x20, s7, s17, $0xb8;
	[tilespmem:$0x1F290] =	vst v63  }
0x2bf: {  	s7 =	sadd.s32 @!p0 $0xA00, s5;
	s10 =	simm.s32 @!p0 $0x9000  }
0x2c0: {  	[tilespmem:s10], [sflag:$0x1] =	stream.indirect.gather @!p0 [spmem:s2], $0x20, s7, s17, $0xb8;
	[tilespmem:$0x1F290] =	vst v63  }
0x2c1: {  	s7 =	sadd.s32 @!p0 $0xA80, s5;
	s10 =	simm.s32 @!p0 $0xA000  }
0x2c2: {  	[tilespmem:s10], [sflag:$0x1] =	stream.indirect.gather @!p0 [spmem:s2], $0x20, s7, s17, $0xb8;
	[tilespmem:$0x1F290] =	vst v63  }
0x2c3: {  	s7 =	sadd.s32 @!p0 $0xB00, s5;
	s10 =	simm.s32 @!p0 $0xB000  }
0x2c4: {  	[tilespmem:s10], [sflag:$0x1] =	stream.indirect.gather @!p0 [spmem:s2], $0x20, s7, s17, $0xb8;
	[tilespmem:$0x1F290] =	vst v63  }
0x2c5: {  	s5 =	sadd.s32 @!p0 $0xB80, s5;
	s7 =	simm.s32 @!p0 $0xC000  }
0x2c6: {  	[tilespmem:s7], [sflag:$0x1] =	stream.indirect.gather @!p0 [spmem:s2], $0x20, s5, s17, $0xb8;
	[tilespmem:$0x1F290] =	vst v63  }
0x2c7: {  	s7 =	sadd.s32 $0x2C00, s18  }
0x2c8: {  	[spmem:s3] =	stream.indirect.scatter.add.f32 [tilespmem:s29], [sflag:$0x4], $0x20, s7, s21, $0xb8;
	[tilespmem:$0x1F290] =	vst v63  }
0x2c9: {  	_ = 	snop  }
0x2ca: {  	[spmem:s4] =	stream.indirect.scatter.add.f32 [tilespmem:s13], [sflag:$0x4], $0x1, s7, s21, $0xb8;
	[tilespmem:$0x1F290] =	vst v63  }
0x2cb: {  	s10 =	sadd.s32 $0x2C80, s18  }
0x2cc: {  	[spmem:s3] =	stream.indirect.scatter.add.f32 [tilespmem:s31], [sflag:$0x4], $0x20, s10, s21, $0xb8;
	[tilespmem:$0x1F290] =	vst v63  }
0x2cd: {  	_ = 	snop  }
0x2ce: {  	[spmem:s4] =	stream.indirect.scatter.add.f32 [tilespmem:s13], [sflag:$0x4], $0x1, s10, s21, $0xb8;
	[tilespmem:$0x1F290] =	vst v63  }
0x2cf: {  	s17 =	sadd.s32 $0x2D00, s18  }
0x2d0: {  	[spmem:s3] =	stream.indirect.scatter.add.f32 [tilespmem:s0], [sflag:$0x4], $0x20, s17, s21, $0xb8;
	[tilespmem:$0x1F290] =	vst v63  }
0x2d1: {  	_ = 	snop  }
0x2d2: {  	[spmem:s4] =	stream.indirect.scatter.add.f32 [tilespmem:s13], [sflag:$0x4], $0x1, s17, s21, $0xb8;
	[tilespmem:$0x1F290] =	vst v63  }
0x2d3: {  	s19 =	sadd.s32 $0x2D80, s18  }
0x2d4: {  	[spmem:s3] =	stream.indirect.scatter.add.f32 [tilespmem:s24], [sflag:$0x4], $0x20, s19, s21, $0xb8;
	[tilespmem:$0x1F290] =	vst v63  }
0x2d5: {  	_ = 	snop  }
0x2d6: {  	[spmem:s4] =	stream.indirect.scatter.add.f32 [tilespmem:s13], [sflag:$0x4], $0x1, s19, s21, $0xb8;
	[tilespmem:$0x1F290] =	vst v63  }
0x2d7: {  	s22 =	sadd.s32 $0x2E00, s18  }
0x2d8: {  	[spmem:s3] =	stream.indirect.scatter.add.f32 [tilespmem:s6], [sflag:$0x4], $0x20, s22, s21, $0xb8;
	[tilespmem:$0x1F290] =	vst v63  }
0x2d9: {  	_ = 	snop  }
0x2da: {  	[spmem:s4] =	stream.indirect.scatter.add.f32 [tilespmem:s13], [sflag:$0x4], $0x1, s22, s21, $0xb8;
	[tilespmem:$0x1F290] =	vst v63  }
0x2db: {  	s23 =	sadd.s32 $0x2E80, s18  }
0x2dc: {  	[spmem:s3] =	stream.indirect.scatter.add.f32 [tilespmem:s8], [sflag:$0x4], $0x20, s23, s21, $0xb8;
	[tilespmem:$0x1F290] =	vst v63  }
0x2dd: {  	_ = 	snop  }
0x2de: {  	[spmem:s4] =	stream.indirect.scatter.add.f32 [tilespmem:s13], [sflag:$0x4], $0x1, s23, s21, $0xb8;
	[tilespmem:$0x1F290] =	vst v63  }
0x2df: {  	s25 =	sadd.s32 $0x2F00, s18  }
0x2e0: {  	[spmem:s3] =	stream.indirect.scatter.add.f32 [tilespmem:s9], [sflag:$0x4], $0x20, s25, s21, $0xb8;
	[tilespmem:$0x1F290] =	vst v63  }
0x2e1: {  	_ = 	snop  }
0x2e2: {  	[spmem:s4] =	stream.indirect.scatter.add.f32 [tilespmem:s13], [sflag:$0x4], $0x1, s25, s21, $0xb8;
	[tilespmem:$0x1F290] =	vst v63  }
0x2e3: {  	s28 =	sadd.s32 $0x2F80, s18  }
0x2e4: {  	[spmem:s3] =	stream.indirect.scatter.add.f32 [tilespmem:s11], [sflag:$0x4], $0x20, s28, s21, $0xb8;
	[tilespmem:$0x1F290] =	vst v63  }
0x2e5: {  	_ = 	snop  }
0x2e6: {  	[spmem:s4] =	stream.indirect.scatter.add.f32 [tilespmem:s13], [sflag:$0x4], $0x1, s28, s21, $0xb8;
	[tilespmem:$0x1F290] =	vst v63  }
0x2e7: {  	_ =	swait.ge [sflag:s16], $0x1000  }
0x2e8: {  	[sflag:s16] =	ssyncset.done $0x0  }
0x2e9: {  	[sflag:s16] =	ssyncadd.s32 $0xFFFFF000  }
0x2ea: {  	_ =	swait.ge [sflag:s16], $0x80  }
0x2eb: {  	[sflag:s16] =	ssyncset.done $0x0  }
0x2ec: {  	[sflag:s16] =	ssyncadd.s32 $0xFFFFFF80  }
0x2ed: {  	_ =	swait.ge [sflag:s16], $0x1000  }
0x2ee: {  	[sflag:s16] =	ssyncset.done $0x0  }
0x2ef: {  	[sflag:s16] =	ssyncadd.s32 $0xFFFFF000  }
0x2f0: {  	_ =	swait.ge [sflag:s16], $0x80  }
0x2f1: {  	[sflag:s16] =	ssyncset.done $0x0  }
0x2f2: {  	[sflag:s16] =	ssyncadd.s32 $0xFFFFFF80  }
0x2f3: {  	_ =	swait.ge [sflag:s16], $0x1000  }
0x2f4: {  	[sflag:s16] =	ssyncset.done $0x0  }
0x2f5: {  	[sflag:s16] =	ssyncadd.s32 $0xFFFFF000  }
0x2f6: {  	_ =	swait.ge [sflag:s16], $0x80  }
0x2f7: {  	[sflag:s16] =	ssyncset.done $0x0  }
0x2f8: {  	[sflag:s16] =	ssyncadd.s32 $0xFFFFFF80  }
0x2f9: {  	_ =	swait.ge [sflag:s16], $0x1000  }
0x2fa: {  	[sflag:s16] =	ssyncset.done $0x0  }
0x2fb: {  	[sflag:s16] =	ssyncadd.s32 $0xFFFFF000  }
0x2fc: {  	_ =	swait.ge [sflag:s16], $0x80  }
0x2fd: {  	[sflag:s16] =	ssyncset.done $0x0  }
0x2fe: {  	[sflag:s16] =	ssyncadd.s32 $0xFFFFFF80  }
0x2ff: {  	_ =	swait.ge [sflag:s16], $0x1000  }
0x300: {  	[sflag:s16] =	ssyncset.done $0x0  }
0x301: {  	[sflag:s16] =	ssyncadd.s32 $0xFFFFF000  }
0x302: {  	_ =	swait.ge [sflag:s16], $0x80  }
0x303: {  	[sflag:s16] =	ssyncset.done $0x0  }
0x304: {  	[sflag:s16] =	ssyncadd.s32 $0xFFFFFF80  }
0x305: {  	_ =	swait.ge [sflag:s16], $0x1000  }
0x306: {  	[sflag:s16] =	ssyncset.done $0x0  }
0x307: {  	[sflag:s16] =	ssyncadd.s32 $0xFFFFF000  }
0x308: {  	_ =	swait.ge [sflag:s16], $0x80  }
0x309: {  	[sflag:s16] =	ssyncset.done $0x0  }
0x30a: {  	[sflag:s16] =	ssyncadd.s32 $0xFFFFFF80  }
0x30b: {  	_ =	swait.ge [sflag:s16], $0x1000  }
0x30c: {  	[sflag:s16] =	ssyncset.done $0x0  }
0x30d: {  	[sflag:s16] =	ssyncadd.s32 $0xFFFFF000  }
0x30e: {  	_ =	swait.ge [sflag:s16], $0x80  }
0x30f: {  	[sflag:s16] =	ssyncset.done $0x0  }
0x310: {  	[sflag:s16] =	ssyncadd.s32 $0xFFFFFF80  }
0x311: {  	_ =	swait.ge [sflag:s16], $0x1000  }
0x312: {  	[sflag:s16] =	ssyncset.done $0x0  }
0x313: {  	[sflag:s16] =	ssyncadd.s32 $0xFFFFF000  }
0x314: {  	_ =	swait.ge [sflag:s16], $0x80  }
0x315: {  	[sflag:s16] =	ssyncset.done $0x0  }
0x316: {  	[sflag:s16] =	ssyncadd.s32 $0xFFFFFF80  }
0x317: {  	[bflag:$0x0] =	sbarrier.arrive $0xFFFF  }
0x318: {  	s18 =	rddreg [dreg:$0x7]  }
0x319: {  	s1 =	rddreg [dreg:$0xd]  }
0x31a: {  	s10 =	simm.s32 $0x5;
	s22 =	rddreg [dreg:$0x11]  }
0x31b: {  	[hbm:s1], [sflag:s18] =	dma.local [spmem:s22], $0x9E0  }
0x31c: {  	_ =	swait.ge [sflag:s10], $0x9E0  }
0x31d: {  	[sflag:s10] =	ssyncset.done $0x0  }
0x31e: {  	s23 =	simm.s32 $0x15080;
	s19 =	rddreg [dreg:$0xa];
	[sflag:s10] =	ssyncadd.s32 $0xFFFFF620  }
0x31f: {  	[tilespmem:s23], [sflag:$0x5] =	stream.linear.gather [spmem:s19], $0x278, $0x38;
	[tilespmem:$0x1F290] =	vst v63  }
0x320: {  	_ =	swait.ge [sflag:s10], $0x278  }
0x321: {  	[sflag:s10] =	ssyncset.done $0x0  }
0x322: {  	s17 =	simm.s32 $0x0;
	s7 =	rddreg [dreg:$0xe];
	[sflag:s10] =	ssyncadd.s32 $0xFFFFFD88  }
0x323: {  	[hbm4b:s7+s17] =	stream.linear.scatter [tilespmem:s23], [sflag:$0x5], $0x278, $0x38;
	[tilespmem:$0x1F290] =	vst v63  }
0x324: {  	_ =	swait.ge [sflag:s10], $0x278  }
0x325: {  	s25 =	rddreg [dreg:$0x12]  }
0x326: {  	s28 =	rddreg [dreg:$0xf];
	s1 =	sadd.s32 $0x1, s25  }
0x327: {  	p0 =	sne.s32 s1, s28  }
.Ltmp1:
0x328: {  	_ = 	snop;
	(pc) =	sbr.rel @p0 .LBB2_1-.Ltmp1, $3  }
0x329: {  	_ =	sdelay $0x1  }
0x32a: {  	[sflag:s10] =	ssyncset.done $0x0  }
0x32b: {  	[sflag:s10] =	ssyncadd.s32 $0xFFFFFD88  }
0x32c: {  	_ =	sfence.sel $0x180000  }
0x32d: {  	[bflag:$0x0] =	sbarrier.arrive $0xFFFF  }
0x32e: {  	_ =	strace $0x90000047  }
0x32f: {  	s0 =	stileid.u32;
	[bflag:$0x2] =	sbarrier.arrive $0xFFFF  }
0x330: {  	p0 =	sne.s32 s0, $0x0;
	s0 =	rddreg [dreg:$0x5]  }
0x331: {  	s0 =	sadd.s32 @!p0 $0x100000, s0  }
0x332: {  	[sflag:s0] =	ssyncadd.tile.s32 @!p0 $0x1;
	_ =	shalt  }
.Lfunc_end2:
_tile_overlayer_lowered:
.L_overlay_start_2:
0x333: {  	(tag) =	ssettag $0x2  }
0x334: {  	s0 =	rddreg [dreg:$0x0];
	s2 =	stileid.u32  }
0x335: {  	s1 =	rddreg [dreg:$0x1];
	p0 =	sne.s32 s2, $0x0  }
0x336: {  	s3 =	rddreg [dreg:$0x2];
	[bflag:$0x3] =	sbarrier.arrive $0xFFFF;
	s2 =	simm.s32 @!p0 $0x1C05  }
0x337: {  	[timem:s3], [sflag:s2] =	dma.local @!p0 [hbm:s0], s1  }
0x338: {  	s0 =	simm.s32 @!p0 $0x5  }
0x339: {  	_ =	swait.ge @!p0 [sflag:s0], s1  }
0x33a: {  	s1 =	ssub.s32 @!p0 $0x0, s1;
	[sflag:s0] =	ssyncset.done @!p0 $0x0  }
0x33b: {  	[sflag:s0] =	ssyncadd.s32 @!p0 s1  }
0x33c: {  	[bflag:$0x3] =	sbarrier.arrive $0xFFFF  }
0x33d: {  	_ =	shalt  }

</sc_bundles>
